<compile_context>
chip_gen: v7x
topology: tpu7x:2x2x1
jax: 0.10.2.dev20260603
libtpu: 0.0.44.dev20260713+nightly
codegen_flags: <defaults>
</compile_context>

<pallas_src>
import functools

import jax
import jax.numpy as jnp
from jax import lax
from jax.experimental import pallas as pl
from jax.experimental.pallas import tpu as pltpu
from jax.experimental.pallas import tpu_sc as plsc

N = 10000
NP = 10240
D = 128
E = 320000
NC, NS = 2, 16
NW = NC * NS
CHUNK = 128
CPT = 80
E_PAD = NW * CPT * CHUNK
RPT = NP // NS

_vmesh = plsc.VectorSubcoreMesh(core_axis_name="c", subcore_axis_name="s")



@functools.partial(
    pl.kernel,
    out_type=jax.ShapeDtypeStruct((NC, NP, D), jnp.float32),
    mesh=_vmesh,
    scratch_types=[
        pltpu.VMEM((CPT, CHUNK), jnp.int32),
        pltpu.VMEM((CHUNK, D), jnp.float32),
        pltpu.VMEM_SHARED((NP, D), jnp.float32),
        pltpu.SemaphoreType.DMA,
    ],
)
def _deg_kernel(row_hbm, zeros_hbm, out_hbm, idx_v, ones_v, acc_sh, sem):
    cid = lax.axis_index("c")
    sid = lax.axis_index("s")
    wid = cid * NS + sid

    pltpu.async_copy(row_hbm.at[wid], idx_v, sem).wait()

    @pl.loop(0, CHUNK)
    def _(i):
        @pl.loop(0, D, step=16)
        def _(f):
            ones_v[i, pl.ds(f, 16)] = jnp.full((16,), 1.0, jnp.float32)

    pltpu.sync_copy(zeros_hbm.at[pl.ds(sid * RPT, RPT)],
                    acc_sh.at[pl.ds(sid * RPT, RPT)])
    plsc.subcore_barrier()

    @pl.loop(0, CPT)
    def _(j):
        pltpu.async_copy(ones_v, acc_sh.at[idx_v.at[j]], sem, add=True)

    @pl.loop(0, CPT)
    def _(j):
        pltpu.make_async_copy(ones_v, acc_sh.at[idx_v.at[j]], sem).wait()

    plsc.subcore_barrier()
    pltpu.sync_copy(acc_sh.at[pl.ds(sid * RPT, RPT)],
                    out_hbm.at[cid, pl.ds(sid * RPT, RPT)])


CPT2 = CPT // 2


@functools.partial(
    pl.kernel,
    out_type=jax.ShapeDtypeStruct((NC, NP, D), jnp.float32),
    mesh=_vmesh,
    scratch_types=[
        pltpu.VMEM((CPT2, CHUNK), jnp.int32),
        pltpu.VMEM((CPT2, CHUNK), jnp.int32),
        pltpu.VMEM((CHUNK, D), jnp.float32),
        pltpu.VMEM((CHUNK, D), jnp.float32),
        pltpu.VMEM_SHARED((NP, D), jnp.float32),
        pltpu.SemaphoreType.DMA,
        pltpu.SemaphoreType.DMA,
        pltpu.SemaphoreType.DMA,
        pltpu.SemaphoreType.DMA,
        pltpu.SemaphoreType.DMA,
    ],
)
def _agg_kernel(g_hbm, row_hbm, col_hbm, zeros_hbm, out_hbm,
                row_v, col_v, buf0, buf1, acc_sh, sg0, sg1, ss0, ss1, si):
    cid = lax.axis_index("c")
    sid = lax.axis_index("s")
    wid = cid * NS + sid

    pltpu.sync_copy(zeros_hbm.at[pl.ds(sid * RPT, RPT)],
                    acc_sh.at[pl.ds(sid * RPT, RPT)])
    plsc.subcore_barrier()

    for phase in range(CPT // CPT2):
        base = phase * CPT2
        pltpu.async_copy(row_hbm.at[wid, pl.ds(base, CPT2)], row_v, si).wait()
        pltpu.async_copy(col_hbm.at[wid, pl.ds(base, CPT2)], col_v, si).wait()

        pltpu.async_copy(g_hbm.at[row_v.at[0]], buf0, sg0)
        pltpu.async_copy(g_hbm.at[row_v.at[1]], buf1, sg1)

        @pl.loop(0, CPT2 - 2, step=2)
        def _(j):
            pltpu.make_async_copy(g_hbm.at[row_v.at[j]], buf0, sg0).wait()
            pltpu.sync_copy(buf0, acc_sh.at[col_v.at[j]], add=True)
            pltpu.async_copy(g_hbm.at[row_v.at[j + 2]], buf0, sg0)
            pltpu.make_async_copy(g_hbm.at[row_v.at[j + 1]], buf1, sg1).wait()
            pltpu.sync_copy(buf1, acc_sh.at[col_v.at[j + 1]], add=True)
            pltpu.async_copy(g_hbm.at[row_v.at[j + 3]], buf1, sg1)

        pltpu.make_async_copy(g_hbm.at[row_v.at[CPT2 - 2]], buf0, sg0).wait()
        pltpu.sync_copy(buf0, acc_sh.at[col_v.at[CPT2 - 2]], add=True)
        pltpu.make_async_copy(g_hbm.at[row_v.at[CPT2 - 1]], buf1, sg1).wait()
        pltpu.sync_copy(buf1, acc_sh.at[col_v.at[CPT2 - 1]], add=True)

    plsc.subcore_barrier()
    pltpu.sync_copy(acc_sh.at[pl.ds(sid * RPT, RPT)],
                    out_hbm.at[cid, pl.ds(sid * RPT, RPT)])



_R = 512


def _prep_body(deg_ref, x_ref, w_ref, b_ref, g_ref, d_ref):
    deg = deg_ref[0, :, 0:1] + deg_ref[1, :, 0:1]
    d = jnp.where(deg > 0, lax.rsqrt(deg), 0.0)
    h = lax.dot_general(x_ref[...], w_ref[...], (((1,), (1,)), ((), ())),
                        preferred_element_type=jnp.float32) + b_ref[...]
    d_ref[...] = d
    g_ref[...] = d * h


def _prep(deg_parts, x_pad, w, b):
    return pl.pallas_call(
        _prep_body,
        grid=(NP // _R,),
        in_specs=[
            pl.BlockSpec((NC, _R, D), lambda i: (0, i, 0)),
            pl.BlockSpec((_R, D), lambda i: (i, 0)),
            pl.BlockSpec((D, D), lambda i: (0, 0)),
            pl.BlockSpec((1, D), lambda i: (0, 0)),
        ],
        out_specs=[
            pl.BlockSpec((_R, D), lambda i: (i, 0)),
            pl.BlockSpec((_R, 1), lambda i: (i, 0)),
        ],
        out_shape=[
            jax.ShapeDtypeStruct((NP, D), jnp.float32),
            jax.ShapeDtypeStruct((NP, 1), jnp.float32),
        ],
    )(deg_parts, x_pad, w, b)


def _mid_body(p_ref, d_ref, w_ref, b_ref, g_ref):
    d = d_ref[...]
    y = jnp.maximum(d * (p_ref[0] + p_ref[1]), 0.0)
    h = lax.dot_general(y, w_ref[...], (((1,), (1,)), ((), ())),
                        preferred_element_type=jnp.float32) + b_ref[...]
    g_ref[...] = d * h


def _mid(parts, d, w, b):
    return pl.pallas_call(
        _mid_body,
        grid=(NP // _R,),
        in_specs=[
            pl.BlockSpec((NC, _R, D), lambda i: (0, i, 0)),
            pl.BlockSpec((_R, 1), lambda i: (i, 0)),
            pl.BlockSpec((D, D), lambda i: (0, 0)),
            pl.BlockSpec((1, D), lambda i: (0, 0)),
        ],
        out_specs=pl.BlockSpec((_R, D), lambda i: (i, 0)),
        out_shape=jax.ShapeDtypeStruct((NP, D), jnp.float32),
    )(parts, d, w, b)


def _fin_body(p_ref, d_ref, o_ref):
    o_ref[...] = jnp.maximum(d_ref[...] * (p_ref[0] + p_ref[1]), 0.0)


def _fin(parts, d):
    return pl.pallas_call(
        _fin_body,
        grid=(NP // _R,),
        in_specs=[
            pl.BlockSpec((NC, _R, D), lambda i: (0, i, 0)),
            pl.BlockSpec((_R, 1), lambda i: (i, 0)),
        ],
        out_specs=pl.BlockSpec((_R, D), lambda i: (i, 0)),
        out_shape=jax.ShapeDtypeStruct((NP, D), jnp.float32),
    )(parts, d)



def kernel(x, edge_index, edge_attr, W1, b1, W2, b2, W3, b3):
    row = edge_index[0].astype(jnp.int32)
    col = edge_index[1].astype(jnp.int32)
    pad = N + jnp.arange(E_PAD - E, dtype=jnp.int32) % (NP - N)
    row_p = jnp.concatenate([row, pad]).reshape(NW, CPT, CHUNK)
    col_p = jnp.concatenate([col, pad]).reshape(NW, CPT, CHUNK)
    x_pad = jnp.pad(x, ((0, NP - N), (0, 0)))
    zeros = jnp.zeros((NP, D), jnp.float32)

    deg_parts = _deg_kernel(row_p, zeros)
    g, d = _prep(deg_parts, x_pad, W1, b1.reshape(1, D))
    parts = _agg_kernel(g, row_p, col_p, zeros)
    g = _mid(parts, d, W2, b2.reshape(1, D))
    parts = _agg_kernel(g, row_p, col_p, zeros)
    g = _mid(parts, d, W3, b3.reshape(1, D))
    parts = _agg_kernel(g, row_p, col_p, zeros)
    out = _fin(parts, d)
    return out[:N]

# --- scband reference (transcript-rebuilt; emitter-appended) ---
"""Pipeline reference for scband-base-gcn-62697932587513 (READ-ONLY COPY).

The authoritative reference and input builder live on the scoring server;
editing this copy changes nothing except your own understanding.
"""

import jax, jax.numpy as jnp
import numpy as np

N_NODES = 10000
N_EDGES = 320000
D = 128


def setup_inputs(seed: int = 0) -> dict:
    key = jax.random.key(seed)
    ks = jax.random.split(key, 10)
    x = jax.random.normal(ks[0], (N_NODES, D), dtype=jnp.float32)
    edge_index = jax.random.randint(ks[1], (2, N_EDGES), 0, N_NODES, dtype=jnp.int64)
    edge_attr = jax.random.normal(ks[2], (N_EDGES, 4), dtype=jnp.float32)
    s = 1.0 / np.sqrt(D)
    W1 = jax.random.uniform(ks[3], (D, D), jnp.float32, -s, s)
    b1 = jax.random.uniform(ks[4], (D,), jnp.float32, -s, s)
    W2 = jax.random.uniform(ks[5], (D, D), jnp.float32, -s, s)
    b2 = jax.random.uniform(ks[6], (D,), jnp.float32, -s, s)
    W3 = jax.random.uniform(ks[7], (D, D), jnp.float32, -s, s)
    b3 = jax.random.uniform(ks[8], (D,), jnp.float32, -s, s)
    return {"x": x, "edge_index": edge_index, "edge_attr": edge_attr,
            "W1": W1, "b1": b1, "W2": W2, "b2": b2, "W3": W3, "b3": b3}


def _gcn_conv(x, row, col, W, b):
    # degree of source nodes (row), as in torch_geometric degree(row, N)
    deg = jax.ops.segment_sum(jnp.ones((row.shape[0],), dtype=jnp.float32), row, num_segments=N_NODES)
    deg_inv_sqrt = jnp.where(deg > 0, deg ** -0.5, 0.0)
    norm = deg_inv_sqrt[row] * deg_inv_sqrt[col]
    h = x @ W.T + b
    # message: norm * x_j  (edge_attr embedding is None since bond_encoder is None; edge_weight is None)
    msg = norm[:, None] * h[row]
    # aggr='add' at target nodes (col)
    out = jax.ops.segment_sum(msg, col, num_segments=N_NODES)
    return out


def reference(x, edge_index, edge_attr, W1, b1, W2, b2, W3, b3):
    row = edge_index[0]
    col = edge_index[1]
    # layer 1 (use_bn=False, dropout=0.0, use_residual=False)
    h = _gcn_conv(x, row, col, W1, b1)
    h = jax.nn.relu(h)
    # layer 2
    h = _gcn_conv(h, row, col, W2, b2)
    h = jax.nn.relu(h)
    # layer 3
    h = _gcn_conv(h, row, col, W3, b3)
    h = jax.nn.relu(h)
    return h

if __name__ == "__main__":
    import jax
    _d = setup_inputs()
    print(jax.jit(kernel)(*tuple(_d.values())))

</pallas_src>

<mosaic_0001>
#map = affine_map<(d0, d1) -> (0, 0)>
#map1 = affine_map<(d0, d1) -> (0, 0, 0)>
module attributes {stable_mosaic.version = 14 : i64} {
  func.func @_agg_kernel(%arg0: i32, %arg1: i32, %arg2: memref<10240x128xf32, #tpu.memory_space<hbm>>, %arg3: memref<32x80x128xi32, #tpu.memory_space<hbm>>, %arg4: memref<32x80x128xi32, #tpu.memory_space<hbm>>, %arg5: memref<10240x128xf32, #tpu.memory_space<hbm>>, %arg6: memref<2x10240x128xf32, #tpu.memory_space<hbm>>, %arg7: memref<40x128xi32, #tpu.memory_space<vmem>>, %arg8: memref<40x128xi32, #tpu.memory_space<vmem>>, %arg9: memref<128x128xf32, #tpu.memory_space<vmem>>, %arg10: memref<128x128xf32, #tpu.memory_space<vmem>>, %arg11: memref<10240x128xf32, #tpu.memory_space<vmem_shared>>, %arg12: memref<!tpu.dma_semaphore, #tpu.memory_space<semaphore_mem>>, %arg13: memref<!tpu.dma_semaphore, #tpu.memory_space<semaphore_mem>>, %arg14: memref<!tpu.dma_semaphore, #tpu.memory_space<semaphore_mem>>, %arg15: memref<!tpu.dma_semaphore, #tpu.memory_space<semaphore_mem>>, %arg16: memref<!tpu.dma_semaphore, #tpu.memory_space<semaphore_mem>>) attributes {dimension_semantics = [#tpu.dimension_semantics<core_parallel>, #tpu.dimension_semantics<subcore_parallel>], iteration_bounds = array<i64: 2, 16>, scalar_prefetch = 0 : i64, scratch_operands = 10 : i64, tpu.core_type = #tpu.core_type<sc_vector_subcore>, window_params = [{transform_indices = #map}, {transform_indices = #map1}, {transform_indices = #map1}, {transform_indices = #map}, {transform_indices = #map1}]} {
    %mul3A = arith.constant 16 : i32
    %mul3A_0 = arith.muli %arg0, %mul3A : i32
    %add3A = arith.addi %mul3A_0, %arg1 : i32
    %mul3A_1 = arith.constant 640 : i32
    %mul3A_2 = arith.muli %arg1, %mul3A_1 : i32
    %mul3A_3 = arith.constant 640 : i32
    %mul3A_4 = arith.muli %arg1, %mul3A_3 : i32
    "tpu.region"() ({
      %run_scoped3A_140 = tpu.sem_alloc : memref<!tpu.dma_semaphore, #tpu.memory_space<semaphore_mem>>
      %dma_start3A_141 = arith.constant 0 : i32
      %dma_start3A_142 = tpu.memref_slice %arg11[%mul3A_4, %dma_start3A_141] : memref<10240x128xf32, #tpu.memory_space<vmem_shared>> -> memref<640x128xf32, #tpu.memory_space<vmem_shared>>
      %dma_start3A_143 = arith.constant 0 : i32
      %dma_start3A_144 = tpu.memref_slice %arg5[%mul3A_2, %dma_start3A_143] : memref<10240x128xf32, #tpu.memory_space<hbm>> -> memref<640x128xf32, #tpu.memory_space<hbm>>
      tpu.enqueue_dma source(%dma_start3A_144 : memref<640x128xf32, #tpu.memory_space<hbm>>) target(%dma_start3A_142 : memref<640x128xf32, #tpu.memory_space<vmem_shared>>) target_semaphore(%run_scoped3A_140 : memref<!tpu.dma_semaphore, #tpu.memory_space<semaphore_mem>>)
      %dma_wait3A_145 = arith.constant 0 : i32
      %dma_wait3A_146 = tpu.memref_slice %arg11[%mul3A_4, %dma_wait3A_145] : memref<10240x128xf32, #tpu.memory_space<vmem_shared>> -> memref<640x128xf32, #tpu.memory_space<vmem_shared>>
      %dma_wait3A_147 = arith.constant 0 : i32
      %dma_wait3A_148 = tpu.memref_slice %arg5[%mul3A_2, %dma_wait3A_147] : memref<10240x128xf32, #tpu.memory_space<hbm>> -> memref<640x128xf32, #tpu.memory_space<hbm>>
      tpu.wait_dma2 semaphore(%run_scoped3A_140 : memref<!tpu.dma_semaphore, #tpu.memory_space<semaphore_mem>>) src(%dma_wait3A_148 : memref<640x128xf32, #tpu.memory_space<hbm>>) dst(%dma_wait3A_146 : memref<640x128xf32, #tpu.memory_space<vmem_shared>>)
      tpu.yield
    }) : () -> ()
    %barrier3A = arith.constant 0 : index
    tpu.barrier barrier_id(%barrier3A)
    %dma_start3A = arith.constant 0 : i32
    %dma_start3A_5 = arith.constant 0 : i32
    %dma_start3A_6 = tpu.memref_slice %arg3[%add3A, %dma_start3A, %dma_start3A_5] : memref<32x80x128xi32, #tpu.memory_space<hbm>> -> memref<1x40x128xi32, #tpu.memory_space<hbm>>
    %dma_start3A_7 = tpu.memref_squeeze %dma_start3A_6 : memref<1x40x128xi32, #tpu.memory_space<hbm>> -> memref<40x128xi32, #tpu.memory_space<hbm>>
    %dma_start3A_8 = arith.constant 0 : i32
    %dma_start3A_9 = arith.constant 0 : i32
    %dma_start3A_10 = tpu.memref_slice %arg3[%add3A, %dma_start3A_8, %dma_start3A_9] : memref<32x80x128xi32, #tpu.memory_space<hbm>> -> memref<1x40x128xi32, #tpu.memory_space<hbm>>
    %dma_start3A_11 = tpu.memref_squeeze %dma_start3A_10 : memref<1x40x128xi32, #tpu.memory_space<hbm>> -> memref<40x128xi32, #tpu.memory_space<hbm>>
    tpu.enqueue_dma source(%dma_start3A_11 : memref<40x128xi32, #tpu.memory_space<hbm>>) target(%arg7 : memref<40x128xi32, #tpu.memory_space<vmem>>) target_semaphore(%arg16 : memref<!tpu.dma_semaphore, #tpu.memory_space<semaphore_mem>>)
    %dma_wait3A = arith.constant 0 : i32
    %dma_wait3A_12 = arith.constant 0 : i32
    %dma_wait3A_13 = tpu.memref_slice %arg3[%add3A, %dma_wait3A, %dma_wait3A_12] : memref<32x80x128xi32, #tpu.memory_space<hbm>> -> memref<1x40x128xi32, #tpu.memory_space<hbm>>
    %dma_wait3A_14 = tpu.memref_squeeze %dma_wait3A_13 : memref<1x40x128xi32, #tpu.memory_space<hbm>> -> memref<40x128xi32, #tpu.memory_space<hbm>>
    %dma_wait3A_15 = arith.constant 0 : i32
    %dma_wait3A_16 = arith.constant 0 : i32
    %dma_wait3A_17 = tpu.memref_slice %arg3[%add3A, %dma_wait3A_15, %dma_wait3A_16] : memref<32x80x128xi32, #tpu.memory_space<hbm>> -> memref<1x40x128xi32, #tpu.memory_space<hbm>>
    %dma_wait3A_18 = tpu.memref_squeeze %dma_wait3A_17 : memref<1x40x128xi32, #tpu.memory_space<hbm>> -> memref<40x128xi32, #tpu.memory_space<hbm>>
    tpu.wait_dma2 semaphore(%arg16 : memref<!tpu.dma_semaphore, #tpu.memory_space<semaphore_mem>>) src(%dma_wait3A_18 : memref<40x128xi32, #tpu.memory_space<hbm>>) dst(%arg7 : memref<40x128xi32, #tpu.memory_space<vmem>>)
    %dma_start3A_19 = arith.constant 0 : i32
    %dma_start3A_20 = arith.constant 0 : i32
    %dma_start3A_21 = tpu.memref_slice %arg4[%add3A, %dma_start3A_19, %dma_start3A_20] : memref<32x80x128xi32, #tpu.memory_space<hbm>> -> memref<1x40x128xi32, #tpu.memory_space<hbm>>
    %dma_start3A_22 = tpu.memref_squeeze %dma_start3A_21 : memref<1x40x128xi32, #tpu.memory_space<hbm>> -> memref<40x128xi32, #tpu.memory_space<hbm>>
    %dma_start3A_23 = arith.constant 0 : i32
    %dma_start3A_24 = arith.constant 0 : i32
    %dma_start3A_25 = tpu.memref_slice %arg4[%add3A, %dma_start3A_23, %dma_start3A_24] : memref<32x80x128xi32, #tpu.memory_space<hbm>> -> memref<1x40x128xi32, #tpu.memory_space<hbm>>
    %dma_start3A_26 = tpu.memref_squeeze %dma_start3A_25 : memref<1x40x128xi32, #tpu.memory_space<hbm>> -> memref<40x128xi32, #tpu.memory_space<hbm>>
    tpu.enqueue_dma source(%dma_start3A_26 : memref<40x128xi32, #tpu.memory_space<hbm>>) target(%arg8 : memref<40x128xi32, #tpu.memory_space<vmem>>) target_semaphore(%arg16 : memref<!tpu.dma_semaphore, #tpu.memory_space<semaphore_mem>>)
    %dma_wait3A_27 = arith.constant 0 : i32
    %dma_wait3A_28 = arith.constant 0 : i32
    %dma_wait3A_29 = tpu.memref_slice %arg4[%add3A, %dma_wait3A_27, %dma_wait3A_28] : memref<32x80x128xi32, #tpu.memory_space<hbm>> -> memref<1x40x128xi32, #tpu.memory_space<hbm>>
    %dma_wait3A_30 = tpu.memref_squeeze %dma_wait3A_29 : memref<1x40x128xi32, #tpu.memory_space<hbm>> -> memref<40x128xi32, #tpu.memory_space<hbm>>
    %dma_wait3A_31 = arith.constant 0 : i32
    %dma_wait3A_32 = arith.constant 0 : i32
    %dma_wait3A_33 = tpu.memref_slice %arg4[%add3A, %dma_wait3A_31, %dma_wait3A_32] : memref<32x80x128xi32, #tpu.memory_space<hbm>> -> memref<1x40x128xi32, #tpu.memory_space<hbm>>
    %dma_wait3A_34 = tpu.memref_squeeze %dma_wait3A_33 : memref<1x40x128xi32, #tpu.memory_space<hbm>> -> memref<40x128xi32, #tpu.memory_space<hbm>>
    tpu.wait_dma2 semaphore(%arg16 : memref<!tpu.dma_semaphore, #tpu.memory_space<semaphore_mem>>) src(%dma_wait3A_34 : memref<40x128xi32, #tpu.memory_space<hbm>>) dst(%arg8 : memref<40x128xi32, #tpu.memory_space<vmem>>)
    %dma_start3A_35 = arith.constant 0 : i32
    %dma_start3A_36 = arith.constant 0 : i32
    %dma_start3A_37 = tpu.memref_slice %arg7[%dma_start3A_35, %dma_start3A_36] : memref<40x128xi32, #tpu.memory_space<vmem>> -> memref<1x128xi32, #tpu.memory_space<vmem>>
    %dma_start3A_38 = tpu.memref_squeeze %dma_start3A_37 : memref<1x128xi32, #tpu.memory_space<vmem>> -> memref<128xi32, #tpu.memory_space<vmem>>
    %dma_start3A_39 = arith.constant 0 : i32
    %dma_start3A_40 = arith.constant 0 : i32
    %dma_start3A_41 = tpu.memref_slice %arg2[%dma_start3A_39, %dma_start3A_40] : memref<10240x128xf32, #tpu.memory_space<hbm>> -> memref<10240x128xf32, #tpu.memory_space<hbm>>
    tpu.enqueue_indirect_dma source(%dma_start3A_41 : memref<10240x128xf32, #tpu.memory_space<hbm>>) target(%arg9 : memref<128x128xf32, #tpu.memory_space<vmem>>) offsets(%dma_start3A_38 : memref<128xi32, #tpu.memory_space<vmem>>) semaphore(%arg12 : memref<!tpu.dma_semaphore, #tpu.memory_space<semaphore_mem>>)
    %dma_start3A_42 = arith.constant 1 : i32
    %dma_start3A_43 = arith.constant 0 : i32
    %dma_start3A_44 = tpu.memref_slice %arg7[%dma_start3A_42, %dma_start3A_43] : memref<40x128xi32, #tpu.memory_space<vmem>> -> memref<1x128xi32, #tpu.memory_space<vmem>>
    %dma_start3A_45 = tpu.memref_squeeze %dma_start3A_44 : memref<1x128xi32, #tpu.memory_space<vmem>> -> memref<128xi32, #tpu.memory_space<vmem>>
    %dma_start3A_46 = arith.constant 0 : i32
    %dma_start3A_47 = arith.constant 0 : i32
    %dma_start3A_48 = tpu.memref_slice %arg2[%dma_start3A_46, %dma_start3A_47] : memref<10240x128xf32, #tpu.memory_space<hbm>> -> memref<10240x128xf32, #tpu.memory_space<hbm>>
    tpu.enqueue_indirect_dma source(%dma_start3A_48 : memref<10240x128xf32, #tpu.memory_space<hbm>>) target(%arg10 : memref<128x128xf32, #tpu.memory_space<vmem>>) offsets(%dma_start3A_45 : memref<128xi32, #tpu.memory_space<vmem>>) semaphore(%arg13 : memref<!tpu.dma_semaphore, #tpu.memory_space<semaphore_mem>>)
    %scan3A = arith.constant 0 : i32
    %scan3A_49 = arith.constant 19 : i32
    %scan3A_50 = arith.addi %scan3A, %scan3A_49 : i32
    %scan3A_51 = arith.constant 1 : i32
    scf.for %scan3A_140 = %scan3A to %scan3A_50 step %scan3A_51  : i32 {
      %mul3A_141 = arith.constant 2 : i32
      %mul3A_142 = arith.muli %scan3A_140, %mul3A_141 : i32
      %add3A_143 = arith.constant 0 : i32
      %add3A_144 = arith.addi %add3A_143, %mul3A_142 : i32
      %dma_wait3A_145 = arith.constant 0 : i32
      %dma_wait3A_146 = tpu.memref_slice %arg7[%add3A_144, %dma_wait3A_145] : memref<40x128xi32, #tpu.memory_space<vmem>> -> memref<1x128xi32, #tpu.memory_space<vmem>>
      %dma_wait3A_147 = tpu.memref_squeeze %dma_wait3A_146 : memref<1x128xi32, #tpu.memory_space<vmem>> -> memref<128xi32, #tpu.memory_space<vmem>>
      %dma_wait3A_148 = arith.constant 0 : i32
      %dma_wait3A_149 = arith.constant 0 : i32
      %dma_wait3A_150 = tpu.memref_slice %arg2[%dma_wait3A_148, %dma_wait3A_149] : memref<10240x128xf32, #tpu.memory_space<hbm>> -> memref<10240x128xf32, #tpu.memory_space<hbm>>
      tpu.wait_indirect_dma semaphore(%arg12 : memref<!tpu.dma_semaphore, #tpu.memory_space<semaphore_mem>>) src(%dma_wait3A_150 : memref<10240x128xf32, #tpu.memory_space<hbm>>) dst(%arg9 : memref<128x128xf32, #tpu.memory_space<vmem>>)
      "tpu.region"() ({
        %run_scoped3A_177 = tpu.sem_alloc : memref<!tpu.dma_semaphore, #tpu.memory_space<semaphore_mem>>
        %dma_start3A_178 = arith.constant 0 : i32
        %dma_start3A_179 = tpu.memref_slice %arg8[%add3A_144, %dma_start3A_178] : memref<40x128xi32, #tpu.memory_space<vmem>> -> memref<1x128xi32, #tpu.memory_space<vmem>>
        %dma_start3A_180 = tpu.memref_squeeze %dma_start3A_179 : memref<1x128xi32, #tpu.memory_space<vmem>> -> memref<128xi32, #tpu.memory_space<vmem>>
        %dma_start3A_181 = arith.constant 0 : i32
        %dma_start3A_182 = arith.constant 0 : i32
        %dma_start3A_183 = tpu.memref_slice %arg11[%dma_start3A_181, %dma_start3A_182] : memref<10240x128xf32, #tpu.memory_space<vmem_shared>> -> memref<10240x128xf32, #tpu.memory_space<vmem_shared>>
        tpu.enqueue_indirect_dma source(%arg9 : memref<128x128xf32, #tpu.memory_space<vmem>>) target(%dma_start3A_183 : memref<10240x128xf32, #tpu.memory_space<vmem_shared>>) offsets(%dma_start3A_180 : memref<128xi32, #tpu.memory_space<vmem>>) semaphore(%run_scoped3A_177 : memref<!tpu.dma_semaphore, #tpu.memory_space<semaphore_mem>>) {add = true}
        %dma_wait3A_184 = arith.constant 0 : i32
        %dma_wait3A_185 = tpu.memref_slice %arg8[%add3A_144, %dma_wait3A_184] : memref<40x128xi32, #tpu.memory_space<vmem>> -> memref<1x128xi32, #tpu.memory_space<vmem>>
        %dma_wait3A_186 = tpu.memref_squeeze %dma_wait3A_185 : memref<1x128xi32, #tpu.memory_space<vmem>> -> memref<128xi32, #tpu.memory_space<vmem>>
        %dma_wait3A_187 = arith.constant 0 : i32
        %dma_wait3A_188 = arith.constant 0 : i32
        %dma_wait3A_189 = tpu.memref_slice %arg11[%dma_wait3A_187, %dma_wait3A_188] : memref<10240x128xf32, #tpu.memory_space<vmem_shared>> -> memref<10240x128xf32, #tpu.memory_space<vmem_shared>>
        tpu.wait_indirect_dma semaphore(%run_scoped3A_177 : memref<!tpu.dma_semaphore, #tpu.memory_space<semaphore_mem>>) src(%arg9 : memref<128x128xf32, #tpu.memory_space<vmem>>) dst(%dma_wait3A_189 : memref<10240x128xf32, #tpu.memory_space<vmem_shared>>)
        tpu.yield
      }) : () -> ()
      %add3A_151 = arith.constant 2 : i32
      %add3A_152 = arith.addi %add3A_144, %add3A_151 : i32
      %dma_start3A_153 = arith.constant 0 : i32
      %dma_start3A_154 = tpu.memref_slice %arg7[%add3A_152, %dma_start3A_153] : memref<40x128xi32, #tpu.memory_space<vmem>> -> memref<1x128xi32, #tpu.memory_space<vmem>>
      %dma_start3A_155 = tpu.memref_squeeze %dma_start3A_154 : memref<1x128xi32, #tpu.memory_space<vmem>> -> memref<128xi32, #tpu.memory_space<vmem>>
      %dma_start3A_156 = arith.constant 0 : i32
      %dma_start3A_157 = arith.constant 0 : i32
      %dma_start3A_158 = tpu.memref_slice %arg2[%dma_start3A_156, %dma_start3A_157] : memref<10240x128xf32, #tpu.memory_space<hbm>> -> memref<10240x128xf32, #tpu.memory_space<hbm>>
      tpu.enqueue_indirect_dma source(%dma_start3A_158 : memref<10240x128xf32, #tpu.memory_space<hbm>>) target(%arg9 : memref<128x128xf32, #tpu.memory_space<vmem>>) offsets(%dma_start3A_155 : memref<128xi32, #tpu.memory_space<vmem>>) semaphore(%arg12 : memref<!tpu.dma_semaphore, #tpu.memory_space<semaphore_mem>>)
      %add3A_159 = arith.constant 1 : i32
      %add3A_160 = arith.addi %add3A_144, %add3A_159 : i32
      %dma_wait3A_161 = arith.constant 0 : i32
      %dma_wait3A_162 = tpu.memref_slice %arg7[%add3A_160, %dma_wait3A_161] : memref<40x128xi32, #tpu.memory_space<vmem>> -> memref<1x128xi32, #tpu.memory_space<vmem>>
      %dma_wait3A_163 = tpu.memref_squeeze %dma_wait3A_162 : memref<1x128xi32, #tpu.memory_space<vmem>> -> memref<128xi32, #tpu.memory_space<vmem>>
      %dma_wait3A_164 = arith.constant 0 : i32
      %dma_wait3A_165 = arith.constant 0 : i32
      %dma_wait3A_166 = tpu.memref_slice %arg2[%dma_wait3A_164, %dma_wait3A_165] : memref<10240x128xf32, #tpu.memory_space<hbm>> -> memref<10240x128xf32, #tpu.memory_space<hbm>>
      tpu.wait_indirect_dma semaphore(%arg13 : memref<!tpu.dma_semaphore, #tpu.memory_space<semaphore_mem>>) src(%dma_wait3A_166 : memref<10240x128xf32, #tpu.memory_space<hbm>>) dst(%arg10 : memref<128x128xf32, #tpu.memory_space<vmem>>)
      %add3A_167 = arith.constant 1 : i32
      %add3A_168 = arith.addi %add3A_144, %add3A_167 : i32
      "tpu.region"() ({
        %run_scoped3A_177 = tpu.sem_alloc : memref<!tpu.dma_semaphore, #tpu.memory_space<semaphore_mem>>
        %dma_start3A_178 = arith.constant 0 : i32
        %dma_start3A_179 = tpu.memref_slice %arg8[%add3A_168, %dma_start3A_178] : memref<40x128xi32, #tpu.memory_space<vmem>> -> memref<1x128xi32, #tpu.memory_space<vmem>>
        %dma_start3A_180 = tpu.memref_squeeze %dma_start3A_179 : memref<1x128xi32, #tpu.memory_space<vmem>> -> memref<128xi32, #tpu.memory_space<vmem>>
        %dma_start3A_181 = arith.constant 0 : i32
        %dma_start3A_182 = arith.constant 0 : i32
        %dma_start3A_183 = tpu.memref_slice %arg11[%dma_start3A_181, %dma_start3A_182] : memref<10240x128xf32, #tpu.memory_space<vmem_shared>> -> memref<10240x128xf32, #tpu.memory_space<vmem_shared>>
        tpu.enqueue_indirect_dma source(%arg10 : memref<128x128xf32, #tpu.memory_space<vmem>>) target(%dma_start3A_183 : memref<10240x128xf32, #tpu.memory_space<vmem_shared>>) offsets(%dma_start3A_180 : memref<128xi32, #tpu.memory_space<vmem>>) semaphore(%run_scoped3A_177 : memref<!tpu.dma_semaphore, #tpu.memory_space<semaphore_mem>>) {add = true}
        %dma_wait3A_184 = arith.constant 0 : i32
        %dma_wait3A_185 = tpu.memref_slice %arg8[%add3A_168, %dma_wait3A_184] : memref<40x128xi32, #tpu.memory_space<vmem>> -> memref<1x128xi32, #tpu.memory_space<vmem>>
        %dma_wait3A_186 = tpu.memref_squeeze %dma_wait3A_185 : memref<1x128xi32, #tpu.memory_space<vmem>> -> memref<128xi32, #tpu.memory_space<vmem>>
        %dma_wait3A_187 = arith.constant 0 : i32
        %dma_wait3A_188 = arith.constant 0 : i32
        %dma_wait3A_189 = tpu.memref_slice %arg11[%dma_wait3A_187, %dma_wait3A_188] : memref<10240x128xf32, #tpu.memory_space<vmem_shared>> -> memref<10240x128xf32, #tpu.memory_space<vmem_shared>>
        tpu.wait_indirect_dma semaphore(%run_scoped3A_177 : memref<!tpu.dma_semaphore, #tpu.memory_space<semaphore_mem>>) src(%arg10 : memref<128x128xf32, #tpu.memory_space<vmem>>) dst(%dma_wait3A_189 : memref<10240x128xf32, #tpu.memory_space<vmem_shared>>)
        tpu.yield
      }) : () -> ()
      %add3A_169 = arith.constant 3 : i32
      %add3A_170 = arith.addi %add3A_144, %add3A_169 : i32
      %dma_start3A_171 = arith.constant 0 : i32
      %dma_start3A_172 = tpu.memref_slice %arg7[%add3A_170, %dma_start3A_171] : memref<40x128xi32, #tpu.memory_space<vmem>> -> memref<1x128xi32, #tpu.memory_space<vmem>>
      %dma_start3A_173 = tpu.memref_squeeze %dma_start3A_172 : memref<1x128xi32, #tpu.memory_space<vmem>> -> memref<128xi32, #tpu.memory_space<vmem>>
      %dma_start3A_174 = arith.constant 0 : i32
      %dma_start3A_175 = arith.constant 0 : i32
      %dma_start3A_176 = tpu.memref_slice %arg2[%dma_start3A_174, %dma_start3A_175] : memref<10240x128xf32, #tpu.memory_space<hbm>> -> memref<10240x128xf32, #tpu.memory_space<hbm>>
      tpu.enqueue_indirect_dma source(%dma_start3A_176 : memref<10240x128xf32, #tpu.memory_space<hbm>>) target(%arg10 : memref<128x128xf32, #tpu.memory_space<vmem>>) offsets(%dma_start3A_173 : memref<128xi32, #tpu.memory_space<vmem>>) semaphore(%arg13 : memref<!tpu.dma_semaphore, #tpu.memory_space<semaphore_mem>>)
    }
    %scan3A_52 = arith.constant 19 : i32
    %dma_wait3A_53 = arith.constant 38 : i32
    %dma_wait3A_54 = arith.constant 0 : i32
    %dma_wait3A_55 = tpu.memref_slice %arg7[%dma_wait3A_53, %dma_wait3A_54] : memref<40x128xi32, #tpu.memory_space<vmem>> -> memref<1x128xi32, #tpu.memory_space<vmem>>
    %dma_wait3A_56 = tpu.memref_squeeze %dma_wait3A_55 : memref<1x128xi32, #tpu.memory_space<vmem>> -> memref<128xi32, #tpu.memory_space<vmem>>
    %dma_wait3A_57 = arith.constant 0 : i32
    %dma_wait3A_58 = arith.constant 0 : i32
    %dma_wait3A_59 = tpu.memref_slice %arg2[%dma_wait3A_57, %dma_wait3A_58] : memref<10240x128xf32, #tpu.memory_space<hbm>> -> memref<10240x128xf32, #tpu.memory_space<hbm>>
    tpu.wait_indirect_dma semaphore(%arg12 : memref<!tpu.dma_semaphore, #tpu.memory_space<semaphore_mem>>) src(%dma_wait3A_59 : memref<10240x128xf32, #tpu.memory_space<hbm>>) dst(%arg9 : memref<128x128xf32, #tpu.memory_space<vmem>>)
    %run_scoped3A = arith.constant 38 : i32
    "tpu.region"() ({
      %run_scoped3A_140 = tpu.sem_alloc : memref<!tpu.dma_semaphore, #tpu.memory_space<semaphore_mem>>
      %dma_start3A_141 = arith.constant 0 : i32
      %dma_start3A_142 = tpu.memref_slice %arg8[%run_scoped3A, %dma_start3A_141] : memref<40x128xi32, #tpu.memory_space<vmem>> -> memref<1x128xi32, #tpu.memory_space<vmem>>
      %dma_start3A_143 = tpu.memref_squeeze %dma_start3A_142 : memref<1x128xi32, #tpu.memory_space<vmem>> -> memref<128xi32, #tpu.memory_space<vmem>>
      %dma_start3A_144 = arith.constant 0 : i32
      %dma_start3A_145 = arith.constant 0 : i32
      %dma_start3A_146 = tpu.memref_slice %arg11[%dma_start3A_144, %dma_start3A_145] : memref<10240x128xf32, #tpu.memory_space<vmem_shared>> -> memref<10240x128xf32, #tpu.memory_space<vmem_shared>>
      tpu.enqueue_indirect_dma source(%arg9 : memref<128x128xf32, #tpu.memory_space<vmem>>) target(%dma_start3A_146 : memref<10240x128xf32, #tpu.memory_space<vmem_shared>>) offsets(%dma_start3A_143 : memref<128xi32, #tpu.memory_space<vmem>>) semaphore(%run_scoped3A_140 : memref<!tpu.dma_semaphore, #tpu.memory_space<semaphore_mem>>) {add = true}
      %dma_wait3A_147 = arith.constant 0 : i32
      %dma_wait3A_148 = tpu.memref_slice %arg8[%run_scoped3A, %dma_wait3A_147] : memref<40x128xi32, #tpu.memory_space<vmem>> -> memref<1x128xi32, #tpu.memory_space<vmem>>
      %dma_wait3A_149 = tpu.memref_squeeze %dma_wait3A_148 : memref<1x128xi32, #tpu.memory_space<vmem>> -> memref<128xi32, #tpu.memory_space<vmem>>
      %dma_wait3A_150 = arith.constant 0 : i32
      %dma_wait3A_151 = arith.constant 0 : i32
      %dma_wait3A_152 = tpu.memref_slice %arg11[%dma_wait3A_150, %dma_wait3A_151] : memref<10240x128xf32, #tpu.memory_space<vmem_shared>> -> memref<10240x128xf32, #tpu.memory_space<vmem_shared>>
      tpu.wait_indirect_dma semaphore(%run_scoped3A_140 : memref<!tpu.dma_semaphore, #tpu.memory_space<semaphore_mem>>) src(%arg9 : memref<128x128xf32, #tpu.memory_space<vmem>>) dst(%dma_wait3A_152 : memref<10240x128xf32, #tpu.memory_space<vmem_shared>>)
      tpu.yield
    }) : () -> ()
    %dma_wait3A_60 = arith.constant 39 : i32
    %dma_wait3A_61 = arith.constant 0 : i32
    %dma_wait3A_62 = tpu.memref_slice %arg7[%dma_wait3A_60, %dma_wait3A_61] : memref<40x128xi32, #tpu.memory_space<vmem>> -> memref<1x128xi32, #tpu.memory_space<vmem>>
    %dma_wait3A_63 = tpu.memref_squeeze %dma_wait3A_62 : memref<1x128xi32, #tpu.memory_space<vmem>> -> memref<128xi32, #tpu.memory_space<vmem>>
    %dma_wait3A_64 = arith.constant 0 : i32
    %dma_wait3A_65 = arith.constant 0 : i32
    %dma_wait3A_66 = tpu.memref_slice %arg2[%dma_wait3A_64, %dma_wait3A_65] : memref<10240x128xf32, #tpu.memory_space<hbm>> -> memref<10240x128xf32, #tpu.memory_space<hbm>>
    tpu.wait_indirect_dma semaphore(%arg13 : memref<!tpu.dma_semaphore, #tpu.memory_space<semaphore_mem>>) src(%dma_wait3A_66 : memref<10240x128xf32, #tpu.memory_space<hbm>>) dst(%arg10 : memref<128x128xf32, #tpu.memory_space<vmem>>)
    %run_scoped3A_67 = arith.constant 39 : i32
    "tpu.region"() ({
      %run_scoped3A_140 = tpu.sem_alloc : memref<!tpu.dma_semaphore, #tpu.memory_space<semaphore_mem>>
      %dma_start3A_141 = arith.constant 0 : i32
      %dma_start3A_142 = tpu.memref_slice %arg8[%run_scoped3A_67, %dma_start3A_141] : memref<40x128xi32, #tpu.memory_space<vmem>> -> memref<1x128xi32, #tpu.memory_space<vmem>>
      %dma_start3A_143 = tpu.memref_squeeze %dma_start3A_142 : memref<1x128xi32, #tpu.memory_space<vmem>> -> memref<128xi32, #tpu.memory_space<vmem>>
      %dma_start3A_144 = arith.constant 0 : i32
      %dma_start3A_145 = arith.constant 0 : i32
      %dma_start3A_146 = tpu.memref_slice %arg11[%dma_start3A_144, %dma_start3A_145] : memref<10240x128xf32, #tpu.memory_space<vmem_shared>> -> memref<10240x128xf32, #tpu.memory_space<vmem_shared>>
      tpu.enqueue_indirect_dma source(%arg10 : memref<128x128xf32, #tpu.memory_space<vmem>>) target(%dma_start3A_146 : memref<10240x128xf32, #tpu.memory_space<vmem_shared>>) offsets(%dma_start3A_143 : memref<128xi32, #tpu.memory_space<vmem>>) semaphore(%run_scoped3A_140 : memref<!tpu.dma_semaphore, #tpu.memory_space<semaphore_mem>>) {add = true}
      %dma_wait3A_147 = arith.constant 0 : i32
      %dma_wait3A_148 = tpu.memref_slice %arg8[%run_scoped3A_67, %dma_wait3A_147] : memref<40x128xi32, #tpu.memory_space<vmem>> -> memref<1x128xi32, #tpu.memory_space<vmem>>
      %dma_wait3A_149 = tpu.memref_squeeze %dma_wait3A_148 : memref<1x128xi32, #tpu.memory_space<vmem>> -> memref<128xi32, #tpu.memory_space<vmem>>
      %dma_wait3A_150 = arith.constant 0 : i32
      %dma_wait3A_151 = arith.constant 0 : i32
      %dma_wait3A_152 = tpu.memref_slice %arg11[%dma_wait3A_150, %dma_wait3A_151] : memref<10240x128xf32, #tpu.memory_space<vmem_shared>> -> memref<10240x128xf32, #tpu.memory_space<vmem_shared>>
      tpu.wait_indirect_dma semaphore(%run_scoped3A_140 : memref<!tpu.dma_semaphore, #tpu.memory_space<semaphore_mem>>) src(%arg10 : memref<128x128xf32, #tpu.memory_space<vmem>>) dst(%dma_wait3A_152 : memref<10240x128xf32, #tpu.memory_space<vmem_shared>>)
      tpu.yield
    }) : () -> ()
    %dma_start3A_68 = arith.constant 40 : i32
    %dma_start3A_69 = arith.constant 0 : i32
    %dma_start3A_70 = tpu.memref_slice %arg3[%add3A, %dma_start3A_68, %dma_start3A_69] : memref<32x80x128xi32, #tpu.memory_space<hbm>> -> memref<1x40x128xi32, #tpu.memory_space<hbm>>
    %dma_start3A_71 = tpu.memref_squeeze %dma_start3A_70 : memref<1x40x128xi32, #tpu.memory_space<hbm>> -> memref<40x128xi32, #tpu.memory_space<hbm>>
    %dma_start3A_72 = arith.constant 40 : i32
    %dma_start3A_73 = arith.constant 0 : i32
    %dma_start3A_74 = tpu.memref_slice %arg3[%add3A, %dma_start3A_72, %dma_start3A_73] : memref<32x80x128xi32, #tpu.memory_space<hbm>> -> memref<1x40x128xi32, #tpu.memory_space<hbm>>
    %dma_start3A_75 = tpu.memref_squeeze %dma_start3A_74 : memref<1x40x128xi32, #tpu.memory_space<hbm>> -> memref<40x128xi32, #tpu.memory_space<hbm>>
    tpu.enqueue_dma source(%dma_start3A_75 : memref<40x128xi32, #tpu.memory_space<hbm>>) target(%arg7 : memref<40x128xi32, #tpu.memory_space<vmem>>) target_semaphore(%arg16 : memref<!tpu.dma_semaphore, #tpu.memory_space<semaphore_mem>>)
    %dma_wait3A_76 = arith.constant 40 : i32
    %dma_wait3A_77 = arith.constant 0 : i32
    %dma_wait3A_78 = tpu.memref_slice %arg3[%add3A, %dma_wait3A_76, %dma_wait3A_77] : memref<32x80x128xi32, #tpu.memory_space<hbm>> -> memref<1x40x128xi32, #tpu.memory_space<hbm>>
    %dma_wait3A_79 = tpu.memref_squeeze %dma_wait3A_78 : memref<1x40x128xi32, #tpu.memory_space<hbm>> -> memref<40x128xi32, #tpu.memory_space<hbm>>
    %dma_wait3A_80 = arith.constant 40 : i32
    %dma_wait3A_81 = arith.constant 0 : i32
    %dma_wait3A_82 = tpu.memref_slice %arg3[%add3A, %dma_wait3A_80, %dma_wait3A_81] : memref<32x80x128xi32, #tpu.memory_space<hbm>> -> memref<1x40x128xi32, #tpu.memory_space<hbm>>
    %dma_wait3A_83 = tpu.memref_squeeze %dma_wait3A_82 : memref<1x40x128xi32, #tpu.memory_space<hbm>> -> memref<40x128xi32, #tpu.memory_space<hbm>>
    tpu.wait_dma2 semaphore(%arg16 : memref<!tpu.dma_semaphore, #tpu.memory_space<semaphore_mem>>) src(%dma_wait3A_83 : memref<40x128xi32, #tpu.memory_space<hbm>>) dst(%arg7 : memref<40x128xi32, #tpu.memory_space<vmem>>)
    %dma_start3A_84 = arith.constant 40 : i32
    %dma_start3A_85 = arith.constant 0 : i32
    %dma_start3A_86 = tpu.memref_slice %arg4[%add3A, %dma_start3A_84, %dma_start3A_85] : memref<32x80x128xi32, #tpu.memory_space<hbm>> -> memref<1x40x128xi32, #tpu.memory_space<hbm>>
    %dma_start3A_87 = tpu.memref_squeeze %dma_start3A_86 : memref<1x40x128xi32, #tpu.memory_space<hbm>> -> memref<40x128xi32, #tpu.memory_space<hbm>>
    %dma_start3A_88 = arith.constant 40 : i32
    %dma_start3A_89 = arith.constant 0 : i32
    %dma_start3A_90 = tpu.memref_slice %arg4[%add3A, %dma_start3A_88, %dma_start3A_89] : memref<32x80x128xi32, #tpu.memory_space<hbm>> -> memref<1x40x128xi32, #tpu.memory_space<hbm>>
    %dma_start3A_91 = tpu.memref_squeeze %dma_start3A_90 : memref<1x40x128xi32, #tpu.memory_space<hbm>> -> memref<40x128xi32, #tpu.memory_space<hbm>>
    tpu.enqueue_dma source(%dma_start3A_91 : memref<40x128xi32, #tpu.memory_space<hbm>>) target(%arg8 : memref<40x128xi32, #tpu.memory_space<vmem>>) target_semaphore(%arg16 : memref<!tpu.dma_semaphore, #tpu.memory_space<semaphore_mem>>)
    %dma_wait3A_92 = arith.constant 40 : i32
    %dma_wait3A_93 = arith.constant 0 : i32
    %dma_wait3A_94 = tpu.memref_slice %arg4[%add3A, %dma_wait3A_92, %dma_wait3A_93] : memref<32x80x128xi32, #tpu.memory_space<hbm>> -> memref<1x40x128xi32, #tpu.memory_space<hbm>>
    %dma_wait3A_95 = tpu.memref_squeeze %dma_wait3A_94 : memref<1x40x128xi32, #tpu.memory_space<hbm>> -> memref<40x128xi32, #tpu.memory_space<hbm>>
    %dma_wait3A_96 = arith.constant 40 : i32
    %dma_wait3A_97 = arith.constant 0 : i32
    %dma_wait3A_98 = tpu.memref_slice %arg4[%add3A, %dma_wait3A_96, %dma_wait3A_97] : memref<32x80x128xi32, #tpu.memory_space<hbm>> -> memref<1x40x128xi32, #tpu.memory_space<hbm>>
    %dma_wait3A_99 = tpu.memref_squeeze %dma_wait3A_98 : memref<1x40x128xi32, #tpu.memory_space<hbm>> -> memref<40x128xi32, #tpu.memory_space<hbm>>
    tpu.wait_dma2 semaphore(%arg16 : memref<!tpu.dma_semaphore, #tpu.memory_space<semaphore_mem>>) src(%dma_wait3A_99 : memref<40x128xi32, #tpu.memory_space<hbm>>) dst(%arg8 : memref<40x128xi32, #tpu.memory_space<vmem>>)
    %dma_start3A_100 = arith.constant 0 : i32
    %dma_start3A_101 = arith.constant 0 : i32
    %dma_start3A_102 = tpu.memref_slice %arg7[%dma_start3A_100, %dma_start3A_101] : memref<40x128xi32, #tpu.memory_space<vmem>> -> memref<1x128xi32, #tpu.memory_space<vmem>>
    %dma_start3A_103 = tpu.memref_squeeze %dma_start3A_102 : memref<1x128xi32, #tpu.memory_space<vmem>> -> memref<128xi32, #tpu.memory_space<vmem>>
    %dma_start3A_104 = arith.constant 0 : i32
    %dma_start3A_105 = arith.constant 0 : i32
    %dma_start3A_106 = tpu.memref_slice %arg2[%dma_start3A_104, %dma_start3A_105] : memref<10240x128xf32, #tpu.memory_space<hbm>> -> memref<10240x128xf32, #tpu.memory_space<hbm>>
    tpu.enqueue_indirect_dma source(%dma_start3A_106 : memref<10240x128xf32, #tpu.memory_space<hbm>>) target(%arg9 : memref<128x128xf32, #tpu.memory_space<vmem>>) offsets(%dma_start3A_103 : memref<128xi32, #tpu.memory_space<vmem>>) semaphore(%arg12 : memref<!tpu.dma_semaphore, #tpu.memory_space<semaphore_mem>>)
    %dma_start3A_107 = arith.constant 1 : i32
    %dma_start3A_108 = arith.constant 0 : i32
    %dma_start3A_109 = tpu.memref_slice %arg7[%dma_start3A_107, %dma_start3A_108] : memref<40x128xi32, #tpu.memory_space<vmem>> -> memref<1x128xi32, #tpu.memory_space<vmem>>
    %dma_start3A_110 = tpu.memref_squeeze %dma_start3A_109 : memref<1x128xi32, #tpu.memory_space<vmem>> -> memref<128xi32, #tpu.memory_space<vmem>>
    %dma_start3A_111 = arith.constant 0 : i32
    %dma_start3A_112 = arith.constant 0 : i32
    %dma_start3A_113 = tpu.memref_slice %arg2[%dma_start3A_111, %dma_start3A_112] : memref<10240x128xf32, #tpu.memory_space<hbm>> -> memref<10240x128xf32, #tpu.memory_space<hbm>>
    tpu.enqueue_indirect_dma source(%dma_start3A_113 : memref<10240x128xf32, #tpu.memory_space<hbm>>) target(%arg10 : memref<128x128xf32, #tpu.memory_space<vmem>>) offsets(%dma_start3A_110 : memref<128xi32, #tpu.memory_space<vmem>>) semaphore(%arg13 : memref<!tpu.dma_semaphore, #tpu.memory_space<semaphore_mem>>)
    %scan3A_114 = arith.constant 0 : i32
    %scan3A_115 = arith.constant 19 : i32
    %scan3A_116 = arith.addi %scan3A_114, %scan3A_115 : i32
    %scan3A_117 = arith.constant 1 : i32
    scf.for %scan3A_140 = %scan3A_114 to %scan3A_116 step %scan3A_117  : i32 {
      %mul3A_141 = arith.constant 2 : i32
      %mul3A_142 = arith.muli %scan3A_140, %mul3A_141 : i32
      %add3A_143 = arith.constant 0 : i32
      %add3A_144 = arith.addi %add3A_143, %mul3A_142 : i32
      %dma_wait3A_145 = arith.constant 0 : i32
      %dma_wait3A_146 = tpu.memref_slice %arg7[%add3A_144, %dma_wait3A_145] : memref<40x128xi32, #tpu.memory_space<vmem>> -> memref<1x128xi32, #tpu.memory_space<vmem>>
      %dma_wait3A_147 = tpu.memref_squeeze %dma_wait3A_146 : memref<1x128xi32, #tpu.memory_space<vmem>> -> memref<128xi32, #tpu.memory_space<vmem>>
      %dma_wait3A_148 = arith.constant 0 : i32
      %dma_wait3A_149 = arith.constant 0 : i32
      %dma_wait3A_150 = tpu.memref_slice %arg2[%dma_wait3A_148, %dma_wait3A_149] : memref<10240x128xf32, #tpu.memory_space<hbm>> -> memref<10240x128xf32, #tpu.memory_space<hbm>>
      tpu.wait_indirect_dma semaphore(%arg12 : memref<!tpu.dma_semaphore, #tpu.memory_space<semaphore_mem>>) src(%dma_wait3A_150 : memref<10240x128xf32, #tpu.memory_space<hbm>>) dst(%arg9 : memref<128x128xf32, #tpu.memory_space<vmem>>)
      "tpu.region"() ({
        %run_scoped3A_177 = tpu.sem_alloc : memref<!tpu.dma_semaphore, #tpu.memory_space<semaphore_mem>>
        %dma_start3A_178 = arith.constant 0 : i32
        %dma_start3A_179 = tpu.memref_slice %arg8[%add3A_144, %dma_start3A_178] : memref<40x128xi32, #tpu.memory_space<vmem>> -> memref<1x128xi32, #tpu.memory_space<vmem>>
        %dma_start3A_180 = tpu.memref_squeeze %dma_start3A_179 : memref<1x128xi32, #tpu.memory_space<vmem>> -> memref<128xi32, #tpu.memory_space<vmem>>
        %dma_start3A_181 = arith.constant 0 : i32
        %dma_start3A_182 = arith.constant 0 : i32
        %dma_start3A_183 = tpu.memref_slice %arg11[%dma_start3A_181, %dma_start3A_182] : memref<10240x128xf32, #tpu.memory_space<vmem_shared>> -> memref<10240x128xf32, #tpu.memory_space<vmem_shared>>
        tpu.enqueue_indirect_dma source(%arg9 : memref<128x128xf32, #tpu.memory_space<vmem>>) target(%dma_start3A_183 : memref<10240x128xf32, #tpu.memory_space<vmem_shared>>) offsets(%dma_start3A_180 : memref<128xi32, #tpu.memory_space<vmem>>) semaphore(%run_scoped3A_177 : memref<!tpu.dma_semaphore, #tpu.memory_space<semaphore_mem>>) {add = true}
        %dma_wait3A_184 = arith.constant 0 : i32
        %dma_wait3A_185 = tpu.memref_slice %arg8[%add3A_144, %dma_wait3A_184] : memref<40x128xi32, #tpu.memory_space<vmem>> -> memref<1x128xi32, #tpu.memory_space<vmem>>
        %dma_wait3A_186 = tpu.memref_squeeze %dma_wait3A_185 : memref<1x128xi32, #tpu.memory_space<vmem>> -> memref<128xi32, #tpu.memory_space<vmem>>
        %dma_wait3A_187 = arith.constant 0 : i32
        %dma_wait3A_188 = arith.constant 0 : i32
        %dma_wait3A_189 = tpu.memref_slice %arg11[%dma_wait3A_187, %dma_wait3A_188] : memref<10240x128xf32, #tpu.memory_space<vmem_shared>> -> memref<10240x128xf32, #tpu.memory_space<vmem_shared>>
        tpu.wait_indirect_dma semaphore(%run_scoped3A_177 : memref<!tpu.dma_semaphore, #tpu.memory_space<semaphore_mem>>) src(%arg9 : memref<128x128xf32, #tpu.memory_space<vmem>>) dst(%dma_wait3A_189 : memref<10240x128xf32, #tpu.memory_space<vmem_shared>>)
        tpu.yield
      }) : () -> ()
      %add3A_151 = arith.constant 2 : i32
      %add3A_152 = arith.addi %add3A_144, %add3A_151 : i32
      %dma_start3A_153 = arith.constant 0 : i32
      %dma_start3A_154 = tpu.memref_slice %arg7[%add3A_152, %dma_start3A_153] : memref<40x128xi32, #tpu.memory_space<vmem>> -> memref<1x128xi32, #tpu.memory_space<vmem>>
      %dma_start3A_155 = tpu.memref_squeeze %dma_start3A_154 : memref<1x128xi32, #tpu.memory_space<vmem>> -> memref<128xi32, #tpu.memory_space<vmem>>
      %dma_start3A_156 = arith.constant 0 : i32
      %dma_start3A_157 = arith.constant 0 : i32
      %dma_start3A_158 = tpu.memref_slice %arg2[%dma_start3A_156, %dma_start3A_157] : memref<10240x128xf32, #tpu.memory_space<hbm>> -> memref<10240x128xf32, #tpu.memory_space<hbm>>
      tpu.enqueue_indirect_dma source(%dma_start3A_158 : memref<10240x128xf32, #tpu.memory_space<hbm>>) target(%arg9 : memref<128x128xf32, #tpu.memory_space<vmem>>) offsets(%dma_start3A_155 : memref<128xi32, #tpu.memory_space<vmem>>) semaphore(%arg12 : memref<!tpu.dma_semaphore, #tpu.memory_space<semaphore_mem>>)
      %add3A_159 = arith.constant 1 : i32
      %add3A_160 = arith.addi %add3A_144, %add3A_159 : i32
      %dma_wait3A_161 = arith.constant 0 : i32
      %dma_wait3A_162 = tpu.memref_slice %arg7[%add3A_160, %dma_wait3A_161] : memref<40x128xi32, #tpu.memory_space<vmem>> -> memref<1x128xi32, #tpu.memory_space<vmem>>
      %dma_wait3A_163 = tpu.memref_squeeze %dma_wait3A_162 : memref<1x128xi32, #tpu.memory_space<vmem>> -> memref<128xi32, #tpu.memory_space<vmem>>
      %dma_wait3A_164 = arith.constant 0 : i32
      %dma_wait3A_165 = arith.constant 0 : i32
      %dma_wait3A_166 = tpu.memref_slice %arg2[%dma_wait3A_164, %dma_wait3A_165] : memref<10240x128xf32, #tpu.memory_space<hbm>> -> memref<10240x128xf32, #tpu.memory_space<hbm>>
      tpu.wait_indirect_dma semaphore(%arg13 : memref<!tpu.dma_semaphore, #tpu.memory_space<semaphore_mem>>) src(%dma_wait3A_166 : memref<10240x128xf32, #tpu.memory_space<hbm>>) dst(%arg10 : memref<128x128xf32, #tpu.memory_space<vmem>>)
      %add3A_167 = arith.constant 1 : i32
      %add3A_168 = arith.addi %add3A_144, %add3A_167 : i32
      "tpu.region"() ({
        %run_scoped3A_177 = tpu.sem_alloc : memref<!tpu.dma_semaphore, #tpu.memory_space<semaphore_mem>>
        %dma_start3A_178 = arith.constant 0 : i32
        %dma_start3A_179 = tpu.memref_slice %arg8[%add3A_168, %dma_start3A_178] : memref<40x128xi32, #tpu.memory_space<vmem>> -> memref<1x128xi32, #tpu.memory_space<vmem>>
        %dma_start3A_180 = tpu.memref_squeeze %dma_start3A_179 : memref<1x128xi32, #tpu.memory_space<vmem>> -> memref<128xi32, #tpu.memory_space<vmem>>
        %dma_start3A_181 = arith.constant 0 : i32
        %dma_start3A_182 = arith.constant 0 : i32
        %dma_start3A_183 = tpu.memref_slice %arg11[%dma_start3A_181, %dma_start3A_182] : memref<10240x128xf32, #tpu.memory_space<vmem_shared>> -> memref<10240x128xf32, #tpu.memory_space<vmem_shared>>
        tpu.enqueue_indirect_dma source(%arg10 : memref<128x128xf32, #tpu.memory_space<vmem>>) target(%dma_start3A_183 : memref<10240x128xf32, #tpu.memory_space<vmem_shared>>) offsets(%dma_start3A_180 : memref<128xi32, #tpu.memory_space<vmem>>) semaphore(%run_scoped3A_177 : memref<!tpu.dma_semaphore, #tpu.memory_space<semaphore_mem>>) {add = true}
        %dma_wait3A_184 = arith.constant 0 : i32
        %dma_wait3A_185 = tpu.memref_slice %arg8[%add3A_168, %dma_wait3A_184] : memref<40x128xi32, #tpu.memory_space<vmem>> -> memref<1x128xi32, #tpu.memory_space<vmem>>
        %dma_wait3A_186 = tpu.memref_squeeze %dma_wait3A_185 : memref<1x128xi32, #tpu.memory_space<vmem>> -> memref<128xi32, #tpu.memory_space<vmem>>
        %dma_wait3A_187 = arith.constant 0 : i32
        %dma_wait3A_188 = arith.constant 0 : i32
        %dma_wait3A_189 = tpu.memref_slice %arg11[%dma_wait3A_187, %dma_wait3A_188] : memref<10240x128xf32, #tpu.memory_space<vmem_shared>> -> memref<10240x128xf32, #tpu.memory_space<vmem_shared>>
        tpu.wait_indirect_dma semaphore(%run_scoped3A_177 : memref<!tpu.dma_semaphore, #tpu.memory_space<semaphore_mem>>) src(%arg10 : memref<128x128xf32, #tpu.memory_space<vmem>>) dst(%dma_wait3A_189 : memref<10240x128xf32, #tpu.memory_space<vmem_shared>>)
        tpu.yield
      }) : () -> ()
      %add3A_169 = arith.constant 3 : i32
      %add3A_170 = arith.addi %add3A_144, %add3A_169 : i32
      %dma_start3A_171 = arith.constant 0 : i32
      %dma_start3A_172 = tpu.memref_slice %arg7[%add3A_170, %dma_start3A_171] : memref<40x128xi32, #tpu.memory_space<vmem>> -> memref<1x128xi32, #tpu.memory_space<vmem>>
      %dma_start3A_173 = tpu.memref_squeeze %dma_start3A_172 : memref<1x128xi32, #tpu.memory_space<vmem>> -> memref<128xi32, #tpu.memory_space<vmem>>
      %dma_start3A_174 = arith.constant 0 : i32
      %dma_start3A_175 = arith.constant 0 : i32
      %dma_start3A_176 = tpu.memref_slice %arg2[%dma_start3A_174, %dma_start3A_175] : memref<10240x128xf32, #tpu.memory_space<hbm>> -> memref<10240x128xf32, #tpu.memory_space<hbm>>
      tpu.enqueue_indirect_dma source(%dma_start3A_176 : memref<10240x128xf32, #tpu.memory_space<hbm>>) target(%arg10 : memref<128x128xf32, #tpu.memory_space<vmem>>) offsets(%dma_start3A_173 : memref<128xi32, #tpu.memory_space<vmem>>) semaphore(%arg13 : memref<!tpu.dma_semaphore, #tpu.memory_space<semaphore_mem>>)
    }
    %scan3A_118 = arith.constant 19 : i32
    %dma_wait3A_119 = arith.constant 38 : i32
    %dma_wait3A_120 = arith.constant 0 : i32
    %dma_wait3A_121 = tpu.memref_slice %arg7[%dma_wait3A_119, %dma_wait3A_120] : memref<40x128xi32, #tpu.memory_space<vmem>> -> memref<1x128xi32, #tpu.memory_space<vmem>>
    %dma_wait3A_122 = tpu.memref_squeeze %dma_wait3A_121 : memref<1x128xi32, #tpu.memory_space<vmem>> -> memref<128xi32, #tpu.memory_space<vmem>>
    %dma_wait3A_123 = arith.constant 0 : i32
    %dma_wait3A_124 = arith.constant 0 : i32
    %dma_wait3A_125 = tpu.memref_slice %arg2[%dma_wait3A_123, %dma_wait3A_124] : memref<10240x128xf32, #tpu.memory_space<hbm>> -> memref<10240x128xf32, #tpu.memory_space<hbm>>
    tpu.wait_indirect_dma semaphore(%arg12 : memref<!tpu.dma_semaphore, #tpu.memory_space<semaphore_mem>>) src(%dma_wait3A_125 : memref<10240x128xf32, #tpu.memory_space<hbm>>) dst(%arg9 : memref<128x128xf32, #tpu.memory_space<vmem>>)
    %run_scoped3A_126 = arith.constant 38 : i32
    "tpu.region"() ({
      %run_scoped3A_140 = tpu.sem_alloc : memref<!tpu.dma_semaphore, #tpu.memory_space<semaphore_mem>>
      %dma_start3A_141 = arith.constant 0 : i32
      %dma_start3A_142 = tpu.memref_slice %arg8[%run_scoped3A_126, %dma_start3A_141] : memref<40x128xi32, #tpu.memory_space<vmem>> -> memref<1x128xi32, #tpu.memory_space<vmem>>
      %dma_start3A_143 = tpu.memref_squeeze %dma_start3A_142 : memref<1x128xi32, #tpu.memory_space<vmem>> -> memref<128xi32, #tpu.memory_space<vmem>>
      %dma_start3A_144 = arith.constant 0 : i32
      %dma_start3A_145 = arith.constant 0 : i32
      %dma_start3A_146 = tpu.memref_slice %arg11[%dma_start3A_144, %dma_start3A_145] : memref<10240x128xf32, #tpu.memory_space<vmem_shared>> -> memref<10240x128xf32, #tpu.memory_space<vmem_shared>>
      tpu.enqueue_indirect_dma source(%arg9 : memref<128x128xf32, #tpu.memory_space<vmem>>) target(%dma_start3A_146 : memref<10240x128xf32, #tpu.memory_space<vmem_shared>>) offsets(%dma_start3A_143 : memref<128xi32, #tpu.memory_space<vmem>>) semaphore(%run_scoped3A_140 : memref<!tpu.dma_semaphore, #tpu.memory_space<semaphore_mem>>) {add = true}
      %dma_wait3A_147 = arith.constant 0 : i32
      %dma_wait3A_148 = tpu.memref_slice %arg8[%run_scoped3A_126, %dma_wait3A_147] : memref<40x128xi32, #tpu.memory_space<vmem>> -> memref<1x128xi32, #tpu.memory_space<vmem>>
      %dma_wait3A_149 = tpu.memref_squeeze %dma_wait3A_148 : memref<1x128xi32, #tpu.memory_space<vmem>> -> memref<128xi32, #tpu.memory_space<vmem>>
      %dma_wait3A_150 = arith.constant 0 : i32
      %dma_wait3A_151 = arith.constant 0 : i32
      %dma_wait3A_152 = tpu.memref_slice %arg11[%dma_wait3A_150, %dma_wait3A_151] : memref<10240x128xf32, #tpu.memory_space<vmem_shared>> -> memref<10240x128xf32, #tpu.memory_space<vmem_shared>>
      tpu.wait_indirect_dma semaphore(%run_scoped3A_140 : memref<!tpu.dma_semaphore, #tpu.memory_space<semaphore_mem>>) src(%arg9 : memref<128x128xf32, #tpu.memory_space<vmem>>) dst(%dma_wait3A_152 : memref<10240x128xf32, #tpu.memory_space<vmem_shared>>)
      tpu.yield
    }) : () -> ()
    %dma_wait3A_127 = arith.constant 39 : i32
    %dma_wait3A_128 = arith.constant 0 : i32
    %dma_wait3A_129 = tpu.memref_slice %arg7[%dma_wait3A_127, %dma_wait3A_128] : memref<40x128xi32, #tpu.memory_space<vmem>> -> memref<1x128xi32, #tpu.memory_space<vmem>>
    %dma_wait3A_130 = tpu.memref_squeeze %dma_wait3A_129 : memref<1x128xi32, #tpu.memory_space<vmem>> -> memref<128xi32, #tpu.memory_space<vmem>>
    %dma_wait3A_131 = arith.constant 0 : i32
    %dma_wait3A_132 = arith.constant 0 : i32
    %dma_wait3A_133 = tpu.memref_slice %arg2[%dma_wait3A_131, %dma_wait3A_132] : memref<10240x128xf32, #tpu.memory_space<hbm>> -> memref<10240x128xf32, #tpu.memory_space<hbm>>
    tpu.wait_indirect_dma semaphore(%arg13 : memref<!tpu.dma_semaphore, #tpu.memory_space<semaphore_mem>>) src(%dma_wait3A_133 : memref<10240x128xf32, #tpu.memory_space<hbm>>) dst(%arg10 : memref<128x128xf32, #tpu.memory_space<vmem>>)
    %run_scoped3A_134 = arith.constant 39 : i32
    "tpu.region"() ({
      %run_scoped3A_140 = tpu.sem_alloc : memref<!tpu.dma_semaphore, #tpu.memory_space<semaphore_mem>>
      %dma_start3A_141 = arith.constant 0 : i32
      %dma_start3A_142 = tpu.memref_slice %arg8[%run_scoped3A_134, %dma_start3A_141] : memref<40x128xi32, #tpu.memory_space<vmem>> -> memref<1x128xi32, #tpu.memory_space<vmem>>
      %dma_start3A_143 = tpu.memref_squeeze %dma_start3A_142 : memref<1x128xi32, #tpu.memory_space<vmem>> -> memref<128xi32, #tpu.memory_space<vmem>>
      %dma_start3A_144 = arith.constant 0 : i32
      %dma_start3A_145 = arith.constant 0 : i32
      %dma_start3A_146 = tpu.memref_slice %arg11[%dma_start3A_144, %dma_start3A_145] : memref<10240x128xf32, #tpu.memory_space<vmem_shared>> -> memref<10240x128xf32, #tpu.memory_space<vmem_shared>>
      tpu.enqueue_indirect_dma source(%arg10 : memref<128x128xf32, #tpu.memory_space<vmem>>) target(%dma_start3A_146 : memref<10240x128xf32, #tpu.memory_space<vmem_shared>>) offsets(%dma_start3A_143 : memref<128xi32, #tpu.memory_space<vmem>>) semaphore(%run_scoped3A_140 : memref<!tpu.dma_semaphore, #tpu.memory_space<semaphore_mem>>) {add = true}
      %dma_wait3A_147 = arith.constant 0 : i32
      %dma_wait3A_148 = tpu.memref_slice %arg8[%run_scoped3A_134, %dma_wait3A_147] : memref<40x128xi32, #tpu.memory_space<vmem>> -> memref<1x128xi32, #tpu.memory_space<vmem>>
      %dma_wait3A_149 = tpu.memref_squeeze %dma_wait3A_148 : memref<1x128xi32, #tpu.memory_space<vmem>> -> memref<128xi32, #tpu.memory_space<vmem>>
      %dma_wait3A_150 = arith.constant 0 : i32
      %dma_wait3A_151 = arith.constant 0 : i32
      %dma_wait3A_152 = tpu.memref_slice %arg11[%dma_wait3A_150, %dma_wait3A_151] : memref<10240x128xf32, #tpu.memory_space<vmem_shared>> -> memref<10240x128xf32, #tpu.memory_space<vmem_shared>>
      tpu.wait_indirect_dma semaphore(%run_scoped3A_140 : memref<!tpu.dma_semaphore, #tpu.memory_space<semaphore_mem>>) src(%arg10 : memref<128x128xf32, #tpu.memory_space<vmem>>) dst(%dma_wait3A_152 : memref<10240x128xf32, #tpu.memory_space<vmem_shared>>)
      tpu.yield
    }) : () -> ()
    %barrier3A_135 = arith.constant 0 : index
    tpu.barrier barrier_id(%barrier3A_135)
    %mul3A_136 = arith.constant 640 : i32
    %mul3A_137 = arith.muli %arg1, %mul3A_136 : i32
    %mul3A_138 = arith.constant 640 : i32
    %mul3A_139 = arith.muli %arg1, %mul3A_138 : i32
    "tpu.region"() ({
      %run_scoped3A_140 = tpu.sem_alloc : memref<!tpu.dma_semaphore, #tpu.memory_space<semaphore_mem>>
      %dma_start3A_141 = arith.constant 0 : i32
      %dma_start3A_142 = tpu.memref_slice %arg6[%arg0, %mul3A_139, %dma_start3A_141] : memref<2x10240x128xf32, #tpu.memory_space<hbm>> -> memref<1x640x128xf32, #tpu.memory_space<hbm>>
      %dma_start3A_143 = tpu.memref_squeeze %dma_start3A_142 : memref<1x640x128xf32, #tpu.memory_space<hbm>> -> memref<640x128xf32, #tpu.memory_space<hbm>>
      %dma_start3A_144 = arith.constant 0 : i32
      %dma_start3A_145 = tpu.memref_slice %arg11[%mul3A_137, %dma_start3A_144] : memref<10240x128xf32, #tpu.memory_space<vmem_shared>> -> memref<640x128xf32, #tpu.memory_space<vmem_shared>>
      tpu.enqueue_dma source(%dma_start3A_145 : memref<640x128xf32, #tpu.memory_space<vmem_shared>>) target(%dma_start3A_143 : memref<640x128xf32, #tpu.memory_space<hbm>>) target_semaphore(%run_scoped3A_140 : memref<!tpu.dma_semaphore, #tpu.memory_space<semaphore_mem>>)
      %dma_wait3A_146 = arith.constant 0 : i32
      %dma_wait3A_147 = tpu.memref_slice %arg6[%arg0, %mul3A_139, %dma_wait3A_146] : memref<2x10240x128xf32, #tpu.memory_space<hbm>> -> memref<1x640x128xf32, #tpu.memory_space<hbm>>
      %dma_wait3A_148 = tpu.memref_squeeze %dma_wait3A_147 : memref<1x640x128xf32, #tpu.memory_space<hbm>> -> memref<640x128xf32, #tpu.memory_space<hbm>>
      %dma_wait3A_149 = arith.constant 0 : i32
      %dma_wait3A_150 = tpu.memref_slice %arg11[%mul3A_137, %dma_wait3A_149] : memref<10240x128xf32, #tpu.memory_space<vmem_shared>> -> memref<640x128xf32, #tpu.memory_space<vmem_shared>>
      tpu.wait_dma2 semaphore(%run_scoped3A_140 : memref<!tpu.dma_semaphore, #tpu.memory_space<semaphore_mem>>) src(%dma_wait3A_150 : memref<640x128xf32, #tpu.memory_space<vmem_shared>>) dst(%dma_wait3A_148 : memref<640x128xf32, #tpu.memory_space<hbm>>)
      tpu.yield
    }) : () -> ()
    return
  }
}

#map = affine_map<(d0, d1) -> (0, 0, 0)>
#map1 = affine_map<(d0, d1) -> (0, 0)>
module attributes {stable_mosaic.version = 14 : i64} {
  func.func @_deg_kernel(%arg0: i32, %arg1: i32, %arg2: memref<32x80x128xi32, #tpu.memory_space<hbm>>, %arg3: memref<10240x128xf32, #tpu.memory_space<hbm>>, %arg4: memref<2x10240x128xf32, #tpu.memory_space<hbm>>, %arg5: memref<80x128xi32, #tpu.memory_space<vmem>>, %arg6: memref<128x128xf32, #tpu.memory_space<vmem>>, %arg7: memref<10240x128xf32, #tpu.memory_space<vmem_shared>>, %arg8: memref<!tpu.dma_semaphore, #tpu.memory_space<semaphore_mem>>) attributes {dimension_semantics = [#tpu.dimension_semantics<core_parallel>, #tpu.dimension_semantics<subcore_parallel>], iteration_bounds = array<i64: 2, 16>, scalar_prefetch = 0 : i64, scratch_operands = 4 : i64, tpu.core_type = #tpu.core_type<sc_vector_subcore>, window_params = [{transform_indices = #map}, {transform_indices = #map1}, {transform_indices = #map}]} {
    %mul3A = arith.constant 16 : i32
    %mul3A_0 = arith.muli %arg0, %mul3A : i32
    %add3A = arith.addi %mul3A_0, %arg1 : i32
    %dma_start3A = arith.constant 0 : i32
    %dma_start3A_1 = arith.constant 0 : i32
    %dma_start3A_2 = tpu.memref_slice %arg2[%add3A, %dma_start3A, %dma_start3A_1] : memref<32x80x128xi32, #tpu.memory_space<hbm>> -> memref<1x80x128xi32, #tpu.memory_space<hbm>>
    %dma_start3A_3 = tpu.memref_squeeze %dma_start3A_2 : memref<1x80x128xi32, #tpu.memory_space<hbm>> -> memref<80x128xi32, #tpu.memory_space<hbm>>
    %dma_start3A_4 = arith.constant 0 : i32
    %dma_start3A_5 = arith.constant 0 : i32
    %dma_start3A_6 = tpu.memref_slice %arg2[%add3A, %dma_start3A_4, %dma_start3A_5] : memref<32x80x128xi32, #tpu.memory_space<hbm>> -> memref<1x80x128xi32, #tpu.memory_space<hbm>>
    %dma_start3A_7 = tpu.memref_squeeze %dma_start3A_6 : memref<1x80x128xi32, #tpu.memory_space<hbm>> -> memref<80x128xi32, #tpu.memory_space<hbm>>
    tpu.enqueue_dma source(%dma_start3A_7 : memref<80x128xi32, #tpu.memory_space<hbm>>) target(%arg5 : memref<80x128xi32, #tpu.memory_space<vmem>>) target_semaphore(%arg8 : memref<!tpu.dma_semaphore, #tpu.memory_space<semaphore_mem>>)
    %dma_wait3A = arith.constant 0 : i32
    %dma_wait3A_8 = arith.constant 0 : i32
    %dma_wait3A_9 = tpu.memref_slice %arg2[%add3A, %dma_wait3A, %dma_wait3A_8] : memref<32x80x128xi32, #tpu.memory_space<hbm>> -> memref<1x80x128xi32, #tpu.memory_space<hbm>>
    %dma_wait3A_10 = tpu.memref_squeeze %dma_wait3A_9 : memref<1x80x128xi32, #tpu.memory_space<hbm>> -> memref<80x128xi32, #tpu.memory_space<hbm>>
    %dma_wait3A_11 = arith.constant 0 : i32
    %dma_wait3A_12 = arith.constant 0 : i32
    %dma_wait3A_13 = tpu.memref_slice %arg2[%add3A, %dma_wait3A_11, %dma_wait3A_12] : memref<32x80x128xi32, #tpu.memory_space<hbm>> -> memref<1x80x128xi32, #tpu.memory_space<hbm>>
    %dma_wait3A_14 = tpu.memref_squeeze %dma_wait3A_13 : memref<1x80x128xi32, #tpu.memory_space<hbm>> -> memref<80x128xi32, #tpu.memory_space<hbm>>
    tpu.wait_dma2 semaphore(%arg8 : memref<!tpu.dma_semaphore, #tpu.memory_space<semaphore_mem>>) src(%dma_wait3A_14 : memref<80x128xi32, #tpu.memory_space<hbm>>) dst(%arg5 : memref<80x128xi32, #tpu.memory_space<vmem>>)
    %scan3A = arith.constant 0 : i32
    %scan3A_15 = arith.constant 128 : i32
    %scan3A_16 = arith.addi %scan3A, %scan3A_15 : i32
    %scan3A_17 = arith.constant 1 : i32
    scf.for %scan3A_38 = %scan3A to %scan3A_16 step %scan3A_17  : i32 {
      %mul3A_39 = arith.constant 1 : i32
      %mul3A_40 = arith.muli %scan3A_38, %mul3A_39 : i32
      %add3A_41 = arith.constant 0 : i32
      %add3A_42 = arith.addi %add3A_41, %mul3A_40 : i32
      %scan3A_43 = arith.constant 0 : i32
      %scan3A_44 = arith.constant 8 : i32
      %scan3A_45 = arith.addi %scan3A_43, %scan3A_44 : i32
      %scan3A_46 = arith.constant 1 : i32
      scf.for %scan3A_48 = %scan3A_43 to %scan3A_45 step %scan3A_46  : i32 {
        %mul3A_49 = arith.constant 16 : i32
        %mul3A_50 = arith.muli %scan3A_48, %mul3A_49 : i32
        %add3A_51 = arith.constant 0 : i32
        %add3A_52 = arith.addi %add3A_51, %mul3A_50 : i32
        %broadcast_in_dim3A = arith.constant 1.000000e+00 : f32
        %broadcast_in_dim3A_53 = vector.broadcast %broadcast_in_dim3A : f32 to vector<16xf32>
        %swap3A = arith.index_cast %add3A_42 : i32 to index
        %swap3A_54 = arith.index_cast %add3A_52 : i32 to index
        %swap3A_55 = tpu.vector_load %arg6[%swap3A, %swap3A_54] {strides = array<i32>} : memref<128x128xf32, #tpu.memory_space<vmem>>, vector<1x16xf32>,
        %swap3A_56 = vector.shape_cast %swap3A_55 : vector<1x16xf32> to vector<16xf32>
        %swap3A_57 = vector.shape_cast %broadcast_in_dim3A_53 : vector<16xf32> to vector<1x16xf32>
        tpu.vector_store %arg6[%swap3A, %swap3A_54], %swap3A_57 {strides = array<i32>} : memref<128x128xf32, #tpu.memory_space<vmem>>, vector<1x16xf32>,
      }
      %scan3A_47 = arith.constant 8 : i32
    }
    %scan3A_18 = arith.constant 128 : i32
    %mul3A_19 = arith.constant 640 : i32
    %mul3A_20 = arith.muli %arg1, %mul3A_19 : i32
    %mul3A_21 = arith.constant 640 : i32
    %mul3A_22 = arith.muli %arg1, %mul3A_21 : i32
    "tpu.region"() ({
      %run_scoped3A = tpu.sem_alloc : memref<!tpu.dma_semaphore, #tpu.memory_space<semaphore_mem>>
      %dma_start3A_38 = arith.constant 0 : i32
      %dma_start3A_39 = tpu.memref_slice %arg7[%mul3A_22, %dma_start3A_38] : memref<10240x128xf32, #tpu.memory_space<vmem_shared>> -> memref<640x128xf32, #tpu.memory_space<vmem_shared>>
      %dma_start3A_40 = arith.constant 0 : i32
      %dma_start3A_41 = tpu.memref_slice %arg3[%mul3A_20, %dma_start3A_40] : memref<10240x128xf32, #tpu.memory_space<hbm>> -> memref<640x128xf32, #tpu.memory_space<hbm>>
      tpu.enqueue_dma source(%dma_start3A_41 : memref<640x128xf32, #tpu.memory_space<hbm>>) target(%dma_start3A_39 : memref<640x128xf32, #tpu.memory_space<vmem_shared>>) target_semaphore(%run_scoped3A : memref<!tpu.dma_semaphore, #tpu.memory_space<semaphore_mem>>)
      %dma_wait3A_42 = arith.constant 0 : i32
      %dma_wait3A_43 = tpu.memref_slice %arg7[%mul3A_22, %dma_wait3A_42] : memref<10240x128xf32, #tpu.memory_space<vmem_shared>> -> memref<640x128xf32, #tpu.memory_space<vmem_shared>>
      %dma_wait3A_44 = arith.constant 0 : i32
      %dma_wait3A_45 = tpu.memref_slice %arg3[%mul3A_20, %dma_wait3A_44] : memref<10240x128xf32, #tpu.memory_space<hbm>> -> memref<640x128xf32, #tpu.memory_space<hbm>>
      tpu.wait_dma2 semaphore(%run_scoped3A : memref<!tpu.dma_semaphore, #tpu.memory_space<semaphore_mem>>) src(%dma_wait3A_45 : memref<640x128xf32, #tpu.memory_space<hbm>>) dst(%dma_wait3A_43 : memref<640x128xf32, #tpu.memory_space<vmem_shared>>)
      tpu.yield
    }) : () -> ()
    %barrier3A = arith.constant 0 : index
    tpu.barrier barrier_id(%barrier3A)
    %scan3A_23 = arith.constant 0 : i32
    %scan3A_24 = arith.constant 80 : i32
    %scan3A_25 = arith.addi %scan3A_23, %scan3A_24 : i32
    %scan3A_26 = arith.constant 1 : i32
    scf.for %scan3A_38 = %scan3A_23 to %scan3A_25 step %scan3A_26  : i32 {
      %mul3A_39 = arith.constant 1 : i32
      %mul3A_40 = arith.muli %scan3A_38, %mul3A_39 : i32
      %add3A_41 = arith.constant 0 : i32
      %add3A_42 = arith.addi %add3A_41, %mul3A_40 : i32
      %dma_start3A_43 = arith.constant 0 : i32
      %dma_start3A_44 = tpu.memref_slice %arg5[%add3A_42, %dma_start3A_43] : memref<80x128xi32, #tpu.memory_space<vmem>> -> memref<1x128xi32, #tpu.memory_space<vmem>>
      %dma_start3A_45 = tpu.memref_squeeze %dma_start3A_44 : memref<1x128xi32, #tpu.memory_space<vmem>> -> memref<128xi32, #tpu.memory_space<vmem>>
      %dma_start3A_46 = arith.constant 0 : i32
      %dma_start3A_47 = arith.constant 0 : i32
      %dma_start3A_48 = tpu.memref_slice %arg7[%dma_start3A_46, %dma_start3A_47] : memref<10240x128xf32, #tpu.memory_space<vmem_shared>> -> memref<10240x128xf32, #tpu.memory_space<vmem_shared>>
      tpu.enqueue_indirect_dma source(%arg6 : memref<128x128xf32, #tpu.memory_space<vmem>>) target(%dma_start3A_48 : memref<10240x128xf32, #tpu.memory_space<vmem_shared>>) offsets(%dma_start3A_45 : memref<128xi32, #tpu.memory_space<vmem>>) semaphore(%arg8 : memref<!tpu.dma_semaphore, #tpu.memory_space<semaphore_mem>>) {add = true}
    }
    %scan3A_27 = arith.constant 80 : i32
    %scan3A_28 = arith.constant 0 : i32
    %scan3A_29 = arith.constant 80 : i32
    %scan3A_30 = arith.addi %scan3A_28, %scan3A_29 : i32
    %scan3A_31 = arith.constant 1 : i32
    scf.for %scan3A_38 = %scan3A_28 to %scan3A_30 step %scan3A_31  : i32 {
      %mul3A_39 = arith.constant 1 : i32
      %mul3A_40 = arith.muli %scan3A_38, %mul3A_39 : i32
      %add3A_41 = arith.constant 0 : i32
      %add3A_42 = arith.addi %add3A_41, %mul3A_40 : i32
      %dma_wait3A_43 = arith.constant 0 : i32
      %dma_wait3A_44 = tpu.memref_slice %arg5[%add3A_42, %dma_wait3A_43] : memref<80x128xi32, #tpu.memory_space<vmem>> -> memref<1x128xi32, #tpu.memory_space<vmem>>
      %dma_wait3A_45 = tpu.memref_squeeze %dma_wait3A_44 : memref<1x128xi32, #tpu.memory_space<vmem>> -> memref<128xi32, #tpu.memory_space<vmem>>
      %dma_wait3A_46 = arith.constant 0 : i32
      %dma_wait3A_47 = arith.constant 0 : i32
      %dma_wait3A_48 = tpu.memref_slice %arg7[%dma_wait3A_46, %dma_wait3A_47] : memref<10240x128xf32, #tpu.memory_space<vmem_shared>> -> memref<10240x128xf32, #tpu.memory_space<vmem_shared>>
      tpu.wait_indirect_dma semaphore(%arg8 : memref<!tpu.dma_semaphore, #tpu.memory_space<semaphore_mem>>) src(%arg6 : memref<128x128xf32, #tpu.memory_space<vmem>>) dst(%dma_wait3A_48 : memref<10240x128xf32, #tpu.memory_space<vmem_shared>>)
    }
    %scan3A_32 = arith.constant 80 : i32
    %barrier3A_33 = arith.constant 0 : index
    tpu.barrier barrier_id(%barrier3A_33)
    %mul3A_34 = arith.constant 640 : i32
    %mul3A_35 = arith.muli %arg1, %mul3A_34 : i32
    %mul3A_36 = arith.constant 640 : i32
    %mul3A_37 = arith.muli %arg1, %mul3A_36 : i32
    "tpu.region"() ({
      %run_scoped3A = tpu.sem_alloc : memref<!tpu.dma_semaphore, #tpu.memory_space<semaphore_mem>>
      %dma_start3A_38 = arith.constant 0 : i32
      %dma_start3A_39 = tpu.memref_slice %arg4[%arg0, %mul3A_37, %dma_start3A_38] : memref<2x10240x128xf32, #tpu.memory_space<hbm>> -> memref<1x640x128xf32, #tpu.memory_space<hbm>>
      %dma_start3A_40 = tpu.memref_squeeze %dma_start3A_39 : memref<1x640x128xf32, #tpu.memory_space<hbm>> -> memref<640x128xf32, #tpu.memory_space<hbm>>
      %dma_start3A_41 = arith.constant 0 : i32
      %dma_start3A_42 = tpu.memref_slice %arg7[%mul3A_35, %dma_start3A_41] : memref<10240x128xf32, #tpu.memory_space<vmem_shared>> -> memref<640x128xf32, #tpu.memory_space<vmem_shared>>
      tpu.enqueue_dma source(%dma_start3A_42 : memref<640x128xf32, #tpu.memory_space<vmem_shared>>) target(%dma_start3A_40 : memref<640x128xf32, #tpu.memory_space<hbm>>) target_semaphore(%run_scoped3A : memref<!tpu.dma_semaphore, #tpu.memory_space<semaphore_mem>>)
      %dma_wait3A_43 = arith.constant 0 : i32
      %dma_wait3A_44 = tpu.memref_slice %arg4[%arg0, %mul3A_37, %dma_wait3A_43] : memref<2x10240x128xf32, #tpu.memory_space<hbm>> -> memref<1x640x128xf32, #tpu.memory_space<hbm>>
      %dma_wait3A_45 = tpu.memref_squeeze %dma_wait3A_44 : memref<1x640x128xf32, #tpu.memory_space<hbm>> -> memref<640x128xf32, #tpu.memory_space<hbm>>
      %dma_wait3A_46 = arith.constant 0 : i32
      %dma_wait3A_47 = tpu.memref_slice %arg7[%mul3A_35, %dma_wait3A_46] : memref<10240x128xf32, #tpu.memory_space<vmem_shared>> -> memref<640x128xf32, #tpu.memory_space<vmem_shared>>
      tpu.wait_dma2 semaphore(%run_scoped3A : memref<!tpu.dma_semaphore, #tpu.memory_space<semaphore_mem>>) src(%dma_wait3A_47 : memref<640x128xf32, #tpu.memory_space<vmem_shared>>) dst(%dma_wait3A_45 : memref<640x128xf32, #tpu.memory_space<hbm>>)
      tpu.yield
    }) : () -> ()
    return
  }
}

#map = affine_map<(d0, d1) -> (0, 0)>
#map1 = affine_map<(d0, d1) -> (0, 0, 0)>
module attributes {stable_mosaic.version = 14 : i64} {
  func.func @_agg_kernel(%arg0: i32, %arg1: i32, %arg2: memref<10240x128xf32, #tpu.memory_space<hbm>>, %arg3: memref<32x80x128xi32, #tpu.memory_space<hbm>>, %arg4: memref<32x80x128xi32, #tpu.memory_space<hbm>>, %arg5: memref<10240x128xf32, #tpu.memory_space<hbm>>, %arg6: memref<2x10240x128xf32, #tpu.memory_space<hbm>>, %arg7: memref<40x128xi32, #tpu.memory_space<vmem>>, %arg8: memref<40x128xi32, #tpu.memory_space<vmem>>, %arg9: memref<128x128xf32, #tpu.memory_space<vmem>>, %arg10: memref<128x128xf32, #tpu.memory_space<vmem>>, %arg11: memref<10240x128xf32, #tpu.memory_space<vmem_shared>>, %arg12: memref<!tpu.dma_semaphore, #tpu.memory_space<semaphore_mem>>, %arg13: memref<!tpu.dma_semaphore, #tpu.memory_space<semaphore_mem>>, %arg14: memref<!tpu.dma_semaphore, #tpu.memory_space<semaphore_mem>>, %arg15: memref<!tpu.dma_semaphore, #tpu.memory_space<semaphore_mem>>, %arg16: memref<!tpu.dma_semaphore, #tpu.memory_space<semaphore_mem>>) attributes {dimension_semantics = [#tpu.dimension_semantics<core_parallel>, #tpu.dimension_semantics<subcore_parallel>], iteration_bounds = array<i64: 2, 16>, scalar_prefetch = 0 : i64, scratch_operands = 10 : i64, tpu.core_type = #tpu.core_type<sc_vector_subcore>, window_params = [{transform_indices = #map}, {transform_indices = #map1}, {transform_indices = #map1}, {transform_indices = #map}, {transform_indices = #map1}]} {
    %mul3A = arith.constant 16 : i32
    %mul3A_0 = arith.muli %arg0, %mul3A : i32
    %add3A = arith.addi %mul3A_0, %arg1 : i32
    %mul3A_1 = arith.constant 640 : i32
    %mul3A_2 = arith.muli %arg1, %mul3A_1 : i32
    %mul3A_3 = arith.constant 640 : i32
    %mul3A_4 = arith.muli %arg1, %mul3A_3 : i32
    "tpu.region"() ({
      %run_scoped3A_140 = tpu.sem_alloc : memref<!tpu.dma_semaphore, #tpu.memory_space<semaphore_mem>>
      %dma_start3A_141 = arith.constant 0 : i32
      %dma_start3A_142 = tpu.memref_slice %arg11[%mul3A_4, %dma_start3A_141] : memref<10240x128xf32, #tpu.memory_space<vmem_shared>> -> memref<640x128xf32, #tpu.memory_space<vmem_shared>>
      %dma_start3A_143 = arith.constant 0 : i32
      %dma_start3A_144 = tpu.memref_slice %arg5[%mul3A_2, %dma_start3A_143] : memref<10240x128xf32, #tpu.memory_space<hbm>> -> memref<640x128xf32, #tpu.memory_space<hbm>>
      tpu.enqueue_dma source(%dma_start3A_144 : memref<640x128xf32, #tpu.memory_space<hbm>>) target(%dma_start3A_142 : memref<640x128xf32, #tpu.memory_space<vmem_shared>>) target_semaphore(%run_scoped3A_140 : memref<!tpu.dma_semaphore, #tpu.memory_space<semaphore_mem>>)
      %dma_wait3A_145 = arith.constant 0 : i32
      %dma_wait3A_146 = tpu.memref_slice %arg11[%mul3A_4, %dma_wait3A_145] : memref<10240x128xf32, #tpu.memory_space<vmem_shared>> -> memref<640x128xf32, #tpu.memory_space<vmem_shared>>
      %dma_wait3A_147 = arith.constant 0 : i32
      %dma_wait3A_148 = tpu.memref_slice %arg5[%mul3A_2, %dma_wait3A_147] : memref<10240x128xf32, #tpu.memory_space<hbm>> -> memref<640x128xf32, #tpu.memory_space<hbm>>
      tpu.wait_dma2 semaphore(%run_scoped3A_140 : memref<!tpu.dma_semaphore, #tpu.memory_space<semaphore_mem>>) src(%dma_wait3A_148 : memref<640x128xf32, #tpu.memory_space<hbm>>) dst(%dma_wait3A_146 : memref<640x128xf32, #tpu.memory_space<vmem_shared>>)
      tpu.yield
    }) : () -> ()
    %barrier3A = arith.constant 0 : index
    tpu.barrier barrier_id(%barrier3A)
    %dma_start3A = arith.constant 0 : i32
    %dma_start3A_5 = arith.constant 0 : i32
    %dma_start3A_6 = tpu.memref_slice %arg3[%add3A, %dma_start3A, %dma_start3A_5] : memref<32x80x128xi32, #tpu.memory_space<hbm>> -> memref<1x40x128xi32, #tpu.memory_space<hbm>>
    %dma_start3A_7 = tpu.memref_squeeze %dma_start3A_6 : memref<1x40x128xi32, #tpu.memory_space<hbm>> -> memref<40x128xi32, #tpu.memory_space<hbm>>
    %dma_start3A_8 = arith.constant 0 : i32
    %dma_start3A_9 = arith.constant 0 : i32
    %dma_start3A_10 = tpu.memref_slice %arg3[%add3A, %dma_start3A_8, %dma_start3A_9] : memref<32x80x128xi32, #tpu.memory_space<hbm>> -> memref<1x40x128xi32, #tpu.memory_space<hbm>>
    %dma_start3A_11 = tpu.memref_squeeze %dma_start3A_10 : memref<1x40x128xi32, #tpu.memory_space<hbm>> -> memref<40x128xi32, #tpu.memory_space<hbm>>
    tpu.enqueue_dma source(%dma_start3A_11 : memref<40x128xi32, #tpu.memory_space<hbm>>) target(%arg7 : memref<40x128xi32, #tpu.memory_space<vmem>>) target_semaphore(%arg16 : memref<!tpu.dma_semaphore, #tpu.memory_space<semaphore_mem>>)
    %dma_wait3A = arith.constant 0 : i32
    %dma_wait3A_12 = arith.constant 0 : i32
    %dma_wait3A_13 = tpu.memref_slice %arg3[%add3A, %dma_wait3A, %dma_wait3A_12] : memref<32x80x128xi32, #tpu.memory_space<hbm>> -> memref<1x40x128xi32, #tpu.memory_space<hbm>>
    %dma_wait3A_14 = tpu.memref_squeeze %dma_wait3A_13 : memref<1x40x128xi32, #tpu.memory_space<hbm>> -> memref<40x128xi32, #tpu.memory_space<hbm>>
    %dma_wait3A_15 = arith.constant 0 : i32
    %dma_wait3A_16 = arith.constant 0 : i32
    %dma_wait3A_17 = tpu.memref_slice %arg3[%add3A, %dma_wait3A_15, %dma_wait3A_16] : memref<32x80x128xi32, #tpu.memory_space<hbm>> -> memref<1x40x128xi32, #tpu.memory_space<hbm>>
    %dma_wait3A_18 = tpu.memref_squeeze %dma_wait3A_17 : memref<1x40x128xi32, #tpu.memory_space<hbm>> -> memref<40x128xi32, #tpu.memory_space<hbm>>
    tpu.wait_dma2 semaphore(%arg16 : memref<!tpu.dma_semaphore, #tpu.memory_space<semaphore_mem>>) src(%dma_wait3A_18 : memref<40x128xi32, #tpu.memory_space<hbm>>) dst(%arg7 : memref<40x128xi32, #tpu.memory_space<vmem>>)
    %dma_start3A_19 = arith.constant 0 : i32
    %dma_start3A_20 = arith.constant 0 : i32
    %dma_start3A_21 = tpu.memref_slice %arg4[%add3A, %dma_start3A_19, %dma_start3A_20] : memref<32x80x128xi32, #tpu.memory_space<hbm>> -> memref<1x40x128xi32, #tpu.memory_space<hbm>>
    %dma_start3A_22 = tpu.memref_squeeze %dma_start3A_21 : memref<1x40x128xi32, #tpu.memory_space<hbm>> -> memref<40x128xi32, #tpu.memory_space<hbm>>
    %dma_start3A_23 = arith.constant 0 : i32
    %dma_start3A_24 = arith.constant 0 : i32
    %dma_start3A_25 = tpu.memref_slice %arg4[%add3A, %dma_start3A_23, %dma_start3A_24] : memref<32x80x128xi32, #tpu.memory_space<hbm>> -> memref<1x40x128xi32, #tpu.memory_space<hbm>>
    %dma_start3A_26 = tpu.memref_squeeze %dma_start3A_25 : memref<1x40x128xi32, #tpu.memory_space<hbm>> -> memref<40x128xi32, #tpu.memory_space<hbm>>
    tpu.enqueue_dma source(%dma_start3A_26 : memref<40x128xi32, #tpu.memory_space<hbm>>) target(%arg8 : memref<40x128xi32, #tpu.memory_space<vmem>>) target_semaphore(%arg16 : memref<!tpu.dma_semaphore, #tpu.memory_space<semaphore_mem>>)
    %dma_wait3A_27 = arith.constant 0 : i32
    %dma_wait3A_28 = arith.constant 0 : i32
    %dma_wait3A_29 = tpu.memref_slice %arg4[%add3A, %dma_wait3A_27, %dma_wait3A_28] : memref<32x80x128xi32, #tpu.memory_space<hbm>> -> memref<1x40x128xi32, #tpu.memory_space<hbm>>
    %dma_wait3A_30 = tpu.memref_squeeze %dma_wait3A_29 : memref<1x40x128xi32, #tpu.memory_space<hbm>> -> memref<40x128xi32, #tpu.memory_space<hbm>>
    %dma_wait3A_31 = arith.constant 0 : i32
    %dma_wait3A_32 = arith.constant 0 : i32
    %dma_wait3A_33 = tpu.memref_slice %arg4[%add3A, %dma_wait3A_31, %dma_wait3A_32] : memref<32x80x128xi32, #tpu.memory_space<hbm>> -> memref<1x40x128xi32, #tpu.memory_space<hbm>>
    %dma_wait3A_34 = tpu.memref_squeeze %dma_wait3A_33 : memref<1x40x128xi32, #tpu.memory_space<hbm>> -> memref<40x128xi32, #tpu.memory_space<hbm>>
    tpu.wait_dma2 semaphore(%arg16 : memref<!tpu.dma_semaphore, #tpu.memory_space<semaphore_mem>>) src(%dma_wait3A_34 : memref<40x128xi32, #tpu.memory_space<hbm>>) dst(%arg8 : memref<40x128xi32, #tpu.memory_space<vmem>>)
    %dma_start3A_35 = arith.constant 0 : i32
    %dma_start3A_36 = arith.constant 0 : i32
    %dma_start3A_37 = tpu.memref_slice %arg7[%dma_start3A_35, %dma_start3A_36] : memref<40x128xi32, #tpu.memory_space<vmem>> -> memref<1x128xi32, #tpu.memory_space<vmem>>
    %dma_start3A_38 = tpu.memref_squeeze %dma_start3A_37 : memref<1x128xi32, #tpu.memory_space<vmem>> -> memref<128xi32, #tpu.memory_space<vmem>>
    %dma_start3A_39 = arith.constant 0 : i32
    %dma_start3A_40 = arith.constant 0 : i32
    %dma_start3A_41 = tpu.memref_slice %arg2[%dma_start3A_39, %dma_start3A_40] : memref<10240x128xf32, #tpu.memory_space<hbm>> -> memref<10240x128xf32, #tpu.memory_space<hbm>>
    tpu.enqueue_indirect_dma source(%dma_start3A_41 : memref<10240x128xf32, #tpu.memory_space<hbm>>) target(%arg9 : memref<128x128xf32, #tpu.memory_space<vmem>>) offsets(%dma_start3A_38 : memref<128xi32, #tpu.memory_space<vmem>>) semaphore(%arg12 : memref<!tpu.dma_semaphore, #tpu.memory_space<semaphore_mem>>)
    %dma_start3A_42 = arith.constant 1 : i32
    %dma_start3A_43 = arith.constant 0 : i32
    %dma_start3A_44 = tpu.memref_slice %arg7[%dma_start3A_42, %dma_start3A_43] : memref<40x128xi32, #tpu.memory_space<vmem>> -> memref<1x128xi32, #tpu.memory_space<vmem>>
    %dma_start3A_45 = tpu.memref_squeeze %dma_start3A_44 : memref<1x128xi32, #tpu.memory_space<vmem>> -> memref<128xi32, #tpu.memory_space<vmem>>
    %dma_start3A_46 = arith.constant 0 : i32
    %dma_start3A_47 = arith.constant 0 : i32
    %dma_start3A_48 = tpu.memref_slice %arg2[%dma_start3A_46, %dma_start3A_47] : memref<10240x128xf32, #tpu.memory_space<hbm>> -> memref<10240x128xf32, #tpu.memory_space<hbm>>
    tpu.enqueue_indirect_dma source(%dma_start3A_48 : memref<10240x128xf32, #tpu.memory_space<hbm>>) target(%arg10 : memref<128x128xf32, #tpu.memory_space<vmem>>) offsets(%dma_start3A_45 : memref<128xi32, #tpu.memory_space<vmem>>) semaphore(%arg13 : memref<!tpu.dma_semaphore, #tpu.memory_space<semaphore_mem>>)
    %scan3A = arith.constant 0 : i32
    %scan3A_49 = arith.constant 19 : i32
    %scan3A_50 = arith.addi %scan3A, %scan3A_49 : i32
    %scan3A_51 = arith.constant 1 : i32
    scf.for %scan3A_140 = %scan3A to %scan3A_50 step %scan3A_51  : i32 {
      %mul3A_141 = arith.constant 2 : i32
      %mul3A_142 = arith.muli %scan3A_140, %mul3A_141 : i32
      %add3A_143 = arith.constant 0 : i32
      %add3A_144 = arith.addi %add3A_143, %mul3A_142 : i32
      %dma_wait3A_145 = arith.constant 0 : i32
      %dma_wait3A_146 = tpu.memref_slice %arg7[%add3A_144, %dma_wait3A_145] : memref<40x128xi32, #tpu.memory_space<vmem>> -> memref<1x128xi32, #tpu.memory_space<vmem>>
      %dma_wait3A_147 = tpu.memref_squeeze %dma_wait3A_146 : memref<1x128xi32, #tpu.memory_space<vmem>> -> memref<128xi32, #tpu.memory_space<vmem>>
      %dma_wait3A_148 = arith.constant 0 : i32
      %dma_wait3A_149 = arith.constant 0 : i32
      %dma_wait3A_150 = tpu.memref_slice %arg2[%dma_wait3A_148, %dma_wait3A_149] : memref<10240x128xf32, #tpu.memory_space<hbm>> -> memref<10240x128xf32, #tpu.memory_space<hbm>>
      tpu.wait_indirect_dma semaphore(%arg12 : memref<!tpu.dma_semaphore, #tpu.memory_space<semaphore_mem>>) src(%dma_wait3A_150 : memref<10240x128xf32, #tpu.memory_space<hbm>>) dst(%arg9 : memref<128x128xf32, #tpu.memory_space<vmem>>)
      "tpu.region"() ({
        %run_scoped3A_177 = tpu.sem_alloc : memref<!tpu.dma_semaphore, #tpu.memory_space<semaphore_mem>>
        %dma_start3A_178 = arith.constant 0 : i32
        %dma_start3A_179 = tpu.memref_slice %arg8[%add3A_144, %dma_start3A_178] : memref<40x128xi32, #tpu.memory_space<vmem>> -> memref<1x128xi32, #tpu.memory_space<vmem>>
        %dma_start3A_180 = tpu.memref_squeeze %dma_start3A_179 : memref<1x128xi32, #tpu.memory_space<vmem>> -> memref<128xi32, #tpu.memory_space<vmem>>
        %dma_start3A_181 = arith.constant 0 : i32
        %dma_start3A_182 = arith.constant 0 : i32
        %dma_start3A_183 = tpu.memref_slice %arg11[%dma_start3A_181, %dma_start3A_182] : memref<10240x128xf32, #tpu.memory_space<vmem_shared>> -> memref<10240x128xf32, #tpu.memory_space<vmem_shared>>
        tpu.enqueue_indirect_dma source(%arg9 : memref<128x128xf32, #tpu.memory_space<vmem>>) target(%dma_start3A_183 : memref<10240x128xf32, #tpu.memory_space<vmem_shared>>) offsets(%dma_start3A_180 : memref<128xi32, #tpu.memory_space<vmem>>) semaphore(%run_scoped3A_177 : memref<!tpu.dma_semaphore, #tpu.memory_space<semaphore_mem>>) {add = true}
        %dma_wait3A_184 = arith.constant 0 : i32
        %dma_wait3A_185 = tpu.memref_slice %arg8[%add3A_144, %dma_wait3A_184] : memref<40x128xi32, #tpu.memory_space<vmem>> -> memref<1x128xi32, #tpu.memory_space<vmem>>
        %dma_wait3A_186 = tpu.memref_squeeze %dma_wait3A_185 : memref<1x128xi32, #tpu.memory_space<vmem>> -> memref<128xi32, #tpu.memory_space<vmem>>
        %dma_wait3A_187 = arith.constant 0 : i32
        %dma_wait3A_188 = arith.constant 0 : i32
        %dma_wait3A_189 = tpu.memref_slice %arg11[%dma_wait3A_187, %dma_wait3A_188] : memref<10240x128xf32, #tpu.memory_space<vmem_shared>> -> memref<10240x128xf32, #tpu.memory_space<vmem_shared>>
        tpu.wait_indirect_dma semaphore(%run_scoped3A_177 : memref<!tpu.dma_semaphore, #tpu.memory_space<semaphore_mem>>) src(%arg9 : memref<128x128xf32, #tpu.memory_space<vmem>>) dst(%dma_wait3A_189 : memref<10240x128xf32, #tpu.memory_space<vmem_shared>>)
        tpu.yield
      }) : () -> ()
      %add3A_151 = arith.constant 2 : i32
      %add3A_152 = arith.addi %add3A_144, %add3A_151 : i32
      %dma_start3A_153 = arith.constant 0 : i32
      %dma_start3A_154 = tpu.memref_slice %arg7[%add3A_152, %dma_start3A_153] : memref<40x128xi32, #tpu.memory_space<vmem>> -> memref<1x128xi32, #tpu.memory_space<vmem>>
      %dma_start3A_155 = tpu.memref_squeeze %dma_start3A_154 : memref<1x128xi32, #tpu.memory_space<vmem>> -> memref<128xi32, #tpu.memory_space<vmem>>
      %dma_start3A_156 = arith.constant 0 : i32
      %dma_start3A_157 = arith.constant 0 : i32
      %dma_start3A_158 = tpu.memref_slice %arg2[%dma_start3A_156, %dma_start3A_157] : memref<10240x128xf32, #tpu.memory_space<hbm>> -> memref<10240x128xf32, #tpu.memory_space<hbm>>
      tpu.enqueue_indirect_dma source(%dma_start3A_158 : memref<10240x128xf32, #tpu.memory_space<hbm>>) target(%arg9 : memref<128x128xf32, #tpu.memory_space<vmem>>) offsets(%dma_start3A_155 : memref<128xi32, #tpu.memory_space<vmem>>) semaphore(%arg12 : memref<!tpu.dma_semaphore, #tpu.memory_space<semaphore_mem>>)
      %add3A_159 = arith.constant 1 : i32
      %add3A_160 = arith.addi %add3A_144, %add3A_159 : i32
      %dma_wait3A_161 = arith.constant 0 : i32
      %dma_wait3A_162 = tpu.memref_slice %arg7[%add3A_160, %dma_wait3A_161] : memref<40x128xi32, #tpu.memory_space<vmem>> -> memref<1x128xi32, #tpu.memory_space<vmem>>
      %dma_wait3A_163 = tpu.memref_squeeze %dma_wait3A_162 : memref<1x128xi32, #tpu.memory_space<vmem>> -> memref<128xi32, #tpu.memory_space<vmem>>
      %dma_wait3A_164 = arith.constant 0 : i32
      %dma_wait3A_165 = arith.constant 0 : i32
      %dma_wait3A_166 = tpu.memref_slice %arg2[%dma_wait3A_164, %dma_wait3A_165] : memref<10240x128xf32, #tpu.memory_space<hbm>> -> memref<10240x128xf32, #tpu.memory_space<hbm>>
      tpu.wait_indirect_dma semaphore(%arg13 : memref<!tpu.dma_semaphore, #tpu.memory_space<semaphore_mem>>) src(%dma_wait3A_166 : memref<10240x128xf32, #tpu.memory_space<hbm>>) dst(%arg10 : memref<128x128xf32, #tpu.memory_space<vmem>>)
      %add3A_167 = arith.constant 1 : i32
      %add3A_168 = arith.addi %add3A_144, %add3A_167 : i32
      "tpu.region"() ({
        %run_scoped3A_177 = tpu.sem_alloc : memref<!tpu.dma_semaphore, #tpu.memory_space<semaphore_mem>>
        %dma_start3A_178 = arith.constant 0 : i32
        %dma_start3A_179 = tpu.memref_slice %arg8[%add3A_168, %dma_start3A_178] : memref<40x128xi32, #tpu.memory_space<vmem>> -> memref<1x128xi32, #tpu.memory_space<vmem>>
        %dma_start3A_180 = tpu.memref_squeeze %dma_start3A_179 : memref<1x128xi32, #tpu.memory_space<vmem>> -> memref<128xi32, #tpu.memory_space<vmem>>
        %dma_start3A_181 = arith.constant 0 : i32
        %dma_start3A_182 = arith.constant 0 : i32
        %dma_start3A_183 = tpu.memref_slice %arg11[%dma_start3A_181, %dma_start3A_182] : memref<10240x128xf32, #tpu.memory_space<vmem_shared>> -> memref<10240x128xf32, #tpu.memory_space<vmem_shared>>
        tpu.enqueue_indirect_dma source(%arg10 : memref<128x128xf32, #tpu.memory_space<vmem>>) target(%dma_start3A_183 : memref<10240x128xf32, #tpu.memory_space<vmem_shared>>) offsets(%dma_start3A_180 : memref<128xi32, #tpu.memory_space<vmem>>) semaphore(%run_scoped3A_177 : memref<!tpu.dma_semaphore, #tpu.memory_space<semaphore_mem>>) {add = true}
        %dma_wait3A_184 = arith.constant 0 : i32
        %dma_wait3A_185 = tpu.memref_slice %arg8[%add3A_168, %dma_wait3A_184] : memref<40x128xi32, #tpu.memory_space<vmem>> -> memref<1x128xi32, #tpu.memory_space<vmem>>
        %dma_wait3A_186 = tpu.memref_squeeze %dma_wait3A_185 : memref<1x128xi32, #tpu.memory_space<vmem>> -> memref<128xi32, #tpu.memory_space<vmem>>
        %dma_wait3A_187 = arith.constant 0 : i32
        %dma_wait3A_188 = arith.constant 0 : i32
        %dma_wait3A_189 = tpu.memref_slice %arg11[%dma_wait3A_187, %dma_wait3A_188] : memref<10240x128xf32, #tpu.memory_space<vmem_shared>> -> memref<10240x128xf32, #tpu.memory_space<vmem_shared>>
        tpu.wait_indirect_dma semaphore(%run_scoped3A_177 : memref<!tpu.dma_semaphore, #tpu.memory_space<semaphore_mem>>) src(%arg10 : memref<128x128xf32, #tpu.memory_space<vmem>>) dst(%dma_wait3A_189 : memref<10240x128xf32, #tpu.memory_space<vmem_shared>>)
        tpu.yield
      }) : () -> ()
      %add3A_169 = arith.constant 3 : i32
      %add3A_170 = arith.addi %add3A_144, %add3A_169 : i32
      %dma_start3A_171 = arith.constant 0 : i32
      %dma_start3A_172 = tpu.memref_slice %arg7[%add3A_170, %dma_start3A_171] : memref<40x128xi32, #tpu.memory_space<vmem>> -> memref<1x128xi32, #tpu.memory_space<vmem>>
      %dma_start3A_173 = tpu.memref_squeeze %dma_start3A_172 : memref<1x128xi32, #tpu.memory_space<vmem>> -> memref<128xi32, #tpu.memory_space<vmem>>
      %dma_start3A_174 = arith.constant 0 : i32
      %dma_start3A_175 = arith.constant 0 : i32
      %dma_start3A_176 = tpu.memref_slice %arg2[%dma_start3A_174, %dma_start3A_175] : memref<10240x128xf32, #tpu.memory_space<hbm>> -> memref<10240x128xf32, #tpu.memory_space<hbm>>
      tpu.enqueue_indirect_dma source(%dma_start3A_176 : memref<10240x128xf32, #tpu.memory_space<hbm>>) target(%arg10 : memref<128x128xf32, #tpu.memory_space<vmem>>) offsets(%dma_start3A_173 : memref<128xi32, #tpu.memory_space<vmem>>) semaphore(%arg13 : memref<!tpu.dma_semaphore, #tpu.memory_space<semaphore_mem>>)
    }
    %scan3A_52 = arith.constant 19 : i32
    %dma_wait3A_53 = arith.constant 38 : i32
    %dma_wait3A_54 = arith.constant 0 : i32
    %dma_wait3A_55 = tpu.memref_slice %arg7[%dma_wait3A_53, %dma_wait3A_54] : memref<40x128xi32, #tpu.memory_space<vmem>> -> memref<1x128xi32, #tpu.memory_space<vmem>>
    %dma_wait3A_56 = tpu.memref_squeeze %dma_wait3A_55 : memref<1x128xi32, #tpu.memory_space<vmem>> -> memref<128xi32, #tpu.memory_space<vmem>>
    %dma_wait3A_57 = arith.constant 0 : i32
    %dma_wait3A_58 = arith.constant 0 : i32
    %dma_wait3A_59 = tpu.memref_slice %arg2[%dma_wait3A_57, %dma_wait3A_58] : memref<10240x128xf32, #tpu.memory_space<hbm>> -> memref<10240x128xf32, #tpu.memory_space<hbm>>
    tpu.wait_indirect_dma semaphore(%arg12 : memref<!tpu.dma_semaphore, #tpu.memory_space<semaphore_mem>>) src(%dma_wait3A_59 : memref<10240x128xf32, #tpu.memory_space<hbm>>) dst(%arg9 : memref<128x128xf32, #tpu.memory_space<vmem>>)
    %run_scoped3A = arith.constant 38 : i32
    "tpu.region"() ({
      %run_scoped3A_140 = tpu.sem_alloc : memref<!tpu.dma_semaphore, #tpu.memory_space<semaphore_mem>>
      %dma_start3A_141 = arith.constant 0 : i32
      %dma_start3A_142 = tpu.memref_slice %arg8[%run_scoped3A, %dma_start3A_141] : memref<40x128xi32, #tpu.memory_space<vmem>> -> memref<1x128xi32, #tpu.memory_space<vmem>>
      %dma_start3A_143 = tpu.memref_squeeze %dma_start3A_142 : memref<1x128xi32, #tpu.memory_space<vmem>> -> memref<128xi32, #tpu.memory_space<vmem>>
      %dma_start3A_144 = arith.constant 0 : i32
      %dma_start3A_145 = arith.constant 0 : i32
      %dma_start3A_146 = tpu.memref_slice %arg11[%dma_start3A_144, %dma_start3A_145] : memref<10240x128xf32, #tpu.memory_space<vmem_shared>> -> memref<10240x128xf32, #tpu.memory_space<vmem_shared>>
      tpu.enqueue_indirect_dma source(%arg9 : memref<128x128xf32, #tpu.memory_space<vmem>>) target(%dma_start3A_146 : memref<10240x128xf32, #tpu.memory_space<vmem_shared>>) offsets(%dma_start3A_143 : memref<128xi32, #tpu.memory_space<vmem>>) semaphore(%run_scoped3A_140 : memref<!tpu.dma_semaphore, #tpu.memory_space<semaphore_mem>>) {add = true}
      %dma_wait3A_147 = arith.constant 0 : i32
      %dma_wait3A_148 = tpu.memref_slice %arg8[%run_scoped3A, %dma_wait3A_147] : memref<40x128xi32, #tpu.memory_space<vmem>> -> memref<1x128xi32, #tpu.memory_space<vmem>>
      %dma_wait3A_149 = tpu.memref_squeeze %dma_wait3A_148 : memref<1x128xi32, #tpu.memory_space<vmem>> -> memref<128xi32, #tpu.memory_space<vmem>>
      %dma_wait3A_150 = arith.constant 0 : i32
      %dma_wait3A_151 = arith.constant 0 : i32
      %dma_wait3A_152 = tpu.memref_slice %arg11[%dma_wait3A_150, %dma_wait3A_151] : memref<10240x128xf32, #tpu.memory_space<vmem_shared>> -> memref<10240x128xf32, #tpu.memory_space<vmem_shared>>
      tpu.wait_indirect_dma semaphore(%run_scoped3A_140 : memref<!tpu.dma_semaphore, #tpu.memory_space<semaphore_mem>>) src(%arg9 : memref<128x128xf32, #tpu.memory_space<vmem>>) dst(%dma_wait3A_152 : memref<10240x128xf32, #tpu.memory_space<vmem_shared>>)
      tpu.yield
    }) : () -> ()
    %dma_wait3A_60 = arith.constant 39 : i32
    %dma_wait3A_61 = arith.constant 0 : i32
    %dma_wait3A_62 = tpu.memref_slice %arg7[%dma_wait3A_60, %dma_wait3A_61] : memref<40x128xi32, #tpu.memory_space<vmem>> -> memref<1x128xi32, #tpu.memory_space<vmem>>
    %dma_wait3A_63 = tpu.memref_squeeze %dma_wait3A_62 : memref<1x128xi32, #tpu.memory_space<vmem>> -> memref<128xi32, #tpu.memory_space<vmem>>
    %dma_wait3A_64 = arith.constant 0 : i32
    %dma_wait3A_65 = arith.constant 0 : i32
    %dma_wait3A_66 = tpu.memref_slice %arg2[%dma_wait3A_64, %dma_wait3A_65] : memref<10240x128xf32, #tpu.memory_space<hbm>> -> memref<10240x128xf32, #tpu.memory_space<hbm>>
    tpu.wait_indirect_dma semaphore(%arg13 : memref<!tpu.dma_semaphore, #tpu.memory_space<semaphore_mem>>) src(%dma_wait3A_66 : memref<10240x128xf32, #tpu.memory_space<hbm>>) dst(%arg10 : memref<128x128xf32, #tpu.memory_space<vmem>>)
    %run_scoped3A_67 = arith.constant 39 : i32
    "tpu.region"() ({
      %run_scoped3A_140 = tpu.sem_alloc : memref<!tpu.dma_semaphore, #tpu.memory_space<semaphore_mem>>
      %dma_start3A_141 = arith.constant 0 : i32
      %dma_start3A_142 = tpu.memref_slice %arg8[%run_scoped3A_67, %dma_start3A_141] : memref<40x128xi32, #tpu.memory_space<vmem>> -> memref<1x128xi32, #tpu.memory_space<vmem>>
      %dma_start3A_143 = tpu.memref_squeeze %dma_start3A_142 : memref<1x128xi32, #tpu.memory_space<vmem>> -> memref<128xi32, #tpu.memory_space<vmem>>
      %dma_start3A_144 = arith.constant 0 : i32
      %dma_start3A_145 = arith.constant 0 : i32
      %dma_start3A_146 = tpu.memref_slice %arg11[%dma_start3A_144, %dma_start3A_145] : memref<10240x128xf32, #tpu.memory_space<vmem_shared>> -> memref<10240x128xf32, #tpu.memory_space<vmem_shared>>
      tpu.enqueue_indirect_dma source(%arg10 : memref<128x128xf32, #tpu.memory_space<vmem>>) target(%dma_start3A_146 : memref<10240x128xf32, #tpu.memory_space<vmem_shared>>) offsets(%dma_start3A_143 : memref<128xi32, #tpu.memory_space<vmem>>) semaphore(%run_scoped3A_140 : memref<!tpu.dma_semaphore, #tpu.memory_space<semaphore_mem>>) {add = true}
      %dma_wait3A_147 = arith.constant 0 : i32
      %dma_wait3A_148 = tpu.memref_slice %arg8[%run_scoped3A_67, %dma_wait3A_147] : memref<40x128xi32, #tpu.memory_space<vmem>> -> memref<1x128xi32, #tpu.memory_space<vmem>>
      %dma_wait3A_149 = tpu.memref_squeeze %dma_wait3A_148 : memref<1x128xi32, #tpu.memory_space<vmem>> -> memref<128xi32, #tpu.memory_space<vmem>>
      %dma_wait3A_150 = arith.constant 0 : i32
      %dma_wait3A_151 = arith.constant 0 : i32
      %dma_wait3A_152 = tpu.memref_slice %arg11[%dma_wait3A_150, %dma_wait3A_151] : memref<10240x128xf32, #tpu.memory_space<vmem_shared>> -> memref<10240x128xf32, #tpu.memory_space<vmem_shared>>
      tpu.wait_indirect_dma semaphore(%run_scoped3A_140 : memref<!tpu.dma_semaphore, #tpu.memory_space<semaphore_mem>>) src(%arg10 : memref<128x128xf32, #tpu.memory_space<vmem>>) dst(%dma_wait3A_152 : memref<10240x128xf32, #tpu.memory_space<vmem_shared>>)
      tpu.yield
    }) : () -> ()
    %dma_start3A_68 = arith.constant 40 : i32
    %dma_start3A_69 = arith.constant 0 : i32
    %dma_start3A_70 = tpu.memref_slice %arg3[%add3A, %dma_start3A_68, %dma_start3A_69] : memref<32x80x128xi32, #tpu.memory_space<hbm>> -> memref<1x40x128xi32, #tpu.memory_space<hbm>>
    %dma_start3A_71 = tpu.memref_squeeze %dma_start3A_70 : memref<1x40x128xi32, #tpu.memory_space<hbm>> -> memref<40x128xi32, #tpu.memory_space<hbm>>
    %dma_start3A_72 = arith.constant 40 : i32
    %dma_start3A_73 = arith.constant 0 : i32
    %dma_start3A_74 = tpu.memref_slice %arg3[%add3A, %dma_start3A_72, %dma_start3A_73] : memref<32x80x128xi32, #tpu.memory_space<hbm>> -> memref<1x40x128xi32, #tpu.memory_space<hbm>>
    %dma_start3A_75 = tpu.memref_squeeze %dma_start3A_74 : memref<1x40x128xi32, #tpu.memory_space<hbm>> -> memref<40x128xi32, #tpu.memory_space<hbm>>
    tpu.enqueue_dma source(%dma_start3A_75 : memref<40x128xi32, #tpu.memory_space<hbm>>) target(%arg7 : memref<40x128xi32, #tpu.memory_space<vmem>>) target_semaphore(%arg16 : memref<!tpu.dma_semaphore, #tpu.memory_space<semaphore_mem>>)
    %dma_wait3A_76 = arith.constant 40 : i32
    %dma_wait3A_77 = arith.constant 0 : i32
    %dma_wait3A_78 = tpu.memref_slice %arg3[%add3A, %dma_wait3A_76, %dma_wait3A_77] : memref<32x80x128xi32, #tpu.memory_space<hbm>> -> memref<1x40x128xi32, #tpu.memory_space<hbm>>
    %dma_wait3A_79 = tpu.memref_squeeze %dma_wait3A_78 : memref<1x40x128xi32, #tpu.memory_space<hbm>> -> memref<40x128xi32, #tpu.memory_space<hbm>>
    %dma_wait3A_80 = arith.constant 40 : i32
    %dma_wait3A_81 = arith.constant 0 : i32
    %dma_wait3A_82 = tpu.memref_slice %arg3[%add3A, %dma_wait3A_80, %dma_wait3A_81] : memref<32x80x128xi32, #tpu.memory_space<hbm>> -> memref<1x40x128xi32, #tpu.memory_space<hbm>>
    %dma_wait3A_83 = tpu.memref_squeeze %dma_wait3A_82 : memref<1x40x128xi32, #tpu.memory_space<hbm>> -> memref<40x128xi32, #tpu.memory_space<hbm>>
    tpu.wait_dma2 semaphore(%arg16 : memref<!tpu.dma_semaphore, #tpu.memory_space<semaphore_mem>>) src(%dma_wait3A_83 : memref<40x128xi32, #tpu.memory_space<hbm>>) dst(%arg7 : memref<40x128xi32, #tpu.memory_space<vmem>>)
    %dma_start3A_84 = arith.constant 40 : i32
    %dma_start3A_85 = arith.constant 0 : i32
    %dma_start3A_86 = tpu.memref_slice %arg4[%add3A, %dma_start3A_84, %dma_start3A_85] : memref<32x80x128xi32, #tpu.memory_space<hbm>> -> memref<1x40x128xi32, #tpu.memory_space<hbm>>
    %dma_start3A_87 = tpu.memref_squeeze %dma_start3A_86 : memref<1x40x128xi32, #tpu.memory_space<hbm>> -> memref<40x128xi32, #tpu.memory_space<hbm>>
    %dma_start3A_88 = arith.constant 40 : i32
    %dma_start3A_89 = arith.constant 0 : i32
    %dma_start3A_90 = tpu.memref_slice %arg4[%add3A, %dma_start3A_88, %dma_start3A_89] : memref<32x80x128xi32, #tpu.memory_space<hbm>> -> memref<1x40x128xi32, #tpu.memory_space<hbm>>
    %dma_start3A_91 = tpu.memref_squeeze %dma_start3A_90 : memref<1x40x128xi32, #tpu.memory_space<hbm>> -> memref<40x128xi32, #tpu.memory_space<hbm>>
    tpu.enqueue_dma source(%dma_start3A_91 : memref<40x128xi32, #tpu.memory_space<hbm>>) target(%arg8 : memref<40x128xi32, #tpu.memory_space<vmem>>) target_semaphore(%arg16 : memref<!tpu.dma_semaphore, #tpu.memory_space<semaphore_mem>>)
    %dma_wait3A_92 = arith.constant 40 : i32
    %dma_wait3A_93 = arith.constant 0 : i32
    %dma_wait3A_94 = tpu.memref_slice %arg4[%add3A, %dma_wait3A_92, %dma_wait3A_93] : memref<32x80x128xi32, #tpu.memory_space<hbm>> -> memref<1x40x128xi32, #tpu.memory_space<hbm>>
    %dma_wait3A_95 = tpu.memref_squeeze %dma_wait3A_94 : memref<1x40x128xi32, #tpu.memory_space<hbm>> -> memref<40x128xi32, #tpu.memory_space<hbm>>
    %dma_wait3A_96 = arith.constant 40 : i32
    %dma_wait3A_97 = arith.constant 0 : i32
    %dma_wait3A_98 = tpu.memref_slice %arg4[%add3A, %dma_wait3A_96, %dma_wait3A_97] : memref<32x80x128xi32, #tpu.memory_space<hbm>> -> memref<1x40x128xi32, #tpu.memory_space<hbm>>
    %dma_wait3A_99 = tpu.memref_squeeze %dma_wait3A_98 : memref<1x40x128xi32, #tpu.memory_space<hbm>> -> memref<40x128xi32, #tpu.memory_space<hbm>>
    tpu.wait_dma2 semaphore(%arg16 : memref<!tpu.dma_semaphore, #tpu.memory_space<semaphore_mem>>) src(%dma_wait3A_99 : memref<40x128xi32, #tpu.memory_space<hbm>>) dst(%arg8 : memref<40x128xi32, #tpu.memory_space<vmem>>)
    %dma_start3A_100 = arith.constant 0 : i32
    %dma_start3A_101 = arith.constant 0 : i32
    %dma_start3A_102 = tpu.memref_slice %arg7[%dma_start3A_100, %dma_start3A_101] : memref<40x128xi32, #tpu.memory_space<vmem>> -> memref<1x128xi32, #tpu.memory_space<vmem>>
    %dma_start3A_103 = tpu.memref_squeeze %dma_start3A_102 : memref<1x128xi32, #tpu.memory_space<vmem>> -> memref<128xi32, #tpu.memory_space<vmem>>
    %dma_start3A_104 = arith.constant 0 : i32
    %dma_start3A_105 = arith.constant 0 : i32
    %dma_start3A_106 = tpu.memref_slice %arg2[%dma_start3A_104, %dma_start3A_105] : memref<10240x128xf32, #tpu.memory_space<hbm>> -> memref<10240x128xf32, #tpu.memory_space<hbm>>
    tpu.enqueue_indirect_dma source(%dma_start3A_106 : memref<10240x128xf32, #tpu.memory_space<hbm>>) target(%arg9 : memref<128x128xf32, #tpu.memory_space<vmem>>) offsets(%dma_start3A_103 : memref<128xi32, #tpu.memory_space<vmem>>) semaphore(%arg12 : memref<!tpu.dma_semaphore, #tpu.memory_space<semaphore_mem>>)
    %dma_start3A_107 = arith.constant 1 : i32
    %dma_start3A_108 = arith.constant 0 : i32
    %dma_start3A_109 = tpu.memref_slice %arg7[%dma_start3A_107, %dma_start3A_108] : memref<40x128xi32, #tpu.memory_space<vmem>> -> memref<1x128xi32, #tpu.memory_space<vmem>>
    %dma_start3A_110 = tpu.memref_squeeze %dma_start3A_109 : memref<1x128xi32, #tpu.memory_space<vmem>> -> memref<128xi32, #tpu.memory_space<vmem>>
    %dma_start3A_111 = arith.constant 0 : i32
    %dma_start3A_112 = arith.constant 0 : i32
    %dma_start3A_113 = tpu.memref_slice %arg2[%dma_start3A_111, %dma_start3A_112] : memref<10240x128xf32, #tpu.memory_space<hbm>> -> memref<10240x128xf32, #tpu.memory_space<hbm>>
    tpu.enqueue_indirect_dma source(%dma_start3A_113 : memref<10240x128xf32, #tpu.memory_space<hbm>>) target(%arg10 : memref<128x128xf32, #tpu.memory_space<vmem>>) offsets(%dma_start3A_110 : memref<128xi32, #tpu.memory_space<vmem>>) semaphore(%arg13 : memref<!tpu.dma_semaphore, #tpu.memory_space<semaphore_mem>>)
    %scan3A_114 = arith.constant 0 : i32
    %scan3A_115 = arith.constant 19 : i32
    %scan3A_116 = arith.addi %scan3A_114, %scan3A_115 : i32
    %scan3A_117 = arith.constant 1 : i32
    scf.for %scan3A_140 = %scan3A_114 to %scan3A_116 step %scan3A_117  : i32 {
      %mul3A_141 = arith.constant 2 : i32
      %mul3A_142 = arith.muli %scan3A_140, %mul3A_141 : i32
      %add3A_143 = arith.constant 0 : i32
      %add3A_144 = arith.addi %add3A_143, %mul3A_142 : i32
      %dma_wait3A_145 = arith.constant 0 : i32
      %dma_wait3A_146 = tpu.memref_slice %arg7[%add3A_144, %dma_wait3A_145] : memref<40x128xi32, #tpu.memory_space<vmem>> -> memref<1x128xi32, #tpu.memory_space<vmem>>
      %dma_wait3A_147 = tpu.memref_squeeze %dma_wait3A_146 : memref<1x128xi32, #tpu.memory_space<vmem>> -> memref<128xi32, #tpu.memory_space<vmem>>
      %dma_wait3A_148 = arith.constant 0 : i32
      %dma_wait3A_149 = arith.constant 0 : i32
      %dma_wait3A_150 = tpu.memref_slice %arg2[%dma_wait3A_148, %dma_wait3A_149] : memref<10240x128xf32, #tpu.memory_space<hbm>> -> memref<10240x128xf32, #tpu.memory_space<hbm>>
      tpu.wait_indirect_dma semaphore(%arg12 : memref<!tpu.dma_semaphore, #tpu.memory_space<semaphore_mem>>) src(%dma_wait3A_150 : memref<10240x128xf32, #tpu.memory_space<hbm>>) dst(%arg9 : memref<128x128xf32, #tpu.memory_space<vmem>>)
      "tpu.region"() ({
        %run_scoped3A_177 = tpu.sem_alloc : memref<!tpu.dma_semaphore, #tpu.memory_space<semaphore_mem>>
        %dma_start3A_178 = arith.constant 0 : i32
        %dma_start3A_179 = tpu.memref_slice %arg8[%add3A_144, %dma_start3A_178] : memref<40x128xi32, #tpu.memory_space<vmem>> -> memref<1x128xi32, #tpu.memory_space<vmem>>
        %dma_start3A_180 = tpu.memref_squeeze %dma_start3A_179 : memref<1x128xi32, #tpu.memory_space<vmem>> -> memref<128xi32, #tpu.memory_space<vmem>>
        %dma_start3A_181 = arith.constant 0 : i32
        %dma_start3A_182 = arith.constant 0 : i32
        %dma_start3A_183 = tpu.memref_slice %arg11[%dma_start3A_181, %dma_start3A_182] : memref<10240x128xf32, #tpu.memory_space<vmem_shared>> -> memref<10240x128xf32, #tpu.memory_space<vmem_shared>>
        tpu.enqueue_indirect_dma source(%arg9 : memref<128x128xf32, #tpu.memory_space<vmem>>) target(%dma_start3A_183 : memref<10240x128xf32, #tpu.memory_space<vmem_shared>>) offsets(%dma_start3A_180 : memref<128xi32, #tpu.memory_space<vmem>>) semaphore(%run_scoped3A_177 : memref<!tpu.dma_semaphore, #tpu.memory_space<semaphore_mem>>) {add = true}
        %dma_wait3A_184 = arith.constant 0 : i32
        %dma_wait3A_185 = tpu.memref_slice %arg8[%add3A_144, %dma_wait3A_184] : memref<40x128xi32, #tpu.memory_space<vmem>> -> memref<1x128xi32, #tpu.memory_space<vmem>>
        %dma_wait3A_186 = tpu.memref_squeeze %dma_wait3A_185 : memref<1x128xi32, #tpu.memory_space<vmem>> -> memref<128xi32, #tpu.memory_space<vmem>>
        %dma_wait3A_187 = arith.constant 0 : i32
        %dma_wait3A_188 = arith.constant 0 : i32
        %dma_wait3A_189 = tpu.memref_slice %arg11[%dma_wait3A_187, %dma_wait3A_188] : memref<10240x128xf32, #tpu.memory_space<vmem_shared>> -> memref<10240x128xf32, #tpu.memory_space<vmem_shared>>
        tpu.wait_indirect_dma semaphore(%run_scoped3A_177 : memref<!tpu.dma_semaphore, #tpu.memory_space<semaphore_mem>>) src(%arg9 : memref<128x128xf32, #tpu.memory_space<vmem>>) dst(%dma_wait3A_189 : memref<10240x128xf32, #tpu.memory_space<vmem_shared>>)
        tpu.yield
      }) : () -> ()
      %add3A_151 = arith.constant 2 : i32
      %add3A_152 = arith.addi %add3A_144, %add3A_151 : i32
      %dma_start3A_153 = arith.constant 0 : i32
      %dma_start3A_154 = tpu.memref_slice %arg7[%add3A_152, %dma_start3A_153] : memref<40x128xi32, #tpu.memory_space<vmem>> -> memref<1x128xi32, #tpu.memory_space<vmem>>
      %dma_start3A_155 = tpu.memref_squeeze %dma_start3A_154 : memref<1x128xi32, #tpu.memory_space<vmem>> -> memref<128xi32, #tpu.memory_space<vmem>>
      %dma_start3A_156 = arith.constant 0 : i32
      %dma_start3A_157 = arith.constant 0 : i32
      %dma_start3A_158 = tpu.memref_slice %arg2[%dma_start3A_156, %dma_start3A_157] : memref<10240x128xf32, #tpu.memory_space<hbm>> -> memref<10240x128xf32, #tpu.memory_space<hbm>>
      tpu.enqueue_indirect_dma source(%dma_start3A_158 : memref<10240x128xf32, #tpu.memory_space<hbm>>) target(%arg9 : memref<128x128xf32, #tpu.memory_space<vmem>>) offsets(%dma_start3A_155 : memref<128xi32, #tpu.memory_space<vmem>>) semaphore(%arg12 : memref<!tpu.dma_semaphore, #tpu.memory_space<semaphore_mem>>)
      %add3A_159 = arith.constant 1 : i32
      %add3A_160 = arith.addi %add3A_144, %add3A_159 : i32
      %dma_wait3A_161 = arith.constant 0 : i32
      %dma_wait3A_162 = tpu.memref_slice %arg7[%add3A_160, %dma_wait3A_161] : memref<40x128xi32, #tpu.memory_space<vmem>> -> memref<1x128xi32, #tpu.memory_space<vmem>>
      %dma_wait3A_163 = tpu.memref_squeeze %dma_wait3A_162 : memref<1x128xi32, #tpu.memory_space<vmem>> -> memref<128xi32, #tpu.memory_space<vmem>>
      %dma_wait3A_164 = arith.constant 0 : i32
      %dma_wait3A_165 = arith.constant 0 : i32
      %dma_wait3A_166 = tpu.memref_slice %arg2[%dma_wait3A_164, %dma_wait3A_165] : memref<10240x128xf32, #tpu.memory_space<hbm>> -> memref<10240x128xf32, #tpu.memory_space<hbm>>
      tpu.wait_indirect_dma semaphore(%arg13 : memref<!tpu.dma_semaphore, #tpu.memory_space<semaphore_mem>>) src(%dma_wait3A_166 : memref<10240x128xf32, #tpu.memory_space<hbm>>) dst(%arg10 : memref<128x128xf32, #tpu.memory_space<vmem>>)
      %add3A_167 = arith.constant 1 : i32
      %add3A_168 = arith.addi %add3A_144, %add3A_167 : i32
      "tpu.region"() ({
        %run_scoped3A_177 = tpu.sem_alloc : memref<!tpu.dma_semaphore, #tpu.memory_space<semaphore_mem>>
        %dma_start3A_178 = arith.constant 0 : i32
        %dma_start3A_179 = tpu.memref_slice %arg8[%add3A_168, %dma_start3A_178] : memref<40x128xi32, #tpu.memory_space<vmem>> -> memref<1x128xi32, #tpu.memory_space<vmem>>
        %dma_start3A_180 = tpu.memref_squeeze %dma_start3A_179 : memref<1x128xi32, #tpu.memory_space<vmem>> -> memref<128xi32, #tpu.memory_space<vmem>>
        %dma_start3A_181 = arith.constant 0 : i32
        %dma_start3A_182 = arith.constant 0 : i32
        %dma_start3A_183 = tpu.memref_slice %arg11[%dma_start3A_181, %dma_start3A_182] : memref<10240x128xf32, #tpu.memory_space<vmem_shared>> -> memref<10240x128xf32, #tpu.memory_space<vmem_shared>>
        tpu.enqueue_indirect_dma source(%arg10 : memref<128x128xf32, #tpu.memory_space<vmem>>) target(%dma_start3A_183 : memref<10240x128xf32, #tpu.memory_space<vmem_shared>>) offsets(%dma_start3A_180 : memref<128xi32, #tpu.memory_space<vmem>>) semaphore(%run_scoped3A_177 : memref<!tpu.dma_semaphore, #tpu.memory_space<semaphore_mem>>) {add = true}
        %dma_wait3A_184 = arith.constant 0 : i32
        %dma_wait3A_185 = tpu.memref_slice %arg8[%add3A_168, %dma_wait3A_184] : memref<40x128xi32, #tpu.memory_space<vmem>> -> memref<1x128xi32, #tpu.memory_space<vmem>>
        %dma_wait3A_186 = tpu.memref_squeeze %dma_wait3A_185 : memref<1x128xi32, #tpu.memory_space<vmem>> -> memref<128xi32, #tpu.memory_space<vmem>>
        %dma_wait3A_187 = arith.constant 0 : i32
        %dma_wait3A_188 = arith.constant 0 : i32
        %dma_wait3A_189 = tpu.memref_slice %arg11[%dma_wait3A_187, %dma_wait3A_188] : memref<10240x128xf32, #tpu.memory_space<vmem_shared>> -> memref<10240x128xf32, #tpu.memory_space<vmem_shared>>
        tpu.wait_indirect_dma semaphore(%run_scoped3A_177 : memref<!tpu.dma_semaphore, #tpu.memory_space<semaphore_mem>>) src(%arg10 : memref<128x128xf32, #tpu.memory_space<vmem>>) dst(%dma_wait3A_189 : memref<10240x128xf32, #tpu.memory_space<vmem_shared>>)
        tpu.yield
      }) : () -> ()
      %add3A_169 = arith.constant 3 : i32
      %add3A_170 = arith.addi %add3A_144, %add3A_169 : i32
      %dma_start3A_171 = arith.constant 0 : i32
      %dma_start3A_172 = tpu.memref_slice %arg7[%add3A_170, %dma_start3A_171] : memref<40x128xi32, #tpu.memory_space<vmem>> -> memref<1x128xi32, #tpu.memory_space<vmem>>
      %dma_start3A_173 = tpu.memref_squeeze %dma_start3A_172 : memref<1x128xi32, #tpu.memory_space<vmem>> -> memref<128xi32, #tpu.memory_space<vmem>>
      %dma_start3A_174 = arith.constant 0 : i32
      %dma_start3A_175 = arith.constant 0 : i32
      %dma_start3A_176 = tpu.memref_slice %arg2[%dma_start3A_174, %dma_start3A_175] : memref<10240x128xf32, #tpu.memory_space<hbm>> -> memref<10240x128xf32, #tpu.memory_space<hbm>>
      tpu.enqueue_indirect_dma source(%dma_start3A_176 : memref<10240x128xf32, #tpu.memory_space<hbm>>) target(%arg10 : memref<128x128xf32, #tpu.memory_space<vmem>>) offsets(%dma_start3A_173 : memref<128xi32, #tpu.memory_space<vmem>>) semaphore(%arg13 : memref<!tpu.dma_semaphore, #tpu.memory_space<semaphore_mem>>)
    }
    %scan3A_118 = arith.constant 19 : i32
    %dma_wait3A_119 = arith.constant 38 : i32
    %dma_wait3A_120 = arith.constant 0 : i32
    %dma_wait3A_121 = tpu.memref_slice %arg7[%dma_wait3A_119, %dma_wait3A_120] : memref<40x128xi32, #tpu.memory_space<vmem>> -> memref<1x128xi32, #tpu.memory_space<vmem>>
    %dma_wait3A_122 = tpu.memref_squeeze %dma_wait3A_121 : memref<1x128xi32, #tpu.memory_space<vmem>> -> memref<128xi32, #tpu.memory_space<vmem>>
    %dma_wait3A_123 = arith.constant 0 : i32
    %dma_wait3A_124 = arith.constant 0 : i32
    %dma_wait3A_125 = tpu.memref_slice %arg2[%dma_wait3A_123, %dma_wait3A_124] : memref<10240x128xf32, #tpu.memory_space<hbm>> -> memref<10240x128xf32, #tpu.memory_space<hbm>>
    tpu.wait_indirect_dma semaphore(%arg12 : memref<!tpu.dma_semaphore, #tpu.memory_space<semaphore_mem>>) src(%dma_wait3A_125 : memref<10240x128xf32, #tpu.memory_space<hbm>>) dst(%arg9 : memref<128x128xf32, #tpu.memory_space<vmem>>)
    %run_scoped3A_126 = arith.constant 38 : i32
    "tpu.region"() ({
      %run_scoped3A_140 = tpu.sem_alloc : memref<!tpu.dma_semaphore, #tpu.memory_space<semaphore_mem>>
      %dma_start3A_141 = arith.constant 0 : i32
      %dma_start3A_142 = tpu.memref_slice %arg8[%run_scoped3A_126, %dma_start3A_141] : memref<40x128xi32, #tpu.memory_space<vmem>> -> memref<1x128xi32, #tpu.memory_space<vmem>>
      %dma_start3A_143 = tpu.memref_squeeze %dma_start3A_142 : memref<1x128xi32, #tpu.memory_space<vmem>> -> memref<128xi32, #tpu.memory_space<vmem>>
      %dma_start3A_144 = arith.constant 0 : i32
      %dma_start3A_145 = arith.constant 0 : i32
      %dma_start3A_146 = tpu.memref_slice %arg11[%dma_start3A_144, %dma_start3A_145] : memref<10240x128xf32, #tpu.memory_space<vmem_shared>> -> memref<10240x128xf32, #tpu.memory_space<vmem_shared>>
      tpu.enqueue_indirect_dma source(%arg9 : memref<128x128xf32, #tpu.memory_space<vmem>>) target(%dma_start3A_146 : memref<10240x128xf32, #tpu.memory_space<vmem_shared>>) offsets(%dma_start3A_143 : memref<128xi32, #tpu.memory_space<vmem>>) semaphore(%run_scoped3A_140 : memref<!tpu.dma_semaphore, #tpu.memory_space<semaphore_mem>>) {add = true}
      %dma_wait3A_147 = arith.constant 0 : i32
      %dma_wait3A_148 = tpu.memref_slice %arg8[%run_scoped3A_126, %dma_wait3A_147] : memref<40x128xi32, #tpu.memory_space<vmem>> -> memref<1x128xi32, #tpu.memory_space<vmem>>
      %dma_wait3A_149 = tpu.memref_squeeze %dma_wait3A_148 : memref<1x128xi32, #tpu.memory_space<vmem>> -> memref<128xi32, #tpu.memory_space<vmem>>
      %dma_wait3A_150 = arith.constant 0 : i32
      %dma_wait3A_151 = arith.constant 0 : i32
      %dma_wait3A_152 = tpu.memref_slice %arg11[%dma_wait3A_150, %dma_wait3A_151] : memref<10240x128xf32, #tpu.memory_space<vmem_shared>> -> memref<10240x128xf32, #tpu.memory_space<vmem_shared>>
      tpu.wait_indirect_dma semaphore(%run_scoped3A_140 : memref<!tpu.dma_semaphore, #tpu.memory_space<semaphore_mem>>) src(%arg9 : memref<128x128xf32, #tpu.memory_space<vmem>>) dst(%dma_wait3A_152 : memref<10240x128xf32, #tpu.memory_space<vmem_shared>>)
      tpu.yield
    }) : () -> ()
    %dma_wait3A_127 = arith.constant 39 : i32
    %dma_wait3A_128 = arith.constant 0 : i32
    %dma_wait3A_129 = tpu.memref_slice %arg7[%dma_wait3A_127, %dma_wait3A_128] : memref<40x128xi32, #tpu.memory_space<vmem>> -> memref<1x128xi32, #tpu.memory_space<vmem>>
    %dma_wait3A_130 = tpu.memref_squeeze %dma_wait3A_129 : memref<1x128xi32, #tpu.memory_space<vmem>> -> memref<128xi32, #tpu.memory_space<vmem>>
    %dma_wait3A_131 = arith.constant 0 : i32
    %dma_wait3A_132 = arith.constant 0 : i32
    %dma_wait3A_133 = tpu.memref_slice %arg2[%dma_wait3A_131, %dma_wait3A_132] : memref<10240x128xf32, #tpu.memory_space<hbm>> -> memref<10240x128xf32, #tpu.memory_space<hbm>>
    tpu.wait_indirect_dma semaphore(%arg13 : memref<!tpu.dma_semaphore, #tpu.memory_space<semaphore_mem>>) src(%dma_wait3A_133 : memref<10240x128xf32, #tpu.memory_space<hbm>>) dst(%arg10 : memref<128x128xf32, #tpu.memory_space<vmem>>)
    %run_scoped3A_134 = arith.constant 39 : i32
    "tpu.region"() ({
      %run_scoped3A_140 = tpu.sem_alloc : memref<!tpu.dma_semaphore, #tpu.memory_space<semaphore_mem>>
      %dma_start3A_141 = arith.constant 0 : i32
      %dma_start3A_142 = tpu.memref_slice %arg8[%run_scoped3A_134, %dma_start3A_141] : memref<40x128xi32, #tpu.memory_space<vmem>> -> memref<1x128xi32, #tpu.memory_space<vmem>>
      %dma_start3A_143 = tpu.memref_squeeze %dma_start3A_142 : memref<1x128xi32, #tpu.memory_space<vmem>> -> memref<128xi32, #tpu.memory_space<vmem>>
      %dma_start3A_144 = arith.constant 0 : i32
      %dma_start3A_145 = arith.constant 0 : i32
      %dma_start3A_146 = tpu.memref_slice %arg11[%dma_start3A_144, %dma_start3A_145] : memref<10240x128xf32, #tpu.memory_space<vmem_shared>> -> memref<10240x128xf32, #tpu.memory_space<vmem_shared>>
      tpu.enqueue_indirect_dma source(%arg10 : memref<128x128xf32, #tpu.memory_space<vmem>>) target(%dma_start3A_146 : memref<10240x128xf32, #tpu.memory_space<vmem_shared>>) offsets(%dma_start3A_143 : memref<128xi32, #tpu.memory_space<vmem>>) semaphore(%run_scoped3A_140 : memref<!tpu.dma_semaphore, #tpu.memory_space<semaphore_mem>>) {add = true}
      %dma_wait3A_147 = arith.constant 0 : i32
      %dma_wait3A_148 = tpu.memref_slice %arg8[%run_scoped3A_134, %dma_wait3A_147] : memref<40x128xi32, #tpu.memory_space<vmem>> -> memref<1x128xi32, #tpu.memory_space<vmem>>
      %dma_wait3A_149 = tpu.memref_squeeze %dma_wait3A_148 : memref<1x128xi32, #tpu.memory_space<vmem>> -> memref<128xi32, #tpu.memory_space<vmem>>
      %dma_wait3A_150 = arith.constant 0 : i32
      %dma_wait3A_151 = arith.constant 0 : i32
      %dma_wait3A_152 = tpu.memref_slice %arg11[%dma_wait3A_150, %dma_wait3A_151] : memref<10240x128xf32, #tpu.memory_space<vmem_shared>> -> memref<10240x128xf32, #tpu.memory_space<vmem_shared>>
      tpu.wait_indirect_dma semaphore(%run_scoped3A_140 : memref<!tpu.dma_semaphore, #tpu.memory_space<semaphore_mem>>) src(%arg10 : memref<128x128xf32, #tpu.memory_space<vmem>>) dst(%dma_wait3A_152 : memref<10240x128xf32, #tpu.memory_space<vmem_shared>>)
      tpu.yield
    }) : () -> ()
    %barrier3A_135 = arith.constant 0 : index
    tpu.barrier barrier_id(%barrier3A_135)
    %mul3A_136 = arith.constant 640 : i32
    %mul3A_137 = arith.muli %arg1, %mul3A_136 : i32
    %mul3A_138 = arith.constant 640 : i32
    %mul3A_139 = arith.muli %arg1, %mul3A_138 : i32
    "tpu.region"() ({
      %run_scoped3A_140 = tpu.sem_alloc : memref<!tpu.dma_semaphore, #tpu.memory_space<semaphore_mem>>
      %dma_start3A_141 = arith.constant 0 : i32
      %dma_start3A_142 = tpu.memref_slice %arg6[%arg0, %mul3A_139, %dma_start3A_141] : memref<2x10240x128xf32, #tpu.memory_space<hbm>> -> memref<1x640x128xf32, #tpu.memory_space<hbm>>
      %dma_start3A_143 = tpu.memref_squeeze %dma_start3A_142 : memref<1x640x128xf32, #tpu.memory_space<hbm>> -> memref<640x128xf32, #tpu.memory_space<hbm>>
      %dma_start3A_144 = arith.constant 0 : i32
      %dma_start3A_145 = tpu.memref_slice %arg11[%mul3A_137, %dma_start3A_144] : memref<10240x128xf32, #tpu.memory_space<vmem_shared>> -> memref<640x128xf32, #tpu.memory_space<vmem_shared>>
      tpu.enqueue_dma source(%dma_start3A_145 : memref<640x128xf32, #tpu.memory_space<vmem_shared>>) target(%dma_start3A_143 : memref<640x128xf32, #tpu.memory_space<hbm>>) target_semaphore(%run_scoped3A_140 : memref<!tpu.dma_semaphore, #tpu.memory_space<semaphore_mem>>)
      %dma_wait3A_146 = arith.constant 0 : i32
      %dma_wait3A_147 = tpu.memref_slice %arg6[%arg0, %mul3A_139, %dma_wait3A_146] : memref<2x10240x128xf32, #tpu.memory_space<hbm>> -> memref<1x640x128xf32, #tpu.memory_space<hbm>>
      %dma_wait3A_148 = tpu.memref_squeeze %dma_wait3A_147 : memref<1x640x128xf32, #tpu.memory_space<hbm>> -> memref<640x128xf32, #tpu.memory_space<hbm>>
      %dma_wait3A_149 = arith.constant 0 : i32
      %dma_wait3A_150 = tpu.memref_slice %arg11[%mul3A_137, %dma_wait3A_149] : memref<10240x128xf32, #tpu.memory_space<vmem_shared>> -> memref<640x128xf32, #tpu.memory_space<vmem_shared>>
      tpu.wait_dma2 semaphore(%run_scoped3A_140 : memref<!tpu.dma_semaphore, #tpu.memory_space<semaphore_mem>>) src(%dma_wait3A_150 : memref<640x128xf32, #tpu.memory_space<vmem_shared>>) dst(%dma_wait3A_148 : memref<640x128xf32, #tpu.memory_space<hbm>>)
      tpu.yield
    }) : () -> ()
    return
  }
}

#map = affine_map<(d0, d1) -> (0, 0)>
#map1 = affine_map<(d0, d1) -> (0, 0, 0)>
module attributes {stable_mosaic.version = 14 : i64} {
  func.func @_agg_kernel(%arg0: i32, %arg1: i32, %arg2: memref<10240x128xf32, #tpu.memory_space<hbm>>, %arg3: memref<32x80x128xi32, #tpu.memory_space<hbm>>, %arg4: memref<32x80x128xi32, #tpu.memory_space<hbm>>, %arg5: memref<10240x128xf32, #tpu.memory_space<hbm>>, %arg6: memref<2x10240x128xf32, #tpu.memory_space<hbm>>, %arg7: memref<40x128xi32, #tpu.memory_space<vmem>>, %arg8: memref<40x128xi32, #tpu.memory_space<vmem>>, %arg9: memref<128x128xf32, #tpu.memory_space<vmem>>, %arg10: memref<128x128xf32, #tpu.memory_space<vmem>>, %arg11: memref<10240x128xf32, #tpu.memory_space<vmem_shared>>, %arg12: memref<!tpu.dma_semaphore, #tpu.memory_space<semaphore_mem>>, %arg13: memref<!tpu.dma_semaphore, #tpu.memory_space<semaphore_mem>>, %arg14: memref<!tpu.dma_semaphore, #tpu.memory_space<semaphore_mem>>, %arg15: memref<!tpu.dma_semaphore, #tpu.memory_space<semaphore_mem>>, %arg16: memref<!tpu.dma_semaphore, #tpu.memory_space<semaphore_mem>>) attributes {dimension_semantics = [#tpu.dimension_semantics<core_parallel>, #tpu.dimension_semantics<subcore_parallel>], iteration_bounds = array<i64: 2, 16>, scalar_prefetch = 0 : i64, scratch_operands = 10 : i64, tpu.core_type = #tpu.core_type<sc_vector_subcore>, window_params = [{transform_indices = #map}, {transform_indices = #map1}, {transform_indices = #map1}, {transform_indices = #map}, {transform_indices = #map1}]} {
    %mul3A = arith.constant 16 : i32
    %mul3A_0 = arith.muli %arg0, %mul3A : i32
    %add3A = arith.addi %mul3A_0, %arg1 : i32
    %mul3A_1 = arith.constant 640 : i32
    %mul3A_2 = arith.muli %arg1, %mul3A_1 : i32
    %mul3A_3 = arith.constant 640 : i32
    %mul3A_4 = arith.muli %arg1, %mul3A_3 : i32
    "tpu.region"() ({
      %run_scoped3A_140 = tpu.sem_alloc : memref<!tpu.dma_semaphore, #tpu.memory_space<semaphore_mem>>
      %dma_start3A_141 = arith.constant 0 : i32
      %dma_start3A_142 = tpu.memref_slice %arg11[%mul3A_4, %dma_start3A_141] : memref<10240x128xf32, #tpu.memory_space<vmem_shared>> -> memref<640x128xf32, #tpu.memory_space<vmem_shared>>
      %dma_start3A_143 = arith.constant 0 : i32
      %dma_start3A_144 = tpu.memref_slice %arg5[%mul3A_2, %dma_start3A_143] : memref<10240x128xf32, #tpu.memory_space<hbm>> -> memref<640x128xf32, #tpu.memory_space<hbm>>
      tpu.enqueue_dma source(%dma_start3A_144 : memref<640x128xf32, #tpu.memory_space<hbm>>) target(%dma_start3A_142 : memref<640x128xf32, #tpu.memory_space<vmem_shared>>) target_semaphore(%run_scoped3A_140 : memref<!tpu.dma_semaphore, #tpu.memory_space<semaphore_mem>>)
      %dma_wait3A_145 = arith.constant 0 : i32
      %dma_wait3A_146 = tpu.memref_slice %arg11[%mul3A_4, %dma_wait3A_145] : memref<10240x128xf32, #tpu.memory_space<vmem_shared>> -> memref<640x128xf32, #tpu.memory_space<vmem_shared>>
      %dma_wait3A_147 = arith.constant 0 : i32
      %dma_wait3A_148 = tpu.memref_slice %arg5[%mul3A_2, %dma_wait3A_147] : memref<10240x128xf32, #tpu.memory_space<hbm>> -> memref<640x128xf32, #tpu.memory_space<hbm>>
      tpu.wait_dma2 semaphore(%run_scoped3A_140 : memref<!tpu.dma_semaphore, #tpu.memory_space<semaphore_mem>>) src(%dma_wait3A_148 : memref<640x128xf32, #tpu.memory_space<hbm>>) dst(%dma_wait3A_146 : memref<640x128xf32, #tpu.memory_space<vmem_shared>>)
      tpu.yield
    }) : () -> ()
    %barrier3A = arith.constant 0 : index
    tpu.barrier barrier_id(%barrier3A)
    %dma_start3A = arith.constant 0 : i32
    %dma_start3A_5 = arith.constant 0 : i32
    %dma_start3A_6 = tpu.memref_slice %arg3[%add3A, %dma_start3A, %dma_start3A_5] : memref<32x80x128xi32, #tpu.memory_space<hbm>> -> memref<1x40x128xi32, #tpu.memory_space<hbm>>
    %dma_start3A_7 = tpu.memref_squeeze %dma_start3A_6 : memref<1x40x128xi32, #tpu.memory_space<hbm>> -> memref<40x128xi32, #tpu.memory_space<hbm>>
    %dma_start3A_8 = arith.constant 0 : i32
    %dma_start3A_9 = arith.constant 0 : i32
    %dma_start3A_10 = tpu.memref_slice %arg3[%add3A, %dma_start3A_8, %dma_start3A_9] : memref<32x80x128xi32, #tpu.memory_space<hbm>> -> memref<1x40x128xi32, #tpu.memory_space<hbm>>
    %dma_start3A_11 = tpu.memref_squeeze %dma_start3A_10 : memref<1x40x128xi32, #tpu.memory_space<hbm>> -> memref<40x128xi32, #tpu.memory_space<hbm>>
    tpu.enqueue_dma source(%dma_start3A_11 : memref<40x128xi32, #tpu.memory_space<hbm>>) target(%arg7 : memref<40x128xi32, #tpu.memory_space<vmem>>) target_semaphore(%arg16 : memref<!tpu.dma_semaphore, #tpu.memory_space<semaphore_mem>>)
    %dma_wait3A = arith.constant 0 : i32
    %dma_wait3A_12 = arith.constant 0 : i32
    %dma_wait3A_13 = tpu.memref_slice %arg3[%add3A, %dma_wait3A, %dma_wait3A_12] : memref<32x80x128xi32, #tpu.memory_space<hbm>> -> memref<1x40x128xi32, #tpu.memory_space<hbm>>
    %dma_wait3A_14 = tpu.memref_squeeze %dma_wait3A_13 : memref<1x40x128xi32, #tpu.memory_space<hbm>> -> memref<40x128xi32, #tpu.memory_space<hbm>>
    %dma_wait3A_15 = arith.constant 0 : i32
    %dma_wait3A_16 = arith.constant 0 : i32
    %dma_wait3A_17 = tpu.memref_slice %arg3[%add3A, %dma_wait3A_15, %dma_wait3A_16] : memref<32x80x128xi32, #tpu.memory_space<hbm>> -> memref<1x40x128xi32, #tpu.memory_space<hbm>>
    %dma_wait3A_18 = tpu.memref_squeeze %dma_wait3A_17 : memref<1x40x128xi32, #tpu.memory_space<hbm>> -> memref<40x128xi32, #tpu.memory_space<hbm>>
    tpu.wait_dma2 semaphore(%arg16 : memref<!tpu.dma_semaphore, #tpu.memory_space<semaphore_mem>>) src(%dma_wait3A_18 : memref<40x128xi32, #tpu.memory_space<hbm>>) dst(%arg7 : memref<40x128xi32, #tpu.memory_space<vmem>>)
    %dma_start3A_19 = arith.constant 0 : i32
    %dma_start3A_20 = arith.constant 0 : i32
    %dma_start3A_21 = tpu.memref_slice %arg4[%add3A, %dma_start3A_19, %dma_start3A_20] : memref<32x80x128xi32, #tpu.memory_space<hbm>> -> memref<1x40x128xi32, #tpu.memory_space<hbm>>
    %dma_start3A_22 = tpu.memref_squeeze %dma_start3A_21 : memref<1x40x128xi32, #tpu.memory_space<hbm>> -> memref<40x128xi32, #tpu.memory_space<hbm>>
    %dma_start3A_23 = arith.constant 0 : i32
    %dma_start3A_24 = arith.constant 0 : i32
    %dma_start3A_25 = tpu.memref_slice %arg4[%add3A, %dma_start3A_23, %dma_start3A_24] : memref<32x80x128xi32, #tpu.memory_space<hbm>> -> memref<1x40x128xi32, #tpu.memory_space<hbm>>
    %dma_start3A_26 = tpu.memref_squeeze %dma_start3A_25 : memref<1x40x128xi32, #tpu.memory_space<hbm>> -> memref<40x128xi32, #tpu.memory_space<hbm>>
    tpu.enqueue_dma source(%dma_start3A_26 : memref<40x128xi32, #tpu.memory_space<hbm>>) target(%arg8 : memref<40x128xi32, #tpu.memory_space<vmem>>) target_semaphore(%arg16 : memref<!tpu.dma_semaphore, #tpu.memory_space<semaphore_mem>>)
    %dma_wait3A_27 = arith.constant 0 : i32
    %dma_wait3A_28 = arith.constant 0 : i32
    %dma_wait3A_29 = tpu.memref_slice %arg4[%add3A, %dma_wait3A_27, %dma_wait3A_28] : memref<32x80x128xi32, #tpu.memory_space<hbm>> -> memref<1x40x128xi32, #tpu.memory_space<hbm>>
    %dma_wait3A_30 = tpu.memref_squeeze %dma_wait3A_29 : memref<1x40x128xi32, #tpu.memory_space<hbm>> -> memref<40x128xi32, #tpu.memory_space<hbm>>
    %dma_wait3A_31 = arith.constant 0 : i32
    %dma_wait3A_32 = arith.constant 0 : i32
    %dma_wait3A_33 = tpu.memref_slice %arg4[%add3A, %dma_wait3A_31, %dma_wait3A_32] : memref<32x80x128xi32, #tpu.memory_space<hbm>> -> memref<1x40x128xi32, #tpu.memory_space<hbm>>
    %dma_wait3A_34 = tpu.memref_squeeze %dma_wait3A_33 : memref<1x40x128xi32, #tpu.memory_space<hbm>> -> memref<40x128xi32, #tpu.memory_space<hbm>>
    tpu.wait_dma2 semaphore(%arg16 : memref<!tpu.dma_semaphore, #tpu.memory_space<semaphore_mem>>) src(%dma_wait3A_34 : memref<40x128xi32, #tpu.memory_space<hbm>>) dst(%arg8 : memref<40x128xi32, #tpu.memory_space<vmem>>)
    %dma_start3A_35 = arith.constant 0 : i32
    %dma_start3A_36 = arith.constant 0 : i32
    %dma_start3A_37 = tpu.memref_slice %arg7[%dma_start3A_35, %dma_start3A_36] : memref<40x128xi32, #tpu.memory_space<vmem>> -> memref<1x128xi32, #tpu.memory_space<vmem>>
    %dma_start3A_38 = tpu.memref_squeeze %dma_start3A_37 : memref<1x128xi32, #tpu.memory_space<vmem>> -> memref<128xi32, #tpu.memory_space<vmem>>
    %dma_start3A_39 = arith.constant 0 : i32
    %dma_start3A_40 = arith.constant 0 : i32
    %dma_start3A_41 = tpu.memref_slice %arg2[%dma_start3A_39, %dma_start3A_40] : memref<10240x128xf32, #tpu.memory_space<hbm>> -> memref<10240x128xf32, #tpu.memory_space<hbm>>
    tpu.enqueue_indirect_dma source(%dma_start3A_41 : memref<10240x128xf32, #tpu.memory_space<hbm>>) target(%arg9 : memref<128x128xf32, #tpu.memory_space<vmem>>) offsets(%dma_start3A_38 : memref<128xi32, #tpu.memory_space<vmem>>) semaphore(%arg12 : memref<!tpu.dma_semaphore, #tpu.memory_space<semaphore_mem>>)
    %dma_start3A_42 = arith.constant 1 : i32
    %dma_start3A_43 = arith.constant 0 : i32
    %dma_start3A_44 = tpu.memref_slice %arg7[%dma_start3A_42, %dma_start3A_43] : memref<40x128xi32, #tpu.memory_space<vmem>> -> memref<1x128xi32, #tpu.memory_space<vmem>>
    %dma_start3A_45 = tpu.memref_squeeze %dma_start3A_44 : memref<1x128xi32, #tpu.memory_space<vmem>> -> memref<128xi32, #tpu.memory_space<vmem>>
    %dma_start3A_46 = arith.constant 0 : i32
    %dma_start3A_47 = arith.constant 0 : i32
    %dma_start3A_48 = tpu.memref_slice %arg2[%dma_start3A_46, %dma_start3A_47] : memref<10240x128xf32, #tpu.memory_space<hbm>> -> memref<10240x128xf32, #tpu.memory_space<hbm>>
    tpu.enqueue_indirect_dma source(%dma_start3A_48 : memref<10240x128xf32, #tpu.memory_space<hbm>>) target(%arg10 : memref<128x128xf32, #tpu.memory_space<vmem>>) offsets(%dma_start3A_45 : memref<128xi32, #tpu.memory_space<vmem>>) semaphore(%arg13 : memref<!tpu.dma_semaphore, #tpu.memory_space<semaphore_mem>>)
    %scan3A = arith.constant 0 : i32
    %scan3A_49 = arith.constant 19 : i32
    %scan3A_50 = arith.addi %scan3A, %scan3A_49 : i32
    %scan3A_51 = arith.constant 1 : i32
    scf.for %scan3A_140 = %scan3A to %scan3A_50 step %scan3A_51  : i32 {
      %mul3A_141 = arith.constant 2 : i32
      %mul3A_142 = arith.muli %scan3A_140, %mul3A_141 : i32
      %add3A_143 = arith.constant 0 : i32
      %add3A_144 = arith.addi %add3A_143, %mul3A_142 : i32
      %dma_wait3A_145 = arith.constant 0 : i32
      %dma_wait3A_146 = tpu.memref_slice %arg7[%add3A_144, %dma_wait3A_145] : memref<40x128xi32, #tpu.memory_space<vmem>> -> memref<1x128xi32, #tpu.memory_space<vmem>>
      %dma_wait3A_147 = tpu.memref_squeeze %dma_wait3A_146 : memref<1x128xi32, #tpu.memory_space<vmem>> -> memref<128xi32, #tpu.memory_space<vmem>>
      %dma_wait3A_148 = arith.constant 0 : i32
      %dma_wait3A_149 = arith.constant 0 : i32
      %dma_wait3A_150 = tpu.memref_slice %arg2[%dma_wait3A_148, %dma_wait3A_149] : memref<10240x128xf32, #tpu.memory_space<hbm>> -> memref<10240x128xf32, #tpu.memory_space<hbm>>
      tpu.wait_indirect_dma semaphore(%arg12 : memref<!tpu.dma_semaphore, #tpu.memory_space<semaphore_mem>>) src(%dma_wait3A_150 : memref<10240x128xf32, #tpu.memory_space<hbm>>) dst(%arg9 : memref<128x128xf32, #tpu.memory_space<vmem>>)
      "tpu.region"() ({
        %run_scoped3A_177 = tpu.sem_alloc : memref<!tpu.dma_semaphore, #tpu.memory_space<semaphore_mem>>
        %dma_start3A_178 = arith.constant 0 : i32
        %dma_start3A_179 = tpu.memref_slice %arg8[%add3A_144, %dma_start3A_178] : memref<40x128xi32, #tpu.memory_space<vmem>> -> memref<1x128xi32, #tpu.memory_space<vmem>>
        %dma_start3A_180 = tpu.memref_squeeze %dma_start3A_179 : memref<1x128xi32, #tpu.memory_space<vmem>> -> memref<128xi32, #tpu.memory_space<vmem>>
        %dma_start3A_181 = arith.constant 0 : i32
        %dma_start3A_182 = arith.constant 0 : i32
        %dma_start3A_183 = tpu.memref_slice %arg11[%dma_start3A_181, %dma_start3A_182] : memref<10240x128xf32, #tpu.memory_space<vmem_shared>> -> memref<10240x128xf32, #tpu.memory_space<vmem_shared>>
        tpu.enqueue_indirect_dma source(%arg9 : memref<128x128xf32, #tpu.memory_space<vmem>>) target(%dma_start3A_183 : memref<10240x128xf32, #tpu.memory_space<vmem_shared>>) offsets(%dma_start3A_180 : memref<128xi32, #tpu.memory_space<vmem>>) semaphore(%run_scoped3A_177 : memref<!tpu.dma_semaphore, #tpu.memory_space<semaphore_mem>>) {add = true}
        %dma_wait3A_184 = arith.constant 0 : i32
        %dma_wait3A_185 = tpu.memref_slice %arg8[%add3A_144, %dma_wait3A_184] : memref<40x128xi32, #tpu.memory_space<vmem>> -> memref<1x128xi32, #tpu.memory_space<vmem>>
        %dma_wait3A_186 = tpu.memref_squeeze %dma_wait3A_185 : memref<1x128xi32, #tpu.memory_space<vmem>> -> memref<128xi32, #tpu.memory_space<vmem>>
        %dma_wait3A_187 = arith.constant 0 : i32
        %dma_wait3A_188 = arith.constant 0 : i32
        %dma_wait3A_189 = tpu.memref_slice %arg11[%dma_wait3A_187, %dma_wait3A_188] : memref<10240x128xf32, #tpu.memory_space<vmem_shared>> -> memref<10240x128xf32, #tpu.memory_space<vmem_shared>>
        tpu.wait_indirect_dma semaphore(%run_scoped3A_177 : memref<!tpu.dma_semaphore, #tpu.memory_space<semaphore_mem>>) src(%arg9 : memref<128x128xf32, #tpu.memory_space<vmem>>) dst(%dma_wait3A_189 : memref<10240x128xf32, #tpu.memory_space<vmem_shared>>)
        tpu.yield
      }) : () -> ()
      %add3A_151 = arith.constant 2 : i32
      %add3A_152 = arith.addi %add3A_144, %add3A_151 : i32
      %dma_start3A_153 = arith.constant 0 : i32
      %dma_start3A_154 = tpu.memref_slice %arg7[%add3A_152, %dma_start3A_153] : memref<40x128xi32, #tpu.memory_space<vmem>> -> memref<1x128xi32, #tpu.memory_space<vmem>>
      %dma_start3A_155 = tpu.memref_squeeze %dma_start3A_154 : memref<1x128xi32, #tpu.memory_space<vmem>> -> memref<128xi32, #tpu.memory_space<vmem>>
      %dma_start3A_156 = arith.constant 0 : i32
      %dma_start3A_157 = arith.constant 0 : i32
      %dma_start3A_158 = tpu.memref_slice %arg2[%dma_start3A_156, %dma_start3A_157] : memref<10240x128xf32, #tpu.memory_space<hbm>> -> memref<10240x128xf32, #tpu.memory_space<hbm>>
      tpu.enqueue_indirect_dma source(%dma_start3A_158 : memref<10240x128xf32, #tpu.memory_space<hbm>>) target(%arg9 : memref<128x128xf32, #tpu.memory_space<vmem>>) offsets(%dma_start3A_155 : memref<128xi32, #tpu.memory_space<vmem>>) semaphore(%arg12 : memref<!tpu.dma_semaphore, #tpu.memory_space<semaphore_mem>>)
      %add3A_159 = arith.constant 1 : i32
      %add3A_160 = arith.addi %add3A_144, %add3A_159 : i32
      %dma_wait3A_161 = arith.constant 0 : i32
      %dma_wait3A_162 = tpu.memref_slice %arg7[%add3A_160, %dma_wait3A_161] : memref<40x128xi32, #tpu.memory_space<vmem>> -> memref<1x128xi32, #tpu.memory_space<vmem>>
      %dma_wait3A_163 = tpu.memref_squeeze %dma_wait3A_162 : memref<1x128xi32, #tpu.memory_space<vmem>> -> memref<128xi32, #tpu.memory_space<vmem>>
      %dma_wait3A_164 = arith.constant 0 : i32
      %dma_wait3A_165 = arith.constant 0 : i32
      %dma_wait3A_166 = tpu.memref_slice %arg2[%dma_wait3A_164, %dma_wait3A_165] : memref<10240x128xf32, #tpu.memory_space<hbm>> -> memref<10240x128xf32, #tpu.memory_space<hbm>>
      tpu.wait_indirect_dma semaphore(%arg13 : memref<!tpu.dma_semaphore, #tpu.memory_space<semaphore_mem>>) src(%dma_wait3A_166 : memref<10240x128xf32, #tpu.memory_space<hbm>>) dst(%arg10 : memref<128x128xf32, #tpu.memory_space<vmem>>)
      %add3A_167 = arith.constant 1 : i32
      %add3A_168 = arith.addi %add3A_144, %add3A_167 : i32
      "tpu.region"() ({
        %run_scoped3A_177 = tpu.sem_alloc : memref<!tpu.dma_semaphore, #tpu.memory_space<semaphore_mem>>
        %dma_start3A_178 = arith.constant 0 : i32
        %dma_start3A_179 = tpu.memref_slice %arg8[%add3A_168, %dma_start3A_178] : memref<40x128xi32, #tpu.memory_space<vmem>> -> memref<1x128xi32, #tpu.memory_space<vmem>>
        %dma_start3A_180 = tpu.memref_squeeze %dma_start3A_179 : memref<1x128xi32, #tpu.memory_space<vmem>> -> memref<128xi32, #tpu.memory_space<vmem>>
        %dma_start3A_181 = arith.constant 0 : i32
        %dma_start3A_182 = arith.constant 0 : i32
        %dma_start3A_183 = tpu.memref_slice %arg11[%dma_start3A_181, %dma_start3A_182] : memref<10240x128xf32, #tpu.memory_space<vmem_shared>> -> memref<10240x128xf32, #tpu.memory_space<vmem_shared>>
        tpu.enqueue_indirect_dma source(%arg10 : memref<128x128xf32, #tpu.memory_space<vmem>>) target(%dma_start3A_183 : memref<10240x128xf32, #tpu.memory_space<vmem_shared>>) offsets(%dma_start3A_180 : memref<128xi32, #tpu.memory_space<vmem>>) semaphore(%run_scoped3A_177 : memref<!tpu.dma_semaphore, #tpu.memory_space<semaphore_mem>>) {add = true}
        %dma_wait3A_184 = arith.constant 0 : i32
        %dma_wait3A_185 = tpu.memref_slice %arg8[%add3A_168, %dma_wait3A_184] : memref<40x128xi32, #tpu.memory_space<vmem>> -> memref<1x128xi32, #tpu.memory_space<vmem>>
        %dma_wait3A_186 = tpu.memref_squeeze %dma_wait3A_185 : memref<1x128xi32, #tpu.memory_space<vmem>> -> memref<128xi32, #tpu.memory_space<vmem>>
        %dma_wait3A_187 = arith.constant 0 : i32
        %dma_wait3A_188 = arith.constant 0 : i32
        %dma_wait3A_189 = tpu.memref_slice %arg11[%dma_wait3A_187, %dma_wait3A_188] : memref<10240x128xf32, #tpu.memory_space<vmem_shared>> -> memref<10240x128xf32, #tpu.memory_space<vmem_shared>>
        tpu.wait_indirect_dma semaphore(%run_scoped3A_177 : memref<!tpu.dma_semaphore, #tpu.memory_space<semaphore_mem>>) src(%arg10 : memref<128x128xf32, #tpu.memory_space<vmem>>) dst(%dma_wait3A_189 : memref<10240x128xf32, #tpu.memory_space<vmem_shared>>)
        tpu.yield
      }) : () -> ()
      %add3A_169 = arith.constant 3 : i32
      %add3A_170 = arith.addi %add3A_144, %add3A_169 : i32
      %dma_start3A_171 = arith.constant 0 : i32
      %dma_start3A_172 = tpu.memref_slice %arg7[%add3A_170, %dma_start3A_171] : memref<40x128xi32, #tpu.memory_space<vmem>> -> memref<1x128xi32, #tpu.memory_space<vmem>>
      %dma_start3A_173 = tpu.memref_squeeze %dma_start3A_172 : memref<1x128xi32, #tpu.memory_space<vmem>> -> memref<128xi32, #tpu.memory_space<vmem>>
      %dma_start3A_174 = arith.constant 0 : i32
      %dma_start3A_175 = arith.constant 0 : i32
      %dma_start3A_176 = tpu.memref_slice %arg2[%dma_start3A_174, %dma_start3A_175] : memref<10240x128xf32, #tpu.memory_space<hbm>> -> memref<10240x128xf32, #tpu.memory_space<hbm>>
      tpu.enqueue_indirect_dma source(%dma_start3A_176 : memref<10240x128xf32, #tpu.memory_space<hbm>>) target(%arg10 : memref<128x128xf32, #tpu.memory_space<vmem>>) offsets(%dma_start3A_173 : memref<128xi32, #tpu.memory_space<vmem>>) semaphore(%arg13 : memref<!tpu.dma_semaphore, #tpu.memory_space<semaphore_mem>>)
    }
    %scan3A_52 = arith.constant 19 : i32
    %dma_wait3A_53 = arith.constant 38 : i32
    %dma_wait3A_54 = arith.constant 0 : i32
    %dma_wait3A_55 = tpu.memref_slice %arg7[%dma_wait3A_53, %dma_wait3A_54] : memref<40x128xi32, #tpu.memory_space<vmem>> -> memref<1x128xi32, #tpu.memory_space<vmem>>
    %dma_wait3A_56 = tpu.memref_squeeze %dma_wait3A_55 : memref<1x128xi32, #tpu.memory_space<vmem>> -> memref<128xi32, #tpu.memory_space<vmem>>
    %dma_wait3A_57 = arith.constant 0 : i32
    %dma_wait3A_58 = arith.constant 0 : i32
    %dma_wait3A_59 = tpu.memref_slice %arg2[%dma_wait3A_57, %dma_wait3A_58] : memref<10240x128xf32, #tpu.memory_space<hbm>> -> memref<10240x128xf32, #tpu.memory_space<hbm>>
    tpu.wait_indirect_dma semaphore(%arg12 : memref<!tpu.dma_semaphore, #tpu.memory_space<semaphore_mem>>) src(%dma_wait3A_59 : memref<10240x128xf32, #tpu.memory_space<hbm>>) dst(%arg9 : memref<128x128xf32, #tpu.memory_space<vmem>>)
    %run_scoped3A = arith.constant 38 : i32
    "tpu.region"() ({
      %run_scoped3A_140 = tpu.sem_alloc : memref<!tpu.dma_semaphore, #tpu.memory_space<semaphore_mem>>
      %dma_start3A_141 = arith.constant 0 : i32
      %dma_start3A_142 = tpu.memref_slice %arg8[%run_scoped3A, %dma_start3A_141] : memref<40x128xi32, #tpu.memory_space<vmem>> -> memref<1x128xi32, #tpu.memory_space<vmem>>
      %dma_start3A_143 = tpu.memref_squeeze %dma_start3A_142 : memref<1x128xi32, #tpu.memory_space<vmem>> -> memref<128xi32, #tpu.memory_space<vmem>>
      %dma_start3A_144 = arith.constant 0 : i32
      %dma_start3A_145 = arith.constant 0 : i32
      %dma_start3A_146 = tpu.memref_slice %arg11[%dma_start3A_144, %dma_start3A_145] : memref<10240x128xf32, #tpu.memory_space<vmem_shared>> -> memref<10240x128xf32, #tpu.memory_space<vmem_shared>>
      tpu.enqueue_indirect_dma source(%arg9 : memref<128x128xf32, #tpu.memory_space<vmem>>) target(%dma_start3A_146 : memref<10240x128xf32, #tpu.memory_space<vmem_shared>>) offsets(%dma_start3A_143 : memref<128xi32, #tpu.memory_space<vmem>>) semaphore(%run_scoped3A_140 : memref<!tpu.dma_semaphore, #tpu.memory_space<semaphore_mem>>) {add = true}
      %dma_wait3A_147 = arith.constant 0 : i32
      %dma_wait3A_148 = tpu.memref_slice %arg8[%run_scoped3A, %dma_wait3A_147] : memref<40x128xi32, #tpu.memory_space<vmem>> -> memref<1x128xi32, #tpu.memory_space<vmem>>
      %dma_wait3A_149 = tpu.memref_squeeze %dma_wait3A_148 : memref<1x128xi32, #tpu.memory_space<vmem>> -> memref<128xi32, #tpu.memory_space<vmem>>
      %dma_wait3A_150 = arith.constant 0 : i32
      %dma_wait3A_151 = arith.constant 0 : i32
      %dma_wait3A_152 = tpu.memref_slice %arg11[%dma_wait3A_150, %dma_wait3A_151] : memref<10240x128xf32, #tpu.memory_space<vmem_shared>> -> memref<10240x128xf32, #tpu.memory_space<vmem_shared>>
      tpu.wait_indirect_dma semaphore(%run_scoped3A_140 : memref<!tpu.dma_semaphore, #tpu.memory_space<semaphore_mem>>) src(%arg9 : memref<128x128xf32, #tpu.memory_space<vmem>>) dst(%dma_wait3A_152 : memref<10240x128xf32, #tpu.memory_space<vmem_shared>>)
      tpu.yield
    }) : () -> ()
    %dma_wait3A_60 = arith.constant 39 : i32
    %dma_wait3A_61 = arith.constant 0 : i32
    %dma_wait3A_62 = tpu.memref_slice %arg7[%dma_wait3A_60, %dma_wait3A_61] : memref<40x128xi32, #tpu.memory_space<vmem>> -> memref<1x128xi32, #tpu.memory_space<vmem>>
    %dma_wait3A_63 = tpu.memref_squeeze %dma_wait3A_62 : memref<1x128xi32, #tpu.memory_space<vmem>> -> memref<128xi32, #tpu.memory_space<vmem>>
    %dma_wait3A_64 = arith.constant 0 : i32
    %dma_wait3A_65 = arith.constant 0 : i32
    %dma_wait3A_66 = tpu.memref_slice %arg2[%dma_wait3A_64, %dma_wait3A_65] : memref<10240x128xf32, #tpu.memory_space<hbm>> -> memref<10240x128xf32, #tpu.memory_space<hbm>>
    tpu.wait_indirect_dma semaphore(%arg13 : memref<!tpu.dma_semaphore, #tpu.memory_space<semaphore_mem>>) src(%dma_wait3A_66 : memref<10240x128xf32, #tpu.memory_space<hbm>>) dst(%arg10 : memref<128x128xf32, #tpu.memory_space<vmem>>)
    %run_scoped3A_67 = arith.constant 39 : i32
    "tpu.region"() ({
      %run_scoped3A_140 = tpu.sem_alloc : memref<!tpu.dma_semaphore, #tpu.memory_space<semaphore_mem>>
      %dma_start3A_141 = arith.constant 0 : i32
      %dma_start3A_142 = tpu.memref_slice %arg8[%run_scoped3A_67, %dma_start3A_141] : memref<40x128xi32, #tpu.memory_space<vmem>> -> memref<1x128xi32, #tpu.memory_space<vmem>>
      %dma_start3A_143 = tpu.memref_squeeze %dma_start3A_142 : memref<1x128xi32, #tpu.memory_space<vmem>> -> memref<128xi32, #tpu.memory_space<vmem>>
      %dma_start3A_144 = arith.constant 0 : i32
      %dma_start3A_145 = arith.constant 0 : i32
      %dma_start3A_146 = tpu.memref_slice %arg11[%dma_start3A_144, %dma_start3A_145] : memref<10240x128xf32, #tpu.memory_space<vmem_shared>> -> memref<10240x128xf32, #tpu.memory_space<vmem_shared>>
      tpu.enqueue_indirect_dma source(%arg10 : memref<128x128xf32, #tpu.memory_space<vmem>>) target(%dma_start3A_146 : memref<10240x128xf32, #tpu.memory_space<vmem_shared>>) offsets(%dma_start3A_143 : memref<128xi32, #tpu.memory_space<vmem>>) semaphore(%run_scoped3A_140 : memref<!tpu.dma_semaphore, #tpu.memory_space<semaphore_mem>>) {add = true}
      %dma_wait3A_147 = arith.constant 0 : i32
      %dma_wait3A_148 = tpu.memref_slice %arg8[%run_scoped3A_67, %dma_wait3A_147] : memref<40x128xi32, #tpu.memory_space<vmem>> -> memref<1x128xi32, #tpu.memory_space<vmem>>
      %dma_wait3A_149 = tpu.memref_squeeze %dma_wait3A_148 : memref<1x128xi32, #tpu.memory_space<vmem>> -> memref<128xi32, #tpu.memory_space<vmem>>
      %dma_wait3A_150 = arith.constant 0 : i32
      %dma_wait3A_151 = arith.constant 0 : i32
      %dma_wait3A_152 = tpu.memref_slice %arg11[%dma_wait3A_150, %dma_wait3A_151] : memref<10240x128xf32, #tpu.memory_space<vmem_shared>> -> memref<10240x128xf32, #tpu.memory_space<vmem_shared>>
      tpu.wait_indirect_dma semaphore(%run_scoped3A_140 : memref<!tpu.dma_semaphore, #tpu.memory_space<semaphore_mem>>) src(%arg10 : memref<128x128xf32, #tpu.memory_space<vmem>>) dst(%dma_wait3A_152 : memref<10240x128xf32, #tpu.memory_space<vmem_shared>>)
      tpu.yield
    }) : () -> ()
    %dma_start3A_68 = arith.constant 40 : i32
    %dma_start3A_69 = arith.constant 0 : i32
    %dma_start3A_70 = tpu.memref_slice %arg3[%add3A, %dma_start3A_68, %dma_start3A_69] : memref<32x80x128xi32, #tpu.memory_space<hbm>> -> memref<1x40x128xi32, #tpu.memory_space<hbm>>
    %dma_start3A_71 = tpu.memref_squeeze %dma_start3A_70 : memref<1x40x128xi32, #tpu.memory_space<hbm>> -> memref<40x128xi32, #tpu.memory_space<hbm>>
    %dma_start3A_72 = arith.constant 40 : i32
    %dma_start3A_73 = arith.constant 0 : i32
    %dma_start3A_74 = tpu.memref_slice %arg3[%add3A, %dma_start3A_72, %dma_start3A_73] : memref<32x80x128xi32, #tpu.memory_space<hbm>> -> memref<1x40x128xi32, #tpu.memory_space<hbm>>
    %dma_start3A_75 = tpu.memref_squeeze %dma_start3A_74 : memref<1x40x128xi32, #tpu.memory_space<hbm>> -> memref<40x128xi32, #tpu.memory_space<hbm>>
    tpu.enqueue_dma source(%dma_start3A_75 : memref<40x128xi32, #tpu.memory_space<hbm>>) target(%arg7 : memref<40x128xi32, #tpu.memory_space<vmem>>) target_semaphore(%arg16 : memref<!tpu.dma_semaphore, #tpu.memory_space<semaphore_mem>>)
    %dma_wait3A_76 = arith.constant 40 : i32
    %dma_wait3A_77 = arith.constant 0 : i32
    %dma_wait3A_78 = tpu.memref_slice %arg3[%add3A, %dma_wait3A_76, %dma_wait3A_77] : memref<32x80x128xi32, #tpu.memory_space<hbm>> -> memref<1x40x128xi32, #tpu.memory_space<hbm>>
    %dma_wait3A_79 = tpu.memref_squeeze %dma_wait3A_78 : memref<1x40x128xi32, #tpu.memory_space<hbm>> -> memref<40x128xi32, #tpu.memory_space<hbm>>
    %dma_wait3A_80 = arith.constant 40 : i32
    %dma_wait3A_81 = arith.constant 0 : i32
    %dma_wait3A_82 = tpu.memref_slice %arg3[%add3A, %dma_wait3A_80, %dma_wait3A_81] : memref<32x80x128xi32, #tpu.memory_space<hbm>> -> memref<1x40x128xi32, #tpu.memory_space<hbm>>
    %dma_wait3A_83 = tpu.memref_squeeze %dma_wait3A_82 : memref<1x40x128xi32, #tpu.memory_space<hbm>> -> memref<40x128xi32, #tpu.memory_space<hbm>>
    tpu.wait_dma2 semaphore(%arg16 : memref<!tpu.dma_semaphore, #tpu.memory_space<semaphore_mem>>) src(%dma_wait3A_83 : memref<40x128xi32, #tpu.memory_space<hbm>>) dst(%arg7 : memref<40x128xi32, #tpu.memory_space<vmem>>)
    %dma_start3A_84 = arith.constant 40 : i32
    %dma_start3A_85 = arith.constant 0 : i32
    %dma_start3A_86 = tpu.memref_slice %arg4[%add3A, %dma_start3A_84, %dma_start3A_85] : memref<32x80x128xi32, #tpu.memory_space<hbm>> -> memref<1x40x128xi32, #tpu.memory_space<hbm>>
    %dma_start3A_87 = tpu.memref_squeeze %dma_start3A_86 : memref<1x40x128xi32, #tpu.memory_space<hbm>> -> memref<40x128xi32, #tpu.memory_space<hbm>>
    %dma_start3A_88 = arith.constant 40 : i32
    %dma_start3A_89 = arith.constant 0 : i32
    %dma_start3A_90 = tpu.memref_slice %arg4[%add3A, %dma_start3A_88, %dma_start3A_89] : memref<32x80x128xi32, #tpu.memory_space<hbm>> -> memref<1x40x128xi32, #tpu.memory_space<hbm>>
    %dma_start3A_91 = tpu.memref_squeeze %dma_start3A_90 : memref<1x40x128xi32, #tpu.memory_space<hbm>> -> memref<40x128xi32, #tpu.memory_space<hbm>>
    tpu.enqueue_dma source(%dma_start3A_91 : memref<40x128xi32, #tpu.memory_space<hbm>>) target(%arg8 : memref<40x128xi32, #tpu.memory_space<vmem>>) target_semaphore(%arg16 : memref<!tpu.dma_semaphore, #tpu.memory_space<semaphore_mem>>)
    %dma_wait3A_92 = arith.constant 40 : i32
    %dma_wait3A_93 = arith.constant 0 : i32
    %dma_wait3A_94 = tpu.memref_slice %arg4[%add3A, %dma_wait3A_92, %dma_wait3A_93] : memref<32x80x128xi32, #tpu.memory_space<hbm>> -> memref<1x40x128xi32, #tpu.memory_space<hbm>>
    %dma_wait3A_95 = tpu.memref_squeeze %dma_wait3A_94 : memref<1x40x128xi32, #tpu.memory_space<hbm>> -> memref<40x128xi32, #tpu.memory_space<hbm>>
    %dma_wait3A_96 = arith.constant 40 : i32
    %dma_wait3A_97 = arith.constant 0 : i32
    %dma_wait3A_98 = tpu.memref_slice %arg4[%add3A, %dma_wait3A_96, %dma_wait3A_97] : memref<32x80x128xi32, #tpu.memory_space<hbm>> -> memref<1x40x128xi32, #tpu.memory_space<hbm>>
    %dma_wait3A_99 = tpu.memref_squeeze %dma_wait3A_98 : memref<1x40x128xi32, #tpu.memory_space<hbm>> -> memref<40x128xi32, #tpu.memory_space<hbm>>
    tpu.wait_dma2 semaphore(%arg16 : memref<!tpu.dma_semaphore, #tpu.memory_space<semaphore_mem>>) src(%dma_wait3A_99 : memref<40x128xi32, #tpu.memory_space<hbm>>) dst(%arg8 : memref<40x128xi32, #tpu.memory_space<vmem>>)
    %dma_start3A_100 = arith.constant 0 : i32
    %dma_start3A_101 = arith.constant 0 : i32
    %dma_start3A_102 = tpu.memref_slice %arg7[%dma_start3A_100, %dma_start3A_101] : memref<40x128xi32, #tpu.memory_space<vmem>> -> memref<1x128xi32, #tpu.memory_space<vmem>>
    %dma_start3A_103 = tpu.memref_squeeze %dma_start3A_102 : memref<1x128xi32, #tpu.memory_space<vmem>> -> memref<128xi32, #tpu.memory_space<vmem>>
    %dma_start3A_104 = arith.constant 0 : i32
    %dma_start3A_105 = arith.constant 0 : i32
    %dma_start3A_106 = tpu.memref_slice %arg2[%dma_start3A_104, %dma_start3A_105] : memref<10240x128xf32, #tpu.memory_space<hbm>> -> memref<10240x128xf32, #tpu.memory_space<hbm>>
    tpu.enqueue_indirect_dma source(%dma_start3A_106 : memref<10240x128xf32, #tpu.memory_space<hbm>>) target(%arg9 : memref<128x128xf32, #tpu.memory_space<vmem>>) offsets(%dma_start3A_103 : memref<128xi32, #tpu.memory_space<vmem>>) semaphore(%arg12 : memref<!tpu.dma_semaphore, #tpu.memory_space<semaphore_mem>>)
    %dma_start3A_107 = arith.constant 1 : i32
    %dma_start3A_108 = arith.constant 0 : i32
    %dma_start3A_109 = tpu.memref_slice %arg7[%dma_start3A_107, %dma_start3A_108] : memref<40x128xi32, #tpu.memory_space<vmem>> -> memref<1x128xi32, #tpu.memory_space<vmem>>
    %dma_start3A_110 = tpu.memref_squeeze %dma_start3A_109 : memref<1x128xi32, #tpu.memory_space<vmem>> -> memref<128xi32, #tpu.memory_space<vmem>>
    %dma_start3A_111 = arith.constant 0 : i32
    %dma_start3A_112 = arith.constant 0 : i32
    %dma_start3A_113 = tpu.memref_slice %arg2[%dma_start3A_111, %dma_start3A_112] : memref<10240x128xf32, #tpu.memory_space<hbm>> -> memref<10240x128xf32, #tpu.memory_space<hbm>>
    tpu.enqueue_indirect_dma source(%dma_start3A_113 : memref<10240x128xf32, #tpu.memory_space<hbm>>) target(%arg10 : memref<128x128xf32, #tpu.memory_space<vmem>>) offsets(%dma_start3A_110 : memref<128xi32, #tpu.memory_space<vmem>>) semaphore(%arg13 : memref<!tpu.dma_semaphore, #tpu.memory_space<semaphore_mem>>)
    %scan3A_114 = arith.constant 0 : i32
    %scan3A_115 = arith.constant 19 : i32
    %scan3A_116 = arith.addi %scan3A_114, %scan3A_115 : i32
    %scan3A_117 = arith.constant 1 : i32
    scf.for %scan3A_140 = %scan3A_114 to %scan3A_116 step %scan3A_117  : i32 {
      %mul3A_141 = arith.constant 2 : i32
      %mul3A_142 = arith.muli %scan3A_140, %mul3A_141 : i32
      %add3A_143 = arith.constant 0 : i32
      %add3A_144 = arith.addi %add3A_143, %mul3A_142 : i32
      %dma_wait3A_145 = arith.constant 0 : i32
      %dma_wait3A_146 = tpu.memref_slice %arg7[%add3A_144, %dma_wait3A_145] : memref<40x128xi32, #tpu.memory_space<vmem>> -> memref<1x128xi32, #tpu.memory_space<vmem>>
      %dma_wait3A_147 = tpu.memref_squeeze %dma_wait3A_146 : memref<1x128xi32, #tpu.memory_space<vmem>> -> memref<128xi32, #tpu.memory_space<vmem>>
      %dma_wait3A_148 = arith.constant 0 : i32
      %dma_wait3A_149 = arith.constant 0 : i32
      %dma_wait3A_150 = tpu.memref_slice %arg2[%dma_wait3A_148, %dma_wait3A_149] : memref<10240x128xf32, #tpu.memory_space<hbm>> -> memref<10240x128xf32, #tpu.memory_space<hbm>>
      tpu.wait_indirect_dma semaphore(%arg12 : memref<!tpu.dma_semaphore, #tpu.memory_space<semaphore_mem>>) src(%dma_wait3A_150 : memref<10240x128xf32, #tpu.memory_space<hbm>>) dst(%arg9 : memref<128x128xf32, #tpu.memory_space<vmem>>)
      "tpu.region"() ({
        %run_scoped3A_177 = tpu.sem_alloc : memref<!tpu.dma_semaphore, #tpu.memory_space<semaphore_mem>>
        %dma_start3A_178 = arith.constant 0 : i32
        %dma_start3A_179 = tpu.memref_slice %arg8[%add3A_144, %dma_start3A_178] : memref<40x128xi32, #tpu.memory_space<vmem>> -> memref<1x128xi32, #tpu.memory_space<vmem>>
        %dma_start3A_180 = tpu.memref_squeeze %dma_start3A_179 : memref<1x128xi32, #tpu.memory_space<vmem>> -> memref<128xi32, #tpu.memory_space<vmem>>
        %dma_start3A_181 = arith.constant 0 : i32
        %dma_start3A_182 = arith.constant 0 : i32
        %dma_start3A_183 = tpu.memref_slice %arg11[%dma_start3A_181, %dma_start3A_182] : memref<10240x128xf32, #tpu.memory_space<vmem_shared>> -> memref<10240x128xf32, #tpu.memory_space<vmem_shared>>
        tpu.enqueue_indirect_dma source(%arg9 : memref<128x128xf32, #tpu.memory_space<vmem>>) target(%dma_start3A_183 : memref<10240x128xf32, #tpu.memory_space<vmem_shared>>) offsets(%dma_start3A_180 : memref<128xi32, #tpu.memory_space<vmem>>) semaphore(%run_scoped3A_177 : memref<!tpu.dma_semaphore, #tpu.memory_space<semaphore_mem>>) {add = true}
        %dma_wait3A_184 = arith.constant 0 : i32
        %dma_wait3A_185 = tpu.memref_slice %arg8[%add3A_144, %dma_wait3A_184] : memref<40x128xi32, #tpu.memory_space<vmem>> -> memref<1x128xi32, #tpu.memory_space<vmem>>
        %dma_wait3A_186 = tpu.memref_squeeze %dma_wait3A_185 : memref<1x128xi32, #tpu.memory_space<vmem>> -> memref<128xi32, #tpu.memory_space<vmem>>
        %dma_wait3A_187 = arith.constant 0 : i32
        %dma_wait3A_188 = arith.constant 0 : i32
        %dma_wait3A_189 = tpu.memref_slice %arg11[%dma_wait3A_187, %dma_wait3A_188] : memref<10240x128xf32, #tpu.memory_space<vmem_shared>> -> memref<10240x128xf32, #tpu.memory_space<vmem_shared>>
        tpu.wait_indirect_dma semaphore(%run_scoped3A_177 : memref<!tpu.dma_semaphore, #tpu.memory_space<semaphore_mem>>) src(%arg9 : memref<128x128xf32, #tpu.memory_space<vmem>>) dst(%dma_wait3A_189 : memref<10240x128xf32, #tpu.memory_space<vmem_shared>>)
        tpu.yield
      }) : () -> ()
      %add3A_151 = arith.constant 2 : i32
      %add3A_152 = arith.addi %add3A_144, %add3A_151 : i32
      %dma_start3A_153 = arith.constant 0 : i32
      %dma_start3A_154 = tpu.memref_slice %arg7[%add3A_152, %dma_start3A_153] : memref<40x128xi32, #tpu.memory_space<vmem>> -> memref<1x128xi32, #tpu.memory_space<vmem>>
      %dma_start3A_155 = tpu.memref_squeeze %dma_start3A_154 : memref<1x128xi32, #tpu.memory_space<vmem>> -> memref<128xi32, #tpu.memory_space<vmem>>
      %dma_start3A_156 = arith.constant 0 : i32
      %dma_start3A_157 = arith.constant 0 : i32
      %dma_start3A_158 = tpu.memref_slice %arg2[%dma_start3A_156, %dma_start3A_157] : memref<10240x128xf32, #tpu.memory_space<hbm>> -> memref<10240x128xf32, #tpu.memory_space<hbm>>
      tpu.enqueue_indirect_dma source(%dma_start3A_158 : memref<10240x128xf32, #tpu.memory_space<hbm>>) target(%arg9 : memref<128x128xf32, #tpu.memory_space<vmem>>) offsets(%dma_start3A_155 : memref<128xi32, #tpu.memory_space<vmem>>) semaphore(%arg12 : memref<!tpu.dma_semaphore, #tpu.memory_space<semaphore_mem>>)
      %add3A_159 = arith.constant 1 : i32
      %add3A_160 = arith.addi %add3A_144, %add3A_159 : i32
      %dma_wait3A_161 = arith.constant 0 : i32
      %dma_wait3A_162 = tpu.memref_slice %arg7[%add3A_160, %dma_wait3A_161] : memref<40x128xi32, #tpu.memory_space<vmem>> -> memref<1x128xi32, #tpu.memory_space<vmem>>
      %dma_wait3A_163 = tpu.memref_squeeze %dma_wait3A_162 : memref<1x128xi32, #tpu.memory_space<vmem>> -> memref<128xi32, #tpu.memory_space<vmem>>
      %dma_wait3A_164 = arith.constant 0 : i32
      %dma_wait3A_165 = arith.constant 0 : i32
      %dma_wait3A_166 = tpu.memref_slice %arg2[%dma_wait3A_164, %dma_wait3A_165] : memref<10240x128xf32, #tpu.memory_space<hbm>> -> memref<10240x128xf32, #tpu.memory_space<hbm>>
      tpu.wait_indirect_dma semaphore(%arg13 : memref<!tpu.dma_semaphore, #tpu.memory_space<semaphore_mem>>) src(%dma_wait3A_166 : memref<10240x128xf32, #tpu.memory_space<hbm>>) dst(%arg10 : memref<128x128xf32, #tpu.memory_space<vmem>>)
      %add3A_167 = arith.constant 1 : i32
      %add3A_168 = arith.addi %add3A_144, %add3A_167 : i32
      "tpu.region"() ({
        %run_scoped3A_177 = tpu.sem_alloc : memref<!tpu.dma_semaphore, #tpu.memory_space<semaphore_mem>>
        %dma_start3A_178 = arith.constant 0 : i32
        %dma_start3A_179 = tpu.memref_slice %arg8[%add3A_168, %dma_start3A_178] : memref<40x128xi32, #tpu.memory_space<vmem>> -> memref<1x128xi32, #tpu.memory_space<vmem>>
        %dma_start3A_180 = tpu.memref_squeeze %dma_start3A_179 : memref<1x128xi32, #tpu.memory_space<vmem>> -> memref<128xi32, #tpu.memory_space<vmem>>
        %dma_start3A_181 = arith.constant 0 : i32
        %dma_start3A_182 = arith.constant 0 : i32
        %dma_start3A_183 = tpu.memref_slice %arg11[%dma_start3A_181, %dma_start3A_182] : memref<10240x128xf32, #tpu.memory_space<vmem_shared>> -> memref<10240x128xf32, #tpu.memory_space<vmem_shared>>
        tpu.enqueue_indirect_dma source(%arg10 : memref<128x128xf32, #tpu.memory_space<vmem>>) target(%dma_start3A_183 : memref<10240x128xf32, #tpu.memory_space<vmem_shared>>) offsets(%dma_start3A_180 : memref<128xi32, #tpu.memory_space<vmem>>) semaphore(%run_scoped3A_177 : memref<!tpu.dma_semaphore, #tpu.memory_space<semaphore_mem>>) {add = true}
        %dma_wait3A_184 = arith.constant 0 : i32
        %dma_wait3A_185 = tpu.memref_slice %arg8[%add3A_168, %dma_wait3A_184] : memref<40x128xi32, #tpu.memory_space<vmem>> -> memref<1x128xi32, #tpu.memory_space<vmem>>
        %dma_wait3A_186 = tpu.memref_squeeze %dma_wait3A_185 : memref<1x128xi32, #tpu.memory_space<vmem>> -> memref<128xi32, #tpu.memory_space<vmem>>
        %dma_wait3A_187 = arith.constant 0 : i32
        %dma_wait3A_188 = arith.constant 0 : i32
        %dma_wait3A_189 = tpu.memref_slice %arg11[%dma_wait3A_187, %dma_wait3A_188] : memref<10240x128xf32, #tpu.memory_space<vmem_shared>> -> memref<10240x128xf32, #tpu.memory_space<vmem_shared>>
        tpu.wait_indirect_dma semaphore(%run_scoped3A_177 : memref<!tpu.dma_semaphore, #tpu.memory_space<semaphore_mem>>) src(%arg10 : memref<128x128xf32, #tpu.memory_space<vmem>>) dst(%dma_wait3A_189 : memref<10240x128xf32, #tpu.memory_space<vmem_shared>>)
        tpu.yield
      }) : () -> ()
      %add3A_169 = arith.constant 3 : i32
      %add3A_170 = arith.addi %add3A_144, %add3A_169 : i32
      %dma_start3A_171 = arith.constant 0 : i32
      %dma_start3A_172 = tpu.memref_slice %arg7[%add3A_170, %dma_start3A_171] : memref<40x128xi32, #tpu.memory_space<vmem>> -> memref<1x128xi32, #tpu.memory_space<vmem>>
      %dma_start3A_173 = tpu.memref_squeeze %dma_start3A_172 : memref<1x128xi32, #tpu.memory_space<vmem>> -> memref<128xi32, #tpu.memory_space<vmem>>
      %dma_start3A_174 = arith.constant 0 : i32
      %dma_start3A_175 = arith.constant 0 : i32
      %dma_start3A_176 = tpu.memref_slice %arg2[%dma_start3A_174, %dma_start3A_175] : memref<10240x128xf32, #tpu.memory_space<hbm>> -> memref<10240x128xf32, #tpu.memory_space<hbm>>
      tpu.enqueue_indirect_dma source(%dma_start3A_176 : memref<10240x128xf32, #tpu.memory_space<hbm>>) target(%arg10 : memref<128x128xf32, #tpu.memory_space<vmem>>) offsets(%dma_start3A_173 : memref<128xi32, #tpu.memory_space<vmem>>) semaphore(%arg13 : memref<!tpu.dma_semaphore, #tpu.memory_space<semaphore_mem>>)
    }
    %scan3A_118 = arith.constant 19 : i32
    %dma_wait3A_119 = arith.constant 38 : i32
    %dma_wait3A_120 = arith.constant 0 : i32
    %dma_wait3A_121 = tpu.memref_slice %arg7[%dma_wait3A_119, %dma_wait3A_120] : memref<40x128xi32, #tpu.memory_space<vmem>> -> memref<1x128xi32, #tpu.memory_space<vmem>>
    %dma_wait3A_122 = tpu.memref_squeeze %dma_wait3A_121 : memref<1x128xi32, #tpu.memory_space<vmem>> -> memref<128xi32, #tpu.memory_space<vmem>>
    %dma_wait3A_123 = arith.constant 0 : i32
    %dma_wait3A_124 = arith.constant 0 : i32
    %dma_wait3A_125 = tpu.memref_slice %arg2[%dma_wait3A_123, %dma_wait3A_124] : memref<10240x128xf32, #tpu.memory_space<hbm>> -> memref<10240x128xf32, #tpu.memory_space<hbm>>
    tpu.wait_indirect_dma semaphore(%arg12 : memref<!tpu.dma_semaphore, #tpu.memory_space<semaphore_mem>>) src(%dma_wait3A_125 : memref<10240x128xf32, #tpu.memory_space<hbm>>) dst(%arg9 : memref<128x128xf32, #tpu.memory_space<vmem>>)
    %run_scoped3A_126 = arith.constant 38 : i32
    "tpu.region"() ({
      %run_scoped3A_140 = tpu.sem_alloc : memref<!tpu.dma_semaphore, #tpu.memory_space<semaphore_mem>>
      %dma_start3A_141 = arith.constant 0 : i32
      %dma_start3A_142 = tpu.memref_slice %arg8[%run_scoped3A_126, %dma_start3A_141] : memref<40x128xi32, #tpu.memory_space<vmem>> -> memref<1x128xi32, #tpu.memory_space<vmem>>
      %dma_start3A_143 = tpu.memref_squeeze %dma_start3A_142 : memref<1x128xi32, #tpu.memory_space<vmem>> -> memref<128xi32, #tpu.memory_space<vmem>>
      %dma_start3A_144 = arith.constant 0 : i32
      %dma_start3A_145 = arith.constant 0 : i32
      %dma_start3A_146 = tpu.memref_slice %arg11[%dma_start3A_144, %dma_start3A_145] : memref<10240x128xf32, #tpu.memory_space<vmem_shared>> -> memref<10240x128xf32, #tpu.memory_space<vmem_shared>>
      tpu.enqueue_indirect_dma source(%arg9 : memref<128x128xf32, #tpu.memory_space<vmem>>) target(%dma_start3A_146 : memref<10240x128xf32, #tpu.memory_space<vmem_shared>>) offsets(%dma_start3A_143 : memref<128xi32, #tpu.memory_space<vmem>>) semaphore(%run_scoped3A_140 : memref<!tpu.dma_semaphore, #tpu.memory_space<semaphore_mem>>) {add = true}
      %dma_wait3A_147 = arith.constant 0 : i32
      %dma_wait3A_148 = tpu.memref_slice %arg8[%run_scoped3A_126, %dma_wait3A_147] : memref<40x128xi32, #tpu.memory_space<vmem>> -> memref<1x128xi32, #tpu.memory_space<vmem>>
      %dma_wait3A_149 = tpu.memref_squeeze %dma_wait3A_148 : memref<1x128xi32, #tpu.memory_space<vmem>> -> memref<128xi32, #tpu.memory_space<vmem>>
      %dma_wait3A_150 = arith.constant 0 : i32
      %dma_wait3A_151 = arith.constant 0 : i32
      %dma_wait3A_152 = tpu.memref_slice %arg11[%dma_wait3A_150, %dma_wait3A_151] : memref<10240x128xf32, #tpu.memory_space<vmem_shared>> -> memref<10240x128xf32, #tpu.memory_space<vmem_shared>>
      tpu.wait_indirect_dma semaphore(%run_scoped3A_140 : memref<!tpu.dma_semaphore, #tpu.memory_space<semaphore_mem>>) src(%arg9 : memref<128x128xf32, #tpu.memory_space<vmem>>) dst(%dma_wait3A_152 : memref<10240x128xf32, #tpu.memory_space<vmem_shared>>)
      tpu.yield
    }) : () -> ()
    %dma_wait3A_127 = arith.constant 39 : i32
    %dma_wait3A_128 = arith.constant 0 : i32
    %dma_wait3A_129 = tpu.memref_slice %arg7[%dma_wait3A_127, %dma_wait3A_128] : memref<40x128xi32, #tpu.memory_space<vmem>> -> memref<1x128xi32, #tpu.memory_space<vmem>>
    %dma_wait3A_130 = tpu.memref_squeeze %dma_wait3A_129 : memref<1x128xi32, #tpu.memory_space<vmem>> -> memref<128xi32, #tpu.memory_space<vmem>>
    %dma_wait3A_131 = arith.constant 0 : i32
    %dma_wait3A_132 = arith.constant 0 : i32
    %dma_wait3A_133 = tpu.memref_slice %arg2[%dma_wait3A_131, %dma_wait3A_132] : memref<10240x128xf32, #tpu.memory_space<hbm>> -> memref<10240x128xf32, #tpu.memory_space<hbm>>
    tpu.wait_indirect_dma semaphore(%arg13 : memref<!tpu.dma_semaphore, #tpu.memory_space<semaphore_mem>>) src(%dma_wait3A_133 : memref<10240x128xf32, #tpu.memory_space<hbm>>) dst(%arg10 : memref<128x128xf32, #tpu.memory_space<vmem>>)
    %run_scoped3A_134 = arith.constant 39 : i32
    "tpu.region"() ({
      %run_scoped3A_140 = tpu.sem_alloc : memref<!tpu.dma_semaphore, #tpu.memory_space<semaphore_mem>>
      %dma_start3A_141 = arith.constant 0 : i32
      %dma_start3A_142 = tpu.memref_slice %arg8[%run_scoped3A_134, %dma_start3A_141] : memref<40x128xi32, #tpu.memory_space<vmem>> -> memref<1x128xi32, #tpu.memory_space<vmem>>
      %dma_start3A_143 = tpu.memref_squeeze %dma_start3A_142 : memref<1x128xi32, #tpu.memory_space<vmem>> -> memref<128xi32, #tpu.memory_space<vmem>>
      %dma_start3A_144 = arith.constant 0 : i32
      %dma_start3A_145 = arith.constant 0 : i32
      %dma_start3A_146 = tpu.memref_slice %arg11[%dma_start3A_144, %dma_start3A_145] : memref<10240x128xf32, #tpu.memory_space<vmem_shared>> -> memref<10240x128xf32, #tpu.memory_space<vmem_shared>>
      tpu.enqueue_indirect_dma source(%arg10 : memref<128x128xf32, #tpu.memory_space<vmem>>) target(%dma_start3A_146 : memref<10240x128xf32, #tpu.memory_space<vmem_shared>>) offsets(%dma_start3A_143 : memref<128xi32, #tpu.memory_space<vmem>>) semaphore(%run_scoped3A_140 : memref<!tpu.dma_semaphore, #tpu.memory_space<semaphore_mem>>) {add = true}
      %dma_wait3A_147 = arith.constant 0 : i32
      %dma_wait3A_148 = tpu.memref_slice %arg8[%run_scoped3A_134, %dma_wait3A_147] : memref<40x128xi32, #tpu.memory_space<vmem>> -> memref<1x128xi32, #tpu.memory_space<vmem>>
      %dma_wait3A_149 = tpu.memref_squeeze %dma_wait3A_148 : memref<1x128xi32, #tpu.memory_space<vmem>> -> memref<128xi32, #tpu.memory_space<vmem>>
      %dma_wait3A_150 = arith.constant 0 : i32
      %dma_wait3A_151 = arith.constant 0 : i32
      %dma_wait3A_152 = tpu.memref_slice %arg11[%dma_wait3A_150, %dma_wait3A_151] : memref<10240x128xf32, #tpu.memory_space<vmem_shared>> -> memref<10240x128xf32, #tpu.memory_space<vmem_shared>>
      tpu.wait_indirect_dma semaphore(%run_scoped3A_140 : memref<!tpu.dma_semaphore, #tpu.memory_space<semaphore_mem>>) src(%arg10 : memref<128x128xf32, #tpu.memory_space<vmem>>) dst(%dma_wait3A_152 : memref<10240x128xf32, #tpu.memory_space<vmem_shared>>)
      tpu.yield
    }) : () -> ()
    %barrier3A_135 = arith.constant 0 : index
    tpu.barrier barrier_id(%barrier3A_135)
    %mul3A_136 = arith.constant 640 : i32
    %mul3A_137 = arith.muli %arg1, %mul3A_136 : i32
    %mul3A_138 = arith.constant 640 : i32
    %mul3A_139 = arith.muli %arg1, %mul3A_138 : i32
    "tpu.region"() ({
      %run_scoped3A_140 = tpu.sem_alloc : memref<!tpu.dma_semaphore, #tpu.memory_space<semaphore_mem>>
      %dma_start3A_141 = arith.constant 0 : i32
      %dma_start3A_142 = tpu.memref_slice %arg6[%arg0, %mul3A_139, %dma_start3A_141] : memref<2x10240x128xf32, #tpu.memory_space<hbm>> -> memref<1x640x128xf32, #tpu.memory_space<hbm>>
      %dma_start3A_143 = tpu.memref_squeeze %dma_start3A_142 : memref<1x640x128xf32, #tpu.memory_space<hbm>> -> memref<640x128xf32, #tpu.memory_space<hbm>>
      %dma_start3A_144 = arith.constant 0 : i32
      %dma_start3A_145 = tpu.memref_slice %arg11[%mul3A_137, %dma_start3A_144] : memref<10240x128xf32, #tpu.memory_space<vmem_shared>> -> memref<640x128xf32, #tpu.memory_space<vmem_shared>>
      tpu.enqueue_dma source(%dma_start3A_145 : memref<640x128xf32, #tpu.memory_space<vmem_shared>>) target(%dma_start3A_143 : memref<640x128xf32, #tpu.memory_space<hbm>>) target_semaphore(%run_scoped3A_140 : memref<!tpu.dma_semaphore, #tpu.memory_space<semaphore_mem>>)
      %dma_wait3A_146 = arith.constant 0 : i32
      %dma_wait3A_147 = tpu.memref_slice %arg6[%arg0, %mul3A_139, %dma_wait3A_146] : memref<2x10240x128xf32, #tpu.memory_space<hbm>> -> memref<1x640x128xf32, #tpu.memory_space<hbm>>
      %dma_wait3A_148 = tpu.memref_squeeze %dma_wait3A_147 : memref<1x640x128xf32, #tpu.memory_space<hbm>> -> memref<640x128xf32, #tpu.memory_space<hbm>>
      %dma_wait3A_149 = arith.constant 0 : i32
      %dma_wait3A_150 = tpu.memref_slice %arg11[%mul3A_137, %dma_wait3A_149] : memref<10240x128xf32, #tpu.memory_space<vmem_shared>> -> memref<640x128xf32, #tpu.memory_space<vmem_shared>>
      tpu.wait_dma2 semaphore(%run_scoped3A_140 : memref<!tpu.dma_semaphore, #tpu.memory_space<semaphore_mem>>) src(%dma_wait3A_150 : memref<640x128xf32, #tpu.memory_space<vmem_shared>>) dst(%dma_wait3A_148 : memref<640x128xf32, #tpu.memory_space<hbm>>)
      tpu.yield
    }) : () -> ()
    return
  }
}

module attributes {stable_mosaic.version = 14 : i64} {
  func.func @_prep_body(%arg0: i32, %arg1: memref<2x512x128xf32, #tpu.memory_space<vmem>>, %arg2: memref<512x128xf32, #tpu.memory_space<vmem>>, %arg3: memref<128x128xf32, #tpu.memory_space<vmem>>, %arg4: memref<1x128xf32, #tpu.memory_space<vmem>>, %arg5: memref<512x128xf32, #tpu.memory_space<vmem>>, %arg6: memref<512x1xf32, #tpu.memory_space<vmem>>) attributes {dimension_semantics = [#tpu.dimension_semantics<arbitrary>], iteration_bounds = array<i64: 20>, scalar_prefetch = 0 : i64, scratch_operands = 0 : i64, tpu.core_type = #tpu.core_type<tc>, window_params = [{transform_indices = @transform_0, window_bounds = array<i64: 2, 512, 128>}, {transform_indices = @transform_1, window_bounds = array<i64: 512, 128>}, {pipeline_mode = #tpu.pipeline_mode<synchronous>, transform_indices = @transform_2, window_bounds = array<i64: 128, 128>}, {pipeline_mode = #tpu.pipeline_mode<synchronous>, transform_indices = @transform_3, window_bounds = array<i64: 1, 128>}, {transform_indices = @transform_4, window_bounds = array<i64: 512, 128>}, {transform_indices = @transform_5, window_bounds = array<i64: 512, 1>}]} {
    %get3A = arith.constant 0 : index
    %get3A_0 = arith.constant 0 : index
    %get3A_1 = arith.constant 0 : index
    %get3A_2 = vector.load %arg1[%get3A, %get3A_0, %get3A_1] : memref<2x512x128xf32, #tpu.memory_space<vmem>>, vector<1x512x1xf32>
    %get3A_3 = vector.shape_cast %get3A_2 : vector<1x512x1xf32> to vector<512x1xf32>
    %get3A_4 = arith.constant 1 : index
    %get3A_5 = arith.constant 0 : index
    %get3A_6 = arith.constant 0 : index
    %get3A_7 = vector.load %arg1[%get3A_4, %get3A_5, %get3A_6] : memref<2x512x128xf32, #tpu.memory_space<vmem>>, vector<1x512x1xf32>
    %get3A_8 = vector.shape_cast %get3A_7 : vector<1x512x1xf32> to vector<512x1xf32>
    %add3A = arith.addf %get3A_3, %get3A_8 : vector<512x1xf32>
    %gt3A = arith.constant 0.000000e+00 : f32
    %gt3A_9 = vector.broadcast %gt3A : f32 to vector<512x1xf32>
    %gt3A_10 = arith.cmpf ogt, %add3A, %gt3A_9 : vector<512x1xf32>
    %rsqrt3A = math.rsqrt %add3A : vector<512x1xf32>
    %jit3A = arith.constant 0.000000e+00 : f32
    %broadcast_in_dim3A = vector.broadcast %jit3A : f32 to vector<512x1xf32>
    %select_n3A = arith.select %gt3A_10, %rsqrt3A, %broadcast_in_dim3A : vector<512x1xi1>, vector<512x1xf32>
    %get3A_11 = arith.constant 0 : index
    %get3A_12 = arith.constant 0 : index
    %get3A_13 = vector.load %arg2[%get3A_11, %get3A_12] : memref<512x128xf32, #tpu.memory_space<vmem>>, vector<512x128xf32>
    %get3A_14 = arith.constant 0 : index
    %get3A_15 = arith.constant 0 : index
    %get3A_16 = vector.load %arg3[%get3A_14, %get3A_15] : memref<128x128xf32, #tpu.memory_space<vmem>>, vector<128x128xf32>
    %dot_general3A = arith.constant dense<0.000000e+00> : vector<512x128xf32>
    %dot_general3A_17 = tpu.matmul %get3A_13, %get3A_16, %dot_general3A {dimension_numbers = #tpu.dot_dimension_numbers<[1], [1], [0], [0], [0, 0, 1, 0], [], []>, transpose_lhs_hint = false} : vector<512x128xf32>, vector<128x128xf32>, vector<512x128xf32> -> vector<512x128xf32>
    %get3A_18 = arith.constant 0 : index
    %get3A_19 = arith.constant 0 : index
    %get3A_20 = vector.load %arg4[%get3A_18, %get3A_19] : memref<1x128xf32, #tpu.memory_space<vmem>>, vector<1x128xf32>
    %add3A_21 = vector.broadcast %get3A_20 : vector<1x128xf32> to vector<512x128xf32>
    %add3A_22 = arith.addf %dot_general3A_17, %add3A_21 : vector<512x128xf32>
    %swap3A = arith.constant 0 : index
    %swap3A_23 = arith.constant 0 : index
    %swap3A_24 = vector.load %arg6[%swap3A, %swap3A_23] : memref<512x1xf32, #tpu.memory_space<vmem>>, vector<512x1xf32>
    tpu.vector_store %arg6[%swap3A, %swap3A_23], %select_n3A {strides = array<i32>} : memref<512x1xf32, #tpu.memory_space<vmem>>, vector<512x1xf32>,
    %mul3A = vector.broadcast %select_n3A : vector<512x1xf32> to vector<512x128xf32>
    %mul3A_25 = arith.mulf %mul3A, %add3A_22 : vector<512x128xf32>
    %swap3A_26 = arith.constant 0 : index
    %swap3A_27 = arith.constant 0 : index
    %swap3A_28 = vector.load %arg5[%swap3A_26, %swap3A_27] : memref<512x128xf32, #tpu.memory_space<vmem>>, vector<512x128xf32>
    tpu.vector_store %arg5[%swap3A_26, %swap3A_27], %mul3A_25 {strides = array<i32>} : memref<512x128xf32, #tpu.memory_space<vmem>>, vector<512x128xf32>,
    return
  }
  func.func @transform_0(%arg0: i32) -> (i32, i32, i32) {
    %c0_i32 = arith.constant 0 : i32
    %c0_i32_0 = arith.constant 0 : i32
    %c0_i32_1 = arith.constant 0 : i32
    return %c0_i32, %arg0, %c0_i32_0 : i32, i32, i32
  }
  func.func @transform_1(%arg0: i32) -> (i32, i32) {
    %c0_i32 = arith.constant 0 : i32
    %c0_i32_0 = arith.constant 0 : i32
    return %arg0, %c0_i32 : i32, i32
  }
  func.func @transform_2(%arg0: i32) -> (i32, i32) {
    %c0_i32 = arith.constant 0 : i32
    %c0_i32_0 = arith.constant 0 : i32
    %c0_i32_1 = arith.constant 0 : i32
    return %c0_i32, %c0_i32_0 : i32, i32
  }
  func.func @transform_3(%arg0: i32) -> (i32, i32) {
    %c0_i32 = arith.constant 0 : i32
    %c0_i32_0 = arith.constant 0 : i32
    %c0_i32_1 = arith.constant 0 : i32
    return %c0_i32, %c0_i32_0 : i32, i32
  }
  func.func @transform_4(%arg0: i32) -> (i32, i32) {
    %c0_i32 = arith.constant 0 : i32
    %c0_i32_0 = arith.constant 0 : i32
    return %arg0, %c0_i32 : i32, i32
  }
  func.func @transform_5(%arg0: i32) -> (i32, i32) {
    %c0_i32 = arith.constant 0 : i32
    %c0_i32_0 = arith.constant 0 : i32
    return %arg0, %c0_i32 : i32, i32
  }
}

module attributes {stable_mosaic.version = 14 : i64} {
  func.func @_mid_body(%arg0: i32, %arg1: memref<2x512x128xf32, #tpu.memory_space<vmem>>, %arg2: memref<512x1xf32, #tpu.memory_space<vmem>>, %arg3: memref<128x128xf32, #tpu.memory_space<vmem>>, %arg4: memref<1x128xf32, #tpu.memory_space<vmem>>, %arg5: memref<512x128xf32, #tpu.memory_space<vmem>>) attributes {dimension_semantics = [#tpu.dimension_semantics<arbitrary>], iteration_bounds = array<i64: 20>, scalar_prefetch = 0 : i64, scratch_operands = 0 : i64, tpu.core_type = #tpu.core_type<tc>, window_params = [{transform_indices = @transform_0, window_bounds = array<i64: 2, 512, 128>}, {transform_indices = @transform_1, window_bounds = array<i64: 512, 1>}, {pipeline_mode = #tpu.pipeline_mode<synchronous>, transform_indices = @transform_2, window_bounds = array<i64: 128, 128>}, {pipeline_mode = #tpu.pipeline_mode<synchronous>, transform_indices = @transform_3, window_bounds = array<i64: 1, 128>}, {transform_indices = @transform_4, window_bounds = array<i64: 512, 128>}]} {
    %get3A = arith.constant 0 : index
    %get3A_0 = arith.constant 0 : index
    %get3A_1 = vector.load %arg2[%get3A, %get3A_0] : memref<512x1xf32, #tpu.memory_space<vmem>>, vector<512x1xf32>
    %get3A_2 = arith.constant 0 : index
    %get3A_3 = arith.constant 0 : index
    %get3A_4 = arith.constant 0 : index
    %get3A_5 = vector.load %arg1[%get3A_2, %get3A_3, %get3A_4] : memref<2x512x128xf32, #tpu.memory_space<vmem>>, vector<1x512x128xf32>
    %get3A_6 = vector.shape_cast %get3A_5 : vector<1x512x128xf32> to vector<512x128xf32>
    %get3A_7 = arith.constant 1 : index
    %get3A_8 = arith.constant 0 : index
    %get3A_9 = arith.constant 0 : index
    %get3A_10 = vector.load %arg1[%get3A_7, %get3A_8, %get3A_9] : memref<2x512x128xf32, #tpu.memory_space<vmem>>, vector<1x512x128xf32>
    %get3A_11 = vector.shape_cast %get3A_10 : vector<1x512x128xf32> to vector<512x128xf32>
    %add3A = arith.addf %get3A_6, %get3A_11 : vector<512x128xf32>
    %mul3A = vector.broadcast %get3A_1 : vector<512x1xf32> to vector<512x128xf32>
    %mul3A_12 = arith.mulf %mul3A, %add3A : vector<512x128xf32>
    %max3A = arith.constant 0.000000e+00 : f32
    %max3A_13 = vector.broadcast %max3A : f32 to vector<512x128xf32>
    %max3A_14 = arith.maximumf %mul3A_12, %max3A_13 : vector<512x128xf32>
    %get3A_15 = arith.constant 0 : index
    %get3A_16 = arith.constant 0 : index
    %get3A_17 = vector.load %arg3[%get3A_15, %get3A_16] : memref<128x128xf32, #tpu.memory_space<vmem>>, vector<128x128xf32>
    %dot_general3A = arith.constant dense<0.000000e+00> : vector<512x128xf32>
    %dot_general3A_18 = tpu.matmul %max3A_14, %get3A_17, %dot_general3A {dimension_numbers = #tpu.dot_dimension_numbers<[1], [1], [0], [0], [0, 0, 1, 0], [], []>, transpose_lhs_hint = false} : vector<512x128xf32>, vector<128x128xf32>, vector<512x128xf32> -> vector<512x128xf32>
    %get3A_19 = arith.constant 0 : index
    %get3A_20 = arith.constant 0 : index
    %get3A_21 = vector.load %arg4[%get3A_19, %get3A_20] : memref<1x128xf32, #tpu.memory_space<vmem>>, vector<1x128xf32>
    %add3A_22 = vector.broadcast %get3A_21 : vector<1x128xf32> to vector<512x128xf32>
    %add3A_23 = arith.addf %dot_general3A_18, %add3A_22 : vector<512x128xf32>
    %mul3A_24 = vector.broadcast %get3A_1 : vector<512x1xf32> to vector<512x128xf32>
    %mul3A_25 = arith.mulf %mul3A_24, %add3A_23 : vector<512x128xf32>
    %swap3A = arith.constant 0 : index
    %swap3A_26 = arith.constant 0 : index
    %swap3A_27 = vector.load %arg5[%swap3A, %swap3A_26] : memref<512x128xf32, #tpu.memory_space<vmem>>, vector<512x128xf32>
    tpu.vector_store %arg5[%swap3A, %swap3A_26], %mul3A_25 {strides = array<i32>} : memref<512x128xf32, #tpu.memory_space<vmem>>, vector<512x128xf32>,
    return
  }
  func.func @transform_0(%arg0: i32) -> (i32, i32, i32) {
    %c0_i32 = arith.constant 0 : i32
    %c0_i32_0 = arith.constant 0 : i32
    %c0_i32_1 = arith.constant 0 : i32
    return %c0_i32, %arg0, %c0_i32_0 : i32, i32, i32
  }
  func.func @transform_1(%arg0: i32) -> (i32, i32) {
    %c0_i32 = arith.constant 0 : i32
    %c0_i32_0 = arith.constant 0 : i32
    return %arg0, %c0_i32 : i32, i32
  }
  func.func @transform_2(%arg0: i32) -> (i32, i32) {
    %c0_i32 = arith.constant 0 : i32
    %c0_i32_0 = arith.constant 0 : i32
    %c0_i32_1 = arith.constant 0 : i32
    return %c0_i32, %c0_i32_0 : i32, i32
  }
  func.func @transform_3(%arg0: i32) -> (i32, i32) {
    %c0_i32 = arith.constant 0 : i32
    %c0_i32_0 = arith.constant 0 : i32
    %c0_i32_1 = arith.constant 0 : i32
    return %c0_i32, %c0_i32_0 : i32, i32
  }
  func.func @transform_4(%arg0: i32) -> (i32, i32) {
    %c0_i32 = arith.constant 0 : i32
    %c0_i32_0 = arith.constant 0 : i32
    return %arg0, %c0_i32 : i32, i32
  }
}

module attributes {stable_mosaic.version = 14 : i64} {
  func.func @_fin_body(%arg0: i32, %arg1: memref<2x512x128xf32, #tpu.memory_space<vmem>>, %arg2: memref<512x1xf32, #tpu.memory_space<vmem>>, %arg3: memref<512x128xf32, #tpu.memory_space<vmem>>) attributes {dimension_semantics = [#tpu.dimension_semantics<arbitrary>], iteration_bounds = array<i64: 20>, scalar_prefetch = 0 : i64, scratch_operands = 0 : i64, tpu.core_type = #tpu.core_type<tc>, window_params = [{transform_indices = @transform_0, window_bounds = array<i64: 2, 512, 128>}, {transform_indices = @transform_1, window_bounds = array<i64: 512, 1>}, {transform_indices = @transform_2, window_bounds = array<i64: 512, 128>}]} {
    %get3A = arith.constant 0 : index
    %get3A_0 = arith.constant 0 : index
    %get3A_1 = vector.load %arg2[%get3A, %get3A_0] : memref<512x1xf32, #tpu.memory_space<vmem>>, vector<512x1xf32>
    %get3A_2 = arith.constant 0 : index
    %get3A_3 = arith.constant 0 : index
    %get3A_4 = arith.constant 0 : index
    %get3A_5 = vector.load %arg1[%get3A_2, %get3A_3, %get3A_4] : memref<2x512x128xf32, #tpu.memory_space<vmem>>, vector<1x512x128xf32>
    %get3A_6 = vector.shape_cast %get3A_5 : vector<1x512x128xf32> to vector<512x128xf32>
    %get3A_7 = arith.constant 1 : index
    %get3A_8 = arith.constant 0 : index
    %get3A_9 = arith.constant 0 : index
    %get3A_10 = vector.load %arg1[%get3A_7, %get3A_8, %get3A_9] : memref<2x512x128xf32, #tpu.memory_space<vmem>>, vector<1x512x128xf32>
    %get3A_11 = vector.shape_cast %get3A_10 : vector<1x512x128xf32> to vector<512x128xf32>
    %add3A = arith.addf %get3A_6, %get3A_11 : vector<512x128xf32>
    %mul3A = vector.broadcast %get3A_1 : vector<512x1xf32> to vector<512x128xf32>
    %mul3A_12 = arith.mulf %mul3A, %add3A : vector<512x128xf32>
    %max3A = arith.constant 0.000000e+00 : f32
    %max3A_13 = vector.broadcast %max3A : f32 to vector<512x128xf32>
    %max3A_14 = arith.maximumf %mul3A_12, %max3A_13 : vector<512x128xf32>
    %swap3A = arith.constant 0 : index
    %swap3A_15 = arith.constant 0 : index
    %swap3A_16 = vector.load %arg3[%swap3A, %swap3A_15] : memref<512x128xf32, #tpu.memory_space<vmem>>, vector<512x128xf32>
    tpu.vector_store %arg3[%swap3A, %swap3A_15], %max3A_14 {strides = array<i32>} : memref<512x128xf32, #tpu.memory_space<vmem>>, vector<512x128xf32>,
    return
  }
  func.func @transform_0(%arg0: i32) -> (i32, i32, i32) {
    %c0_i32 = arith.constant 0 : i32
    %c0_i32_0 = arith.constant 0 : i32
    %c0_i32_1 = arith.constant 0 : i32
    return %c0_i32, %arg0, %c0_i32_0 : i32, i32, i32
  }
  func.func @transform_1(%arg0: i32) -> (i32, i32) {
    %c0_i32 = arith.constant 0 : i32
    %c0_i32_0 = arith.constant 0 : i32
    return %arg0, %c0_i32 : i32, i32
  }
  func.func @transform_2(%arg0: i32) -> (i32, i32) {
    %c0_i32 = arith.constant 0 : i32
    %c0_i32_0 = arith.constant 0 : i32
    return %arg0, %c0_i32 : i32, i32
  }
}

</mosaic_0001>

<sc_bundles>
// kernel: kernel.10.cloned.1.call-start
scs
__scs_entry_jumppad:
0x0: {  	(pc) =	sbr.rel $0x88, $3  }
0x1: {  	(tag) =	ssettag $0x0;
	lr =	simm.s32 $0x1  }
0x2: {  	[smem:$0x3F99] =	sst lr;
	_ =	strace $0xD0000000  }
0x3: {  	_ = 	snop  }
0x4: {  	_ = 	snop  }
0x5: {  	_ = 	snop  }
0x6: {  	_ = 	snop  }
0x7: {  	_ = 	snop  }
__scs_overlays_trampoline_lowered:
0x8: {  	[smem:$0x3FA8] =	sst s0  }
0x9: {  	[smem:$0x3FA9] =	sst s1  }
0xa: {  	[smem:$0x3FAA] =	sst s2  }
0xb: {  	[smem:$0x3FAB] =	sst s3  }
0xc: {  	[smem:$0x3FAC] =	sst s4  }
0xd: {  	[smem:$0x3FAD] =	sst s5  }
0xe: {  	[smem:$0x3FAE] =	sst s6  }
0xf: {  	[smem:$0x3FAF] =	sst s7  }
0x10: {  	[smem:$0x3FB0] =	sst s8  }
0x11: {  	[smem:$0x3FB1] =	sst s9;
	s0 =	simm.s32 @!p0 $0x0  }
0x12: {  	s1 =	sld [smem:$0x3F97];
	s0 =	simm.s32 @p0 $0x1  }
0x13: {  	[smem:$0x3FB2] =	sst s0;
	s0 =	simm.s32 @!p1 $0x0  }
0x14: {  	s2 =	sld [smem:$0x3F96];
	s0 =	simm.s32 @p1 $0x1  }
0x15: {  	[smem:$0x3FB3] =	sst s0;
	s0 =	simm.s32 @!p2 $0x0  }
0x16: {  	s3 =	sld [smem:$0x3FDB];
	s0 =	simm.s32 @p2 $0x1  }
0x17: {  	s4 =	simm.s32 $0x1BF5;
	[smem:$0x3FB5] =	sst s0  }
0x18: {  	s0 =	sld [smem:$0x3F98];
	_ =	swait.ge [sflag:s4], $0x0  }
0x19: {  	s7 =	sld [smem:$0x3F99]  }
0x1a: {  	s8 =	sadd.s32 $0xFFFFE003, lr  }
0x1b: {  	s9 =	sadd.s32 $0xFFFFFEF7, lr;
	s5 =	simm.s32 $0xFFFFFFFF;
	p2 =	slt.u32 s8, $0xFFFFF086  }
0x1c: {  	p1 =	slt.u32 s9, $0xF7A;
	s5 =	simm.s32 @!p2 $0x0  }
0x1d: {  	s5 =	simm.s32 @p1 $0x1;
	p0 =	seq.s32 s7, s2  }
0x1e: {  	s7 =	smul.u32 @!p0 $0xF7A, s2;
	p2 =	seq.s32 @!p0 s5, $0x0  }
0x1f: {  	s9 =	smul.u32 $0xF7A, s1;
	s8 =	simm.s32 @!p0 $0x1BF5;
	p2 =	por !p2, p0  }
0x20: {  	[sflag:s8] =	ssyncset.s32 @!p0 $0xFFFFF086;
	s6 =	sadd.s32 @!p0 s3, s7;
	s7 =	simm.s32 @!p0 $0x108  }
0x21: {  	s3 =	sadd.s32 s3, s9;
	s6 =	sadd.s32 @!p0 $0x88, s6;
	s7 =	simm.s32 @p2 $0x1082  }
0x22: {  	[simem:s7], [sflag:s8] =	dma.local @!p0 [hbm:s6], $0xF7A  }
0x23: {  	s9 =	sor.u32 $0xD0000000, s2;
	s6 =	simm.s32 $0x108;
	_ =	swait.ge @!p0 [sflag:s8], $0x0  }
0x24: {  	s3 =	sadd.s32 $0x88, s3;
	s6 =	simm.s32 @!p1 $0x1082;
	[sflag:s4] =	ssyncset.s32 $0xFFFFF086  }
0x25: {  	[simem:s6], [sflag:s4] =	dma.local [hbm:s3], $0xF7A  }
0x26: {  	[smem:$0x3F99] =	sst s1;
	(tag) =	ssettag s2;
	_ =	strace s9  }
0x27: {  	s1 =	sld [smem:$0x3FA9]  }
0x28: {  	s2 =	sld [smem:$0x3FAA]  }
0x29: {  	s4 =	sld [smem:$0x3FAC]  }
0x2a: {  	p0 =	seq.s32 s5, $0x0;
	s5 =	sld [smem:$0x3FAD]  }
0x2b: {  	s6 =	sld [smem:$0x3FAE]  }
0x2c: {  	s7 =	sld [smem:$0x3FAF]  }
0x2d: {  	s3 =	simm.s32 $0x108;
	s8 =	sld [smem:$0x3FB0]  }
0x2e: {  	s3 =	simm.s32 @!p0 $0x1082;
	s9 =	sld [smem:$0x3FB1]  }
0x2f: {  	lr =	sadd.s32 s0, s3;
	s0 =	sld [smem:$0x3FA8]  }
0x30: {  	s3 =	sld [smem:$0x3FAB]  }
0x31: {  	[smem:$0x3FB4] =	sst s10  }
0x32: {  	s10 =	sld [smem:$0x3FB2];
	_ =	sdelay $0x3  }
0x33: {  	p0 =	seq.s32 s10, $0x1;
	s10 =	sld [smem:$0x3FB4];
	_ =	sdelay $0x3  }
0x34: {  	[smem:$0x3FB4] =	sst s10  }
0x35: {  	s10 =	sld [smem:$0x3FB3];
	_ =	sdelay $0x3  }
0x36: {  	p1 =	seq.s32 s10, $0x1;
	s10 =	sld [smem:$0x3FB4];
	_ =	sdelay $0x3  }
0x37: {  	[smem:$0x3FB4] =	sst s10  }
0x38: {  	s10 =	sld [smem:$0x3FB5]  }
0x39: {  	_ = 	snop;
	(pc) =	sbr.ind lr, $3  }
0x3a: {  	_ = 	snop  }
0x3b: {  	_ = 	snop  }
0x3c: {  	p2 =	seq.s32 s10, $0x1;
	s10 =	sld [smem:$0x3FB4]  }
0x3d: {  	_ =	shalt  }
0x3e: {  	_ =	shalt  }
0x3f: {  	_ =	shalt  }
0x40: {  	_ =	shalt  }
0x41: {  	_ =	shalt  }
0x42: {  	_ =	shalt  }
0x43: {  	_ =	shalt  }
0x44: {  	_ =	shalt  }
0x45: {  	_ =	shalt  }
0x46: {  	_ =	shalt  }
0x47: {  	_ =	shalt  }
0x48: {  	_ =	shalt  }
0x49: {  	_ =	shalt  }
0x4a: {  	_ =	shalt  }
0x4b: {  	_ =	shalt  }
0x4c: {  	_ =	shalt  }
0x4d: {  	_ =	shalt  }
0x4e: {  	_ =	shalt  }
0x4f: {  	_ =	shalt  }
0x50: {  	_ =	shalt  }
0x51: {  	_ =	shalt  }
0x52: {  	_ =	shalt  }
0x53: {  	_ =	shalt  }
0x54: {  	_ =	shalt  }
0x55: {  	_ =	shalt  }
0x56: {  	_ =	shalt  }
0x57: {  	_ =	shalt  }
0x58: {  	_ =	shalt  }
0x59: {  	_ =	shalt  }
0x5a: {  	_ =	shalt  }
0x5b: {  	_ =	shalt  }
0x5c: {  	_ =	shalt  }
0x5d: {  	_ =	shalt  }
0x5e: {  	_ =	shalt  }
0x5f: {  	_ =	shalt  }
0x60: {  	_ =	shalt  }
0x61: {  	_ =	shalt  }
0x62: {  	_ =	shalt  }
0x63: {  	_ =	shalt  }
0x64: {  	_ =	shalt  }
0x65: {  	_ =	shalt  }
0x66: {  	_ =	shalt  }
0x67: {  	_ =	shalt  }
0x68: {  	_ =	shalt  }
0x69: {  	_ =	shalt  }
0x6a: {  	_ =	shalt  }
0x6b: {  	_ =	shalt  }
0x6c: {  	_ =	shalt  }
0x6d: {  	_ =	shalt  }
0x6e: {  	_ =	shalt  }
0x6f: {  	_ =	shalt  }
0x70: {  	_ =	shalt  }
0x71: {  	_ =	shalt  }
0x72: {  	_ =	shalt  }
0x73: {  	_ =	shalt  }
0x74: {  	_ =	shalt  }
0x75: {  	_ =	shalt  }
0x76: {  	_ =	shalt  }
0x77: {  	_ =	shalt  }
0x78: {  	_ =	shalt  }
0x79: {  	_ =	shalt  }
0x7a: {  	_ =	shalt  }
0x7b: {  	_ =	shalt  }
0x7c: {  	_ =	shalt  }
0x7d: {  	_ =	shalt  }
0x7e: {  	_ =	shalt  }
0x7f: {  	_ =	shalt  }
0x80: {  	_ =	shalt  }
0x81: {  	_ =	shalt  }
0x82: {  	_ =	shalt  }
0x83: {  	_ =	shalt  }
0x84: {  	_ =	shalt  }
0x85: {  	_ =	shalt  }
0x86: {  	_ =	shalt  }
0x87: {  	_ =	shalt  }
.Lfunc_end0:
.L_simem_size_0:
called_computation_lowered:
.L_overlay_start_0:
0x88: {  	s2 =	sld [smem:$0x3FD9]  }
0x89: {  	s3 =	sld [smem:$0x3FFE];
	_ =	sdelay $0x1  }
0x8a: {  	s1 =	srdreg.scid  }
0x8b: {  	s0 =	sand.u32 $0x1, s1  }
0x8c: {  	s16 =	sshll.u32 s0, $0xA;
	s2 =	sadd.s32 s3, s2  }
0x8d: {  	s2 =	sadd.s32 s2, s16  }
0x8e: {  	[smem:$0x3FC0] =	sst s2  }
0x8f: {  	_ = 	snop  }
0x90: {  	(tm) =	ssettm $0x1  }
0x91: {  	s17 =	sld [smem:$0x3FFB];
	_ =	sdelay $0x3  }
0x92: {  	_ =	strace s17  }
0x93: {  	s2 =	sld [smem:$0x3FFC];
	_ =	sdelay $0x3  }
0x94: {  	_ =	strace s2  }
0x95: {  	s2 =	sld [smem:$0x3FFD];
	_ =	sdelay $0x3  }
0x96: {  	_ =	strace s2  }
0x97: {  	_ =	strace $0x8FFFFFFF  }
0x98: {  	s18 =	sld [smem:$0x3FDB];
	_ =	sdelay $0x1  }
0x99: {  	s19 =	simm.s32 $_scs_section_size  }
0x9a: {  	s4 =	simm.s32 $_size__tile_overlayer_lowered;
	s5 =	simm.s32 $_tile_overlayer_lowered  }
0x9b: {  	s22 =	simm.s32 $0x1BFF;
	s21 =	sshll.u32 s5, $0x1;
	s2 =	sadd.s32 s19, s18  }
0x9c: {  	s6 =	simm.s32 $0x0;
	s20 =	sshll.u32 s4, $0x1;
	s4 =	sadd.s32 s21, s2  }
0x9d: {  	[timem:s6], [sflag:s22] =	dma.local [hbm:s4], s20  }
0x9e: {  	_ =	swait.ge [sflag:s22], s20  }
0x9f: {  	s3 =	ssub.s32 $0x0, s20;
	[sflag:s22] =	ssyncset.done $0x0  }
0xa0: {  	[sflag:s22] =	ssyncadd.s32 s3;
	_ =	sdelay $0x1  }
0xa1: {  	s23 =	simm.s32 $0x1B8B  }
0xa2: {  	_ =	swait.ge [sflag:s23], $0x1  }
0xa3: {  	[sflag:s23] =	ssyncset.done $0x0  }
0xa4: {  	s25 =	simm.s32 $0x1B8E;
	s24 =	sld [smem:$0x3FFE];
	[sflag:s23] =	ssyncadd.s32 $0xFFFFFFFF  }
0xa5: {  	s26 =	simm.s32 $execute0_lowered;
	[smem:$0x3FD2] =	sst s25  }
0xa6: {  	s4 =	sshll.u32 s26, $0x1;
	_ =	strace $0x80000046;
	[dreg:$0x1] =	wrdreg $0xFFFFFFFF  }
0xa7: {  	s28 =	simm.s32 $_size_execute0_lowered;
	s2 =	sadd.s32 s2, s4;
	[dreg:$0x0] =	wrdreg $0x0  }
0xa8: {  	s4 =	sshll.u32 s28, $0x1;
	[dreg:$0x2] =	wrdreg s2  }
0xa9: {  	[dreg:$0x3] =	wrdreg s4  }
0xaa: {  	[dreg:$0x4] =	wrdreg $0xC0  }
0xab: {  	_ =	task [dreg:s6], $0x5FFFF  }
0xac: {  	[dreg:$0x1] =	wrdreg $0xFFFFFFFF  }
0xad: {  	[dreg:$0x0] =	wrdreg $0x60  }
0xae: {  	[dreg:$0x2] =	wrdreg s24  }
0xaf: {  	[dreg:$0x3] =	wrdreg $0x68000  }
0xb0: {  	[dreg:$0x4] =	wrdreg $0x9  }
0xb1: {  	_ =	task.clear_ibuf [dreg:s6], $0x5FFFF;
	_ =	strace $0x90000046  }
0xb2: {  	s29 =	simm.s32 $0x9;
	_ =	strace $0x80000048  }
0xb3: {  	_ =	swait.ge [sflag:s29], $0x1  }
0xb4: {  	[sflag:s29] =	ssyncadd.s32 $0xFFFFFFFF  }
0xb5: {  	_ =	strace $0x90000048  }
0xb6: {  	_ =	sfence  }
0xb7: {  	s30 =	sld [smem:$0x0];
	_ =	sdelay $0x2  }
0xb8: {  	s31 =	sshll.u32 s1, $0xD;
	s1 =	sshrl.u32 s1, $0x2  }
0xb9: {  	s3 =	sand.u32 $0x4000, s31;
	s1 =	sadd.s32 s1, s30  }
0xba: {  	s0 =	sor.u32 s3, s0;
	s1 =	sshll.u32 s1, $0x11  }
0xbb: {  	s0 =	sor.u32 s1, s0  }
0xbc: {  	s0 =	sadd.s32 $0x8F2B, s0  }
0xbd: {  	[sflag:s0] =	ssyncadd.remote.s32 $0x1  }
0xbe: {  	_ =	sfence.sel $0xFFFF  }
0xbf: {  	[dreg:$0x0] =	wrdreg $0xFFFFFFFF;
	(pc) =	sbr.abs _section_cstart, $3  }
0xc0: {  	[dreg:$0x1] =	wrdreg $0xFFFFFFFF  }
0xc1: {  	_ =	task.clear_ibuf [dreg:s6], $0x2FFFF;
	_ =	strace $0x9FFFFFFF  }
0xc2: {  	(tm) =	ssettm $0x7FFFFFFF  }
0xc3: {  	_ =	shalt  }
tec
execute0_lowered:
.L_overlay_start_1:
0x0: {  	(tag) =	ssettag $0x1  }
0x1: {  	s0 =	srdreg.scid;
	s5 =	rddreg [dreg:$0x0]  }
0x2: {  	s2 =	rddreg [dreg:$0x1];
	s3 =	simm.s32 $0x0;
	s12 =	simm.s32 $0x80  }
0x3: {  	s13 =	simm.s32 $0x2800;
	s4 =	sand.u32 $0x1, s0;
	s0 =	stileid.u32  }
0x4: {  	s14 =	simm.s32 $0x0;
	[smem:$0x7FF] =	sst s3;
	s7 =	smul.u32 $0x14000, s0  }
0x5: {  	s1 =	sshll.u32 s4, $0x4;
	s8 =	smul.u32 $0x140000, s4;
	s4 =	ssub.s32 $0x2, s4  }
0x6: {  	s28 =	smul.u32 $0x50000, s0;
	s31 =	sshll.u32 s0, $0x6;
	s1 =	sor.u32 s0, s1  }
0x7: {  	s29 =	sshrl.u32 s4, $0x1;
	s6 =	smul.u32 $0x500, s1;
	s1 =	rddreg [dreg:$0x2]  }
0x8: {  	_ =	strace $0x80000047;
	s9 =	sshrl.u32 s7, $0x3;
	s7 =	sadd.s32 s7, s8  }
0x9: {  	s10 =	ssub.s32 s4, s29;
	s30 =	sshrl.u32 s28, $0x2;
	s8 =	simm.s32 $0x1  }
0xa: {  	s7 =	sshrl.u32 s7, $0x3;
	s9 =	sadd.s32 s9, s5;
	s11 =	sadd.s32 s30, s2  }
0xb: {  	s6 =	sadd.s32 s6, s5;
	s7 =	sadd.s32 s7, s5;
	s5 =	sadd.s32 $0xCC00, s9  }
0xc: {  	s9 =	sor.u32 $0x1C02, s31;
	s4 =	sadd.s32 $0x2C00, s6;
	s6 =	sadd.s32 $0x34C00, s7  }
0xd: {  	v0 =	vimm.f32 $1.000000000e+00;
	s7 =	smax.u32 s10, $0x1;
	s10 =	sshrl.u32 s11, $0x3;
	s11 =	simm.s32 $0x2  }
.LBB2_1:
0xe: {  	[tilespmem:s3], [sflag:$0x1] =	stream.linear.gather [hbm4b:s4+s3], $0x2800, $0x38;
	[tilespmem:$0x1A800] =	vst v63  }
0xf: {  	_ =	swait.ge [sflag:s8], $0x2800  }
0x10: {  	[sflag:s8] =	ssyncset.done $0x0  }
0x11: {  	s15 =	simm.s32 $0x0;
	s16 =	simm.s32 $0x200;
	[sflag:s8] =	ssyncadd.s32 $0xFFFFD800  }
.LBB2_2:
0x12: {  	p0 =	sne.s32 s16, $0xFE00;
	[tilespmem:s15+$0x2870] =	vst v0  }
0x13: {  	[tilespmem:s15+$0x2800] =	vst v0  }
0x14: {  	[tilespmem:s15+$0x2810] =	vst v0  }
.Ltmp0:
0x15: {  	[tilespmem:s15+$0x2820] =	vst v0;
	(pc) =	sbr.rel @p0 .LBB2_2-.Ltmp0, $4  }
0x16: {  	[tilespmem:s15+$0x2830] =	vst v0  }
0x17: {  	[tilespmem:s15+$0x2840] =	vst v0  }
0x18: {  	[tilespmem:s15+$0x2850] =	vst v0  }
0x19: {  	[tilespmem:s15+$0x2860] =	vst v0;
	s15 =	sshra.s32 s16, $0x2;
	s16 =	sadd.s32 $0x200, s16  }
0x1a: {  	[tilespmem:s15+$0x2870] =	vst v0  }
0x1b: {  	[tilespmem:s15+$0x2800] =	vst v0  }
0x1c: {  	[tilespmem:s15+$0x2810] =	vst v0  }
0x1d: {  	[tilespmem:s15+$0x2820] =	vst v0  }
0x1e: {  	[tilespmem:s15+$0x2830] =	vst v0  }
0x1f: {  	[tilespmem:s15+$0x2840] =	vst v0  }
0x20: {  	[tilespmem:s15+$0x2850] =	vst v0  }
0x21: {  	[tilespmem:s15+$0x2860] =	vst v0  }
0x22: {  	[spmem:s10], [sflag:s9] =	dma.local [hbm:s5], $0x2800  }
0x23: {  	_ =	swait.ge [sflag:s11], $0x2800  }
0x24: {  	[sflag:s11] =	ssyncset.done $0x0  }
0x25: {  	[sflag:s11] =	ssyncadd.s32 $0xFFFFD800  }
0x26: {  	s15 =	simm.s32 $0x0;
	[bflag:$0x0] =	sbarrier.arrive $0xFFFF  }
.LBB2_4:
0x27: {  	p0 =	sne.s32 s15, $0x9E00  }
.Ltmp1:
0x28: {  	_ = 	snop;
	(pc) =	sbr.rel @p0 .LBB2_4-.Ltmp1, $3  }
0x29: {  	_ =	sdelay $0x1  }
0x2a: {  	s16 =	sshra.s32 s15, $0x2;
	s15 =	sadd.s32 $0x200, s15  }
0x2b: {  	[spmem:s2] =	stream.indirect.scatter.add.f32 [tilespmem:s13], [sflag:$0x1], $0x80, s16, s12, $0xb8;
	[tilespmem:$0x1A800] =	vst v63  }
0x2c: {  	_ =	swait.ge [sflag:s8], $0x4000  }
0x2d: {  	s15 =	simm.s32 $0x4F;
	[sflag:s8] =	ssyncset.done $0x0  }
.LBB2_6:
0x2e: {  	p0 =	sne.s32 s15, $0x1;
	s15 =	sadd.s32 $0xFFFFFFFF, s15;
	[sflag:s8] =	ssyncadd.s32 $0xFFFFC000  }
.Ltmp2:
0x2f: {  	(pc) =	sbr.rel @p0 .LBB2_6-.Ltmp2, $3  }
0x30: {  	_ =	sdelay $0x1  }
0x31: {  	_ =	swait.ge [sflag:s8], $0x4000  }
0x32: {  	[sflag:s8] =	ssyncset.done $0x0  }
0x33: {  	s14 =	sadd.s32 $0x1, s14  }
0x34: {  	[sflag:s8] =	ssyncadd.s32 $0xFFFFC000;
	p0 =	sne.s32 s14, s7  }
.Ltmp3:
0x35: {  	[bflag:$0x0] =	sbarrier.arrive $0xFFFF;
	(pc) =	sbr.rel @p0 .LBB2_1-.Ltmp3, $4  }
0x36: {  	[hbm:s6], [sflag:s9] =	dma.local [spmem:s10], $0x2800  }
0x37: {  	_ =	swait.ge [sflag:s11], $0x2800  }
0x38: {  	[sflag:s11] =	ssyncset.done $0x0  }
0x39: {  	[sflag:s11] =	ssyncadd.s32 $0xFFFFD800  }
0x3a: {  	_ =	sfence.sel $0x180000  }
0x3b: {  	[bflag:$0x0] =	sbarrier.arrive $0xFFFF  }
0x3c: {  	p0 =	sne.s32 s0, $0x0;
	_ =	strace $0x90000047  }
0x3d: {  	s0 =	sadd.s32 @!p0 $0x100000, s1;
	[bflag:$0x2] =	sbarrier.arrive $0xFFFF  }
0x3e: {  	[sflag:s0] =	ssyncadd.tile.s32 @!p0 $0x1;
	_ =	shalt  }
.Lfunc_end2:
_tile_overlayer_lowered:
.L_overlay_start_2:
0x3f: {  	(tag) =	ssettag $0x2  }
0x40: {  	s0 =	rddreg [dreg:$0x0];
	s2 =	stileid.u32  }
0x41: {  	s1 =	rddreg [dreg:$0x1];
	p0 =	sne.s32 s2, $0x0  }
0x42: {  	s3 =	rddreg [dreg:$0x2];
	[bflag:$0x3] =	sbarrier.arrive $0xFFFF;
	s2 =	simm.s32 @!p0 $0x1C02  }
0x43: {  	[timem:s3], [sflag:s2] =	dma.local @!p0 [hbm:s0], s1  }
0x44: {  	s0 =	simm.s32 @!p0 $0x2  }
0x45: {  	_ =	swait.ge @!p0 [sflag:s0], s1  }
0x46: {  	s1 =	ssub.s32 @!p0 $0x0, s1;
	[sflag:s0] =	ssyncset.done @!p0 $0x0  }
0x47: {  	[sflag:s0] =	ssyncadd.s32 @!p0 s1  }
0x48: {  	[bflag:$0x3] =	sbarrier.arrive $0xFFFF  }
0x49: {  	_ =	shalt  }

// kernel: kernel.13.cloned.1.call-start
scs
__scs_entry_jumppad:
0x0: {  	(pc) =	sbr.rel $0x88, $3  }
0x1: {  	(tag) =	ssettag $0x0;
	lr =	simm.s32 $0x1  }
0x2: {  	[smem:$0x3F99] =	sst lr;
	_ =	strace $0xD0000000  }
0x3: {  	_ = 	snop  }
0x4: {  	_ = 	snop  }
0x5: {  	_ = 	snop  }
0x6: {  	_ = 	snop  }
0x7: {  	_ = 	snop  }
__scs_overlays_trampoline_lowered:
0x8: {  	[smem:$0x3FA8] =	sst s0  }
0x9: {  	[smem:$0x3FA9] =	sst s1  }
0xa: {  	[smem:$0x3FAA] =	sst s2  }
0xb: {  	[smem:$0x3FAB] =	sst s3  }
0xc: {  	[smem:$0x3FAC] =	sst s4  }
0xd: {  	[smem:$0x3FAD] =	sst s5  }
0xe: {  	[smem:$0x3FAE] =	sst s6  }
0xf: {  	[smem:$0x3FAF] =	sst s7  }
0x10: {  	[smem:$0x3FB0] =	sst s8  }
0x11: {  	[smem:$0x3FB1] =	sst s9;
	s0 =	simm.s32 @!p0 $0x0  }
0x12: {  	s1 =	sld [smem:$0x3F97];
	s0 =	simm.s32 @p0 $0x1  }
0x13: {  	[smem:$0x3FB2] =	sst s0;
	s0 =	simm.s32 @!p1 $0x0  }
0x14: {  	s2 =	sld [smem:$0x3F96];
	s0 =	simm.s32 @p1 $0x1  }
0x15: {  	[smem:$0x3FB3] =	sst s0;
	s0 =	simm.s32 @!p2 $0x0  }
0x16: {  	s3 =	sld [smem:$0x3FDB];
	s0 =	simm.s32 @p2 $0x1  }
0x17: {  	s4 =	simm.s32 $0x1BF5;
	[smem:$0x3FB5] =	sst s0  }
0x18: {  	s0 =	sld [smem:$0x3F98];
	_ =	swait.ge [sflag:s4], $0x0  }
0x19: {  	s7 =	sld [smem:$0x3F99]  }
0x1a: {  	s8 =	sadd.s32 $0xFFFFE003, lr  }
0x1b: {  	s9 =	sadd.s32 $0xFFFFFEF7, lr;
	s5 =	simm.s32 $0xFFFFFFFF;
	p2 =	slt.u32 s8, $0xFFFFF086  }
0x1c: {  	p1 =	slt.u32 s9, $0xF7A;
	s5 =	simm.s32 @!p2 $0x0  }
0x1d: {  	s5 =	simm.s32 @p1 $0x1;
	p0 =	seq.s32 s7, s2  }
0x1e: {  	s7 =	smul.u32 @!p0 $0xF7A, s2;
	p2 =	seq.s32 @!p0 s5, $0x0  }
0x1f: {  	s9 =	smul.u32 $0xF7A, s1;
	s8 =	simm.s32 @!p0 $0x1BF5;
	p2 =	por !p2, p0  }
0x20: {  	[sflag:s8] =	ssyncset.s32 @!p0 $0xFFFFF086;
	s6 =	sadd.s32 @!p0 s3, s7;
	s7 =	simm.s32 @!p0 $0x108  }
0x21: {  	s3 =	sadd.s32 s3, s9;
	s6 =	sadd.s32 @!p0 $0x88, s6;
	s7 =	simm.s32 @p2 $0x1082  }
0x22: {  	[simem:s7], [sflag:s8] =	dma.local @!p0 [hbm:s6], $0xF7A  }
0x23: {  	s9 =	sor.u32 $0xD0000000, s2;
	s6 =	simm.s32 $0x108;
	_ =	swait.ge @!p0 [sflag:s8], $0x0  }
0x24: {  	s3 =	sadd.s32 $0x88, s3;
	s6 =	simm.s32 @!p1 $0x1082;
	[sflag:s4] =	ssyncset.s32 $0xFFFFF086  }
0x25: {  	[simem:s6], [sflag:s4] =	dma.local [hbm:s3], $0xF7A  }
0x26: {  	[smem:$0x3F99] =	sst s1;
	(tag) =	ssettag s2;
	_ =	strace s9  }
0x27: {  	s1 =	sld [smem:$0x3FA9]  }
0x28: {  	s2 =	sld [smem:$0x3FAA]  }
0x29: {  	s4 =	sld [smem:$0x3FAC]  }
0x2a: {  	p0 =	seq.s32 s5, $0x0;
	s5 =	sld [smem:$0x3FAD]  }
0x2b: {  	s6 =	sld [smem:$0x3FAE]  }
0x2c: {  	s7 =	sld [smem:$0x3FAF]  }
0x2d: {  	s3 =	simm.s32 $0x108;
	s8 =	sld [smem:$0x3FB0]  }
0x2e: {  	s3 =	simm.s32 @!p0 $0x1082;
	s9 =	sld [smem:$0x3FB1]  }
0x2f: {  	lr =	sadd.s32 s0, s3;
	s0 =	sld [smem:$0x3FA8]  }
0x30: {  	s3 =	sld [smem:$0x3FAB]  }
0x31: {  	[smem:$0x3FB4] =	sst s10  }
0x32: {  	s10 =	sld [smem:$0x3FB2];
	_ =	sdelay $0x3  }
0x33: {  	p0 =	seq.s32 s10, $0x1;
	s10 =	sld [smem:$0x3FB4];
	_ =	sdelay $0x3  }
0x34: {  	[smem:$0x3FB4] =	sst s10  }
0x35: {  	s10 =	sld [smem:$0x3FB3];
	_ =	sdelay $0x3  }
0x36: {  	p1 =	seq.s32 s10, $0x1;
	s10 =	sld [smem:$0x3FB4];
	_ =	sdelay $0x3  }
0x37: {  	[smem:$0x3FB4] =	sst s10  }
0x38: {  	s10 =	sld [smem:$0x3FB5]  }
0x39: {  	_ = 	snop;
	(pc) =	sbr.ind lr, $3  }
0x3a: {  	_ = 	snop  }
0x3b: {  	_ = 	snop  }
0x3c: {  	p2 =	seq.s32 s10, $0x1;
	s10 =	sld [smem:$0x3FB4]  }
0x3d: {  	_ =	shalt  }
0x3e: {  	_ =	shalt  }
0x3f: {  	_ =	shalt  }
0x40: {  	_ =	shalt  }
0x41: {  	_ =	shalt  }
0x42: {  	_ =	shalt  }
0x43: {  	_ =	shalt  }
0x44: {  	_ =	shalt  }
0x45: {  	_ =	shalt  }
0x46: {  	_ =	shalt  }
0x47: {  	_ =	shalt  }
0x48: {  	_ =	shalt  }
0x49: {  	_ =	shalt  }
0x4a: {  	_ =	shalt  }
0x4b: {  	_ =	shalt  }
0x4c: {  	_ =	shalt  }
0x4d: {  	_ =	shalt  }
0x4e: {  	_ =	shalt  }
0x4f: {  	_ =	shalt  }
0x50: {  	_ =	shalt  }
0x51: {  	_ =	shalt  }
0x52: {  	_ =	shalt  }
0x53: {  	_ =	shalt  }
0x54: {  	_ =	shalt  }
0x55: {  	_ =	shalt  }
0x56: {  	_ =	shalt  }
0x57: {  	_ =	shalt  }
0x58: {  	_ =	shalt  }
0x59: {  	_ =	shalt  }
0x5a: {  	_ =	shalt  }
0x5b: {  	_ =	shalt  }
0x5c: {  	_ =	shalt  }
0x5d: {  	_ =	shalt  }
0x5e: {  	_ =	shalt  }
0x5f: {  	_ =	shalt  }
0x60: {  	_ =	shalt  }
0x61: {  	_ =	shalt  }
0x62: {  	_ =	shalt  }
0x63: {  	_ =	shalt  }
0x64: {  	_ =	shalt  }
0x65: {  	_ =	shalt  }
0x66: {  	_ =	shalt  }
0x67: {  	_ =	shalt  }
0x68: {  	_ =	shalt  }
0x69: {  	_ =	shalt  }
0x6a: {  	_ =	shalt  }
0x6b: {  	_ =	shalt  }
0x6c: {  	_ =	shalt  }
0x6d: {  	_ =	shalt  }
0x6e: {  	_ =	shalt  }
0x6f: {  	_ =	shalt  }
0x70: {  	_ =	shalt  }
0x71: {  	_ =	shalt  }
0x72: {  	_ =	shalt  }
0x73: {  	_ =	shalt  }
0x74: {  	_ =	shalt  }
0x75: {  	_ =	shalt  }
0x76: {  	_ =	shalt  }
0x77: {  	_ =	shalt  }
0x78: {  	_ =	shalt  }
0x79: {  	_ =	shalt  }
0x7a: {  	_ =	shalt  }
0x7b: {  	_ =	shalt  }
0x7c: {  	_ =	shalt  }
0x7d: {  	_ =	shalt  }
0x7e: {  	_ =	shalt  }
0x7f: {  	_ =	shalt  }
0x80: {  	_ =	shalt  }
0x81: {  	_ =	shalt  }
0x82: {  	_ =	shalt  }
0x83: {  	_ =	shalt  }
0x84: {  	_ =	shalt  }
0x85: {  	_ =	shalt  }
0x86: {  	_ =	shalt  }
0x87: {  	_ =	shalt  }
.Lfunc_end0:
.L_simem_size_0:
called_computation.1_lowered:
.L_overlay_start_0:
0x88: {  	s2 =	sld [smem:$0x3FD9]  }
0x89: {  	s3 =	sld [smem:$0x3FFE];
	_ =	sdelay $0x1  }
0x8a: {  	s1 =	srdreg.scid  }
0x8b: {  	s0 =	sand.u32 $0x1, s1  }
0x8c: {  	s17 =	sshll.u32 s0, $0xA;
	s2 =	sadd.s32 s3, s2  }
0x8d: {  	s2 =	sadd.s32 s2, s17  }
0x8e: {  	[smem:$0x3FC0] =	sst s2  }
0x8f: {  	_ = 	snop  }
0x90: {  	s2 =	sld [smem:$0x3FD0];
	(tm) =	ssettm $0x1  }
0x91: {  	s18 =	sld [smem:$0x3FFB];
	_ =	sdelay $0x3  }
0x92: {  	_ =	strace s18  }
0x93: {  	s3 =	sld [smem:$0x3FFC];
	_ =	sdelay $0x3  }
0x94: {  	_ =	strace s3  }
0x95: {  	s3 =	sld [smem:$0x3FFD];
	_ =	sdelay $0x3  }
0x96: {  	_ =	strace s3  }
0x97: {  	_ =	strace $0x8FFFFFFF  }
0x98: {  	s19 =	sld [smem:$0x3FDB];
	_ =	sdelay $0x1  }
0x99: {  	s4 =	simm.s32 $_scs_section_size  }
0x9a: {  	s5 =	simm.s32 $_size__tile_overlayer_lowered;
	s6 =	simm.s32 $_tile_overlayer_lowered  }
0x9b: {  	s22 =	simm.s32 $0x1BFF;
	s21 =	sshll.u32 s6, $0x1;
	s3 =	sadd.s32 s4, s19  }
0x9c: {  	s7 =	simm.s32 $0x0;
	s20 =	sshll.u32 s5, $0x1;
	s5 =	sadd.s32 s21, s3  }
0x9d: {  	[timem:s7], [sflag:s22] =	dma.local [hbm:s5], s20  }
0x9e: {  	_ =	swait.ge [sflag:s22], s20  }
0x9f: {  	s4 =	ssub.s32 $0x0, s20;
	[sflag:s22] =	ssyncset.done $0x0  }
0xa0: {  	[sflag:s22] =	ssyncadd.s32 s4;
	_ =	sdelay $0x1  }
0xa1: {  	s23 =	simm.s32 $0x1B8B  }
0xa2: {  	_ =	swait.ge [sflag:s23], $0x1  }
0xa3: {  	[sflag:s23] =	ssyncset.done $0x0  }
0xa4: {  	s25 =	simm.s32 $0x1B8E;
	s24 =	sld [smem:$0x3FFE];
	[sflag:s23] =	ssyncadd.s32 $0xFFFFFFFF  }
0xa5: {  	s26 =	simm.s32 $execute0_lowered;
	[smem:$0x3FD2] =	sst s25  }
0xa6: {  	s5 =	sshll.u32 s26, $0x1;
	_ =	strace $0x80000049;
	[dreg:$0x1] =	wrdreg $0xFFFFFFFF  }
0xa7: {  	s28 =	simm.s32 $_size_execute0_lowered;
	s3 =	sadd.s32 s3, s5;
	[dreg:$0x0] =	wrdreg $0x0  }
0xa8: {  	s5 =	sshll.u32 s28, $0x1;
	[dreg:$0x2] =	wrdreg s3  }
0xa9: {  	[dreg:$0x3] =	wrdreg s5  }
0xaa: {  	[dreg:$0x4] =	wrdreg $0xC0  }
0xab: {  	_ =	task [dreg:s7], $0x5FFFF  }
0xac: {  	[dreg:$0x1] =	wrdreg $0xFFFFFFFF  }
0xad: {  	[dreg:$0x0] =	wrdreg $0x60  }
0xae: {  	[dreg:$0x2] =	wrdreg s24  }
0xaf: {  	[dreg:$0x3] =	wrdreg s2  }
0xb0: {  	[dreg:$0x4] =	wrdreg $0xA8000  }
0xb1: {  	[dreg:$0x5] =	wrdreg $0x9  }
0xb2: {  	_ =	task.clear_ibuf [dreg:s7], $0x6FFFF;
	_ =	strace $0x90000049  }
0xb3: {  	s29 =	simm.s32 $0x9;
	_ =	strace $0x8000004B  }
0xb4: {  	_ =	swait.ge [sflag:s29], $0x1  }
0xb5: {  	[sflag:s29] =	ssyncadd.s32 $0xFFFFFFFF  }
0xb6: {  	_ =	strace $0x9000004B  }
0xb7: {  	_ =	sfence  }
0xb8: {  	s30 =	sld [smem:$0x0];
	_ =	sdelay $0x2  }
0xb9: {  	s31 =	sshll.u32 s1, $0xD;
	s1 =	sshrl.u32 s1, $0x2  }
0xba: {  	s3 =	sand.u32 $0x4000, s31;
	s1 =	sadd.s32 s1, s30  }
0xbb: {  	s0 =	sor.u32 s3, s0;
	s1 =	sshll.u32 s1, $0x11  }
0xbc: {  	s0 =	sor.u32 s1, s0  }
0xbd: {  	s0 =	sadd.s32 $0x8F2B, s0  }
0xbe: {  	[sflag:s0] =	ssyncadd.remote.s32 $0x1  }
0xbf: {  	_ =	sfence.sel $0xFFFF  }
0xc0: {  	[dreg:$0x0] =	wrdreg $0xFFFFFFFF;
	(pc) =	sbr.abs _section_cstart, $3  }
0xc1: {  	[dreg:$0x1] =	wrdreg $0xFFFFFFFF  }
0xc2: {  	_ =	task.clear_ibuf [dreg:s7], $0x2FFFF;
	_ =	strace $0x9FFFFFFF  }
0xc3: {  	(tm) =	ssettm $0x7FFFFFFF  }
tec
execute0_lowered:
.L_overlay_start_1:
0x0: {  	(tag) =	ssettag $0x1  }
0x1: {  	s5 =	rddreg [dreg:$0x0]  }
0x2: {  	s10 =	rddreg [dreg:$0x1]  }
0x3: {  	s2 =	rddreg [dreg:$0x2]  }
0x4: {  	s0 =	rddreg [dreg:$0x3];
	s3 =	simm.s32 $0x0;
	s1 =	stileid.u32  }
0x5: {  	s4 =	srdreg.scid;
	s16 =	simm.s32 $0x1400;
	s17 =	simm.s32 $0x80  }
0x6: {  	s18 =	simm.s32 $0x2800;
	s19 =	simm.s32 $0x6800;
	s20 =	simm.s32 $0x1  }
0x7: {  	s21 =	simm.s32 $0x2;
	s22 =	simm.s32 $0x2700;
	s23 =	simm.s32 $0x2780  }
0x8: {  	s24 =	simm.s32 $0x0;
	[smem:$0x7FF] =	sst s3;
	s6 =	smul.u32 $0x14000, s1  }
0x9: {  	s7 =	sand.u32 $0x1, s4;
	s4 =	sadd.s32 $0x34C00, s5;
	s9 =	sadd.s32 $0x2C00, s5  }
0xa: {  	s12 =	smul.u32 $0x50000, s1;
	s30 =	sshll.u32 s1, $0x6;
	_ =	strace $0x8000004A  }
0xb: {  	s8 =	smul.u32 $0x140000, s7;
	s28 =	sshll.u32 s7, $0x4;
	s7 =	ssub.s32 $0x2, s7  }
0xc: {  	s11 =	sshrl.u32 s6, $0x3;
	s13 =	sshrl.u32 s7, $0x1;
	s29 =	sshrl.u32 s12, $0x2  }
0xd: {  	s11 =	sadd.s32 s11, s5;
	s6 =	sadd.s32 s6, s8;
	s8 =	sor.u32 s1, s28  }
0xe: {  	s13 =	ssub.s32 s7, s13;
	s15 =	sadd.s32 s29, s2;
	s6 =	sshrl.u32 s6, $0x3  }
0xf: {  	s8 =	smul.u32 $0x2800, s8;
	s12 =	smax.u32 s13, $0x1;
	s13 =	sshrl.u32 s15, $0x3  }
0x10: {  	s15 =	simm.s32 $0x3;
	s14 =	sadd.s32 s6, s5;
	s5 =	sadd.s32 $0xCC00, s11  }
0x11: {  	s6 =	sor.u32 $0x1C04, s30;
	s8 =	sshrl.u32 s8, $0x3;
	s11 =	sadd.s32 $0x5CC00, s14  }
0x12: {  	s14 =	simm.s32 $0x4;
	s31 =	sadd.s32 $0x280, s8;
	s7 =	sadd.s32 s9, s8  }
0x13: {  	s8 =	sadd.s32 s10, s8;
	s9 =	sadd.s32 s9, s31;
	s10 =	sadd.s32 s10, s31  }
.LBB2_1:
0x14: {  	[spmem:s13], [sflag:s6] =	dma.local [hbm:s5], $0x2800  }
0x15: {  	_ =	swait.ge [sflag:s14], $0x2800  }
0x16: {  	[sflag:s14] =	ssyncset.done $0x0  }
0x17: {  	[sflag:s14] =	ssyncadd.s32 $0xFFFFD800  }
0x18: {  	[bflag:$0x0] =	sbarrier.arrive $0xFFFF  }
0x19: {  	[tilespmem:s3], [sflag:$0x3] =	stream.linear.gather [hbm4b:s7+s3], $0x1400, $0x38;
	[tilespmem:$0x1E800] =	vst v63  }
0x1a: {  	_ =	swait.ge [sflag:s15], $0x1400  }
0x1b: {  	[sflag:s15] =	ssyncset.done $0x0  }
0x1c: {  	[sflag:s15] =	ssyncadd.s32 $0xFFFFEC00  }
0x1d: {  	[tilespmem:s16], [sflag:$0x3] =	stream.linear.gather [hbm4b:s8+s3], $0x1400, $0x38;
	[tilespmem:$0x1E800] =	vst v63  }
0x1e: {  	_ =	swait.ge [sflag:s15], $0x1400  }
0x1f: {  	[sflag:s15] =	ssyncset.done $0x0  }
0x20: {  	[sflag:s15] =	ssyncadd.s32 $0xFFFFEC00  }
0x21: {  	[tilespmem:s18], [sflag:$0x1] =	stream.indirect.gather [hbm4b:s4+s17], $0x80, s3, s17, $0xb8;
	[tilespmem:$0x1E800] =	vst v63  }
0x22: {  	_ = 	snop  }
0x23: {  	[tilespmem:s19], [sflag:$0x2] =	stream.indirect.gather [hbm4b:s4+s17], $0x80, s17, s17, $0xb8;
	[tilespmem:$0x1E800] =	vst v63  }
0x24: {  	_ =	swait.ge [sflag:s20], $0x4000  }
0x25: {  	[sflag:s20] =	ssyncset.done $0x0  }
0x26: {  	s25 =	simm.s32 $0x1400;
	[sflag:s20] =	ssyncadd.s32 $0xFFFFC000  }
0x27: {  	[spmem:s2] =	stream.indirect.scatter.add.f32 [tilespmem:s18], [sflag:$0x4], $0x80, s25, s17, $0xb8;
	[tilespmem:$0x1E800] =	vst v63  }
0x28: {  	_ =	swait.ge [sflag:s14], $0x4000  }
0x29: {  	[sflag:s14] =	ssyncset.done $0x0  }
0x2a: {  	s30 =	simm.s32 $0x100;
	[sflag:s14] =	ssyncadd.s32 $0xFFFFC000  }
0x2b: {  	[tilespmem:s18], [sflag:$0x1] =	stream.indirect.gather [hbm4b:s4+s17], $0x80, s30, s17, $0xb8;
	[tilespmem:$0x1E800] =	vst v63  }
0x2c: {  	_ =	swait.ge [sflag:s21], $0x4000  }
0x2d: {  	[sflag:s21] =	ssyncset.done $0x0  }
0x2e: {  	s31 =	simm.s32 $0x1480;
	[sflag:s21] =	ssyncadd.s32 $0xFFFFC000  }
0x2f: {  	[spmem:s2] =	stream.indirect.scatter.add.f32 [tilespmem:s19], [sflag:$0x4], $0x80, s31, s17, $0xb8;
	[tilespmem:$0x1E800] =	vst v63  }
0x30: {  	_ =	swait.ge [sflag:s14], $0x4000  }
0x31: {  	[sflag:s14] =	ssyncset.done $0x0  }
0x32: {  	s26 =	simm.s32 $0x180;
	s25 =	simm.s32 $0x400;
	[sflag:s14] =	ssyncadd.s32 $0xFFFFC000  }
.LBB2_2:
0x33: {  	[tilespmem:s19], [sflag:$0x2] =	stream.indirect.gather [hbm4b:s4+s17], $0x80, s26, s17, $0xb8;
	[tilespmem:$0x1E800] =	vst v63  }
0x34: {  	s26 =	smov.u32 s25  }
0x35: {  	p0 =	sne.s32 s25, $0x4800;
	s25 =	sadd.s32 $0x400, s25;
	_ =	swait.ge [sflag:s20], $0x4000  }
0x36: {  	s26 =	sshra.s32 s26, $0x2;
	[sflag:s20] =	ssyncset.done $0x0  }
0x37: {  	s28 =	sadd.s32 $0x1400, s26;
	[sflag:s20] =	ssyncadd.s32 $0xFFFFC000  }
0x38: {  	[spmem:s2] =	stream.indirect.scatter.add.f32 [tilespmem:s18], [sflag:$0x4], $0x80, s28, s17, $0xb8;
	[tilespmem:$0x1E800] =	vst v63  }
0x39: {  	_ =	swait.ge [sflag:s14], $0x4000  }
0x3a: {  	[sflag:s14] =	ssyncset.done $0x0  }
0x3b: {  	s28 =	sadd.s32 $0x100, s26;
	[sflag:s14] =	ssyncadd.s32 $0xFFFFC000  }
0x3c: {  	[tilespmem:s18], [sflag:$0x1] =	stream.indirect.gather [hbm4b:s4+s17], $0x80, s28, s17, $0xb8;
	[tilespmem:$0x1E800] =	vst v63  }
0x3d: {  	_ =	swait.ge [sflag:s21], $0x4000  }
0x3e: {  	[sflag:s21] =	ssyncset.done $0x0  }
.Ltmp0:
0x3f: {  	s28 =	sadd.s32 $0x1480, s26;
	[sflag:s21] =	ssyncadd.s32 $0xFFFFC000;
	(pc) =	sbr.rel @p0 .LBB2_2-.Ltmp0, $4  }
0x40: {  	[spmem:s2] =	stream.indirect.scatter.add.f32 [tilespmem:s19], [sflag:$0x4], $0x80, s28, s17, $0xb8;
	[tilespmem:$0x1E800] =	vst v63  }
0x41: {  	_ =	swait.ge [sflag:s14], $0x4000  }
0x42: {  	[sflag:s14] =	ssyncset.done $0x0  }
0x43: {  	s26 =	sadd.s32 $0x180, s26;
	[sflag:s14] =	ssyncadd.s32 $0xFFFFC000  }
0x44: {  	[tilespmem:s19], [sflag:$0x2] =	stream.indirect.gather [hbm4b:s4+s17], $0x80, s26, s17, $0xb8;
	[tilespmem:$0x1E800] =	vst v63  }
0x45: {  	_ =	swait.ge [sflag:s20], $0x4000  }
0x46: {  	[sflag:s20] =	ssyncset.done $0x0  }
0x47: {  	[sflag:s20] =	ssyncadd.s32 $0xFFFFC000  }
0x48: {  	[spmem:s2] =	stream.indirect.scatter.add.f32 [tilespmem:s18], [sflag:$0x4], $0x80, s22, s17, $0xb8;
	[tilespmem:$0x1E800] =	vst v63  }
0x49: {  	_ =	swait.ge [sflag:s14], $0x4000  }
0x4a: {  	[sflag:s14] =	ssyncset.done $0x0  }
0x4b: {  	[sflag:s14] =	ssyncadd.s32 $0xFFFFC000  }
0x4c: {  	_ =	swait.ge [sflag:s21], $0x4000  }
0x4d: {  	[sflag:s21] =	ssyncset.done $0x0  }
0x4e: {  	[sflag:s21] =	ssyncadd.s32 $0xFFFFC000  }
0x4f: {  	[spmem:s2] =	stream.indirect.scatter.add.f32 [tilespmem:s19], [sflag:$0x4], $0x80, s23, s17, $0xb8;
	[tilespmem:$0x1E800] =	vst v63  }
0x50: {  	_ =	swait.ge [sflag:s14], $0x4000  }
0x51: {  	[sflag:s14] =	ssyncset.done $0x0  }
0x52: {  	s25 =	simm.s32 $0x0;
	[sflag:s14] =	ssyncadd.s32 $0xFFFFC000  }
0x53: {  	[tilespmem:s25], [sflag:$0x3] =	stream.linear.gather [hbm4b:s9+s25], $0x1400, $0x38;
	[tilespmem:$0x1E800] =	vst v63  }
0x54: {  	_ =	swait.ge [sflag:s15], $0x1400  }
0x55: {  	[sflag:s15] =	ssyncset.done $0x0  }
0x56: {  	[sflag:s15] =	ssyncadd.s32 $0xFFFFEC00  }
0x57: {  	[tilespmem:s16], [sflag:$0x3] =	stream.linear.gather [hbm4b:s10+s25], $0x1400, $0x38;
	[tilespmem:$0x1E800] =	vst v63  }
0x58: {  	_ =	swait.ge [sflag:s15], $0x1400  }
0x59: {  	[sflag:s15] =	ssyncset.done $0x0  }
0x5a: {  	[sflag:s15] =	ssyncadd.s32 $0xFFFFEC00  }
0x5b: {  	[tilespmem:s18], [sflag:$0x1] =	stream.indirect.gather [hbm4b:s4+s17], $0x80, s25, s17, $0xb8;
	[tilespmem:$0x1E800] =	vst v63  }
0x5c: {  	_ = 	snop  }
0x5d: {  	[tilespmem:s19], [sflag:$0x2] =	stream.indirect.gather [hbm4b:s4+s17], $0x80, s17, s17, $0xb8;
	[tilespmem:$0x1E800] =	vst v63  }
0x5e: {  	_ =	swait.ge [sflag:s20], $0x4000  }
0x5f: {  	[sflag:s20] =	ssyncset.done $0x0  }
0x60: {  	s29 =	simm.s32 $0x1400;
	[sflag:s20] =	ssyncadd.s32 $0xFFFFC000  }
0x61: {  	[spmem:s2] =	stream.indirect.scatter.add.f32 [tilespmem:s18], [sflag:$0x4], $0x80, s29, s17, $0xb8;
	[tilespmem:$0x1E800] =	vst v63  }
0x62: {  	_ =	swait.ge [sflag:s14], $0x4000  }
0x63: {  	[sflag:s14] =	ssyncset.done $0x0  }
0x64: {  	s30 =	simm.s32 $0x100;
	[sflag:s14] =	ssyncadd.s32 $0xFFFFC000  }
0x65: {  	[tilespmem:s18], [sflag:$0x1] =	stream.indirect.gather [hbm4b:s4+s17], $0x80, s30, s17, $0xb8;
	[tilespmem:$0x1E800] =	vst v63  }
0x66: {  	_ =	swait.ge [sflag:s21], $0x4000  }
0x67: {  	[sflag:s21] =	ssyncset.done $0x0  }
0x68: {  	s31 =	simm.s32 $0x1480;
	[sflag:s21] =	ssyncadd.s32 $0xFFFFC000  }
0x69: {  	[spmem:s2] =	stream.indirect.scatter.add.f32 [tilespmem:s19], [sflag:$0x4], $0x80, s31, s17, $0xb8;
	[tilespmem:$0x1E800] =	vst v63  }
0x6a: {  	_ =	swait.ge [sflag:s14], $0x4000  }
0x6b: {  	[sflag:s14] =	ssyncset.done $0x0  }
0x6c: {  	s26 =	simm.s32 $0x180;
	s25 =	simm.s32 $0x400;
	[sflag:s14] =	ssyncadd.s32 $0xFFFFC000  }
.LBB2_4:
0x6d: {  	[tilespmem:s19], [sflag:$0x2] =	stream.indirect.gather [hbm4b:s4+s17], $0x80, s26, s17, $0xb8;
	[tilespmem:$0x1E800] =	vst v63  }
0x6e: {  	s26 =	smov.u32 s25  }
0x6f: {  	p0 =	sne.s32 s25, $0x4800;
	s25 =	sadd.s32 $0x400, s25;
	_ =	swait.ge [sflag:s20], $0x4000  }
0x70: {  	s26 =	sshra.s32 s26, $0x2;
	[sflag:s20] =	ssyncset.done $0x0  }
0x71: {  	s28 =	sadd.s32 $0x1400, s26;
	[sflag:s20] =	ssyncadd.s32 $0xFFFFC000  }
0x72: {  	[spmem:s2] =	stream.indirect.scatter.add.f32 [tilespmem:s18], [sflag:$0x4], $0x80, s28, s17, $0xb8;
	[tilespmem:$0x1E800] =	vst v63  }
0x73: {  	_ =	swait.ge [sflag:s14], $0x4000  }
0x74: {  	[sflag:s14] =	ssyncset.done $0x0  }
0x75: {  	s28 =	sadd.s32 $0x100, s26;
	[sflag:s14] =	ssyncadd.s32 $0xFFFFC000  }
0x76: {  	[tilespmem:s18], [sflag:$0x1] =	stream.indirect.gather [hbm4b:s4+s17], $0x80, s28, s17, $0xb8;
	[tilespmem:$0x1E800] =	vst v63  }
0x77: {  	_ =	swait.ge [sflag:s21], $0x4000  }
0x78: {  	[sflag:s21] =	ssyncset.done $0x0  }
.Ltmp1:
0x79: {  	s28 =	sadd.s32 $0x1480, s26;
	[sflag:s21] =	ssyncadd.s32 $0xFFFFC000;
	(pc) =	sbr.rel @p0 .LBB2_4-.Ltmp1, $4  }
0x7a: {  	[spmem:s2] =	stream.indirect.scatter.add.f32 [tilespmem:s19], [sflag:$0x4], $0x80, s28, s17, $0xb8;
	[tilespmem:$0x1E800] =	vst v63  }
0x7b: {  	_ =	swait.ge [sflag:s14], $0x4000  }
0x7c: {  	[sflag:s14] =	ssyncset.done $0x0  }
0x7d: {  	s26 =	sadd.s32 $0x180, s26;
	[sflag:s14] =	ssyncadd.s32 $0xFFFFC000  }
0x7e: {  	[tilespmem:s19], [sflag:$0x2] =	stream.indirect.gather [hbm4b:s4+s17], $0x80, s26, s17, $0xb8;
	[tilespmem:$0x1E800] =	vst v63  }
0x7f: {  	_ =	swait.ge [sflag:s20], $0x4000  }
0x80: {  	[sflag:s20] =	ssyncset.done $0x0  }
0x81: {  	[sflag:s20] =	ssyncadd.s32 $0xFFFFC000  }
0x82: {  	[spmem:s2] =	stream.indirect.scatter.add.f32 [tilespmem:s18], [sflag:$0x4], $0x80, s22, s17, $0xb8;
	[tilespmem:$0x1E800] =	vst v63  }
0x83: {  	_ =	swait.ge [sflag:s14], $0x4000  }
0x84: {  	[sflag:s14] =	ssyncset.done $0x0  }
0x85: {  	[sflag:s14] =	ssyncadd.s32 $0xFFFFC000  }
0x86: {  	_ =	swait.ge [sflag:s21], $0x4000  }
0x87: {  	[sflag:s21] =	ssyncset.done $0x0  }
0x88: {  	[sflag:s21] =	ssyncadd.s32 $0xFFFFC000  }
0x89: {  	[spmem:s2] =	stream.indirect.scatter.add.f32 [tilespmem:s19], [sflag:$0x4], $0x80, s23, s17, $0xb8;
	[tilespmem:$0x1E800] =	vst v63  }
0x8a: {  	_ =	swait.ge [sflag:s14], $0x4000  }
0x8b: {  	s24 =	sadd.s32 $0x1, s24;
	[sflag:s14] =	ssyncset.done $0x0  }
0x8c: {  	p0 =	sne.s32 s24, s12;
	[sflag:s14] =	ssyncadd.s32 $0xFFFFC000  }
.Ltmp2:
0x8d: {  	[bflag:$0x0] =	sbarrier.arrive $0xFFFF;
	(pc) =	sbr.rel @p0 .LBB2_1-.Ltmp2, $4  }
0x8e: {  	[hbm:s11], [sflag:s6] =	dma.local [spmem:s13], $0x2800  }
0x8f: {  	_ =	swait.ge [sflag:s14], $0x2800  }
0x90: {  	[sflag:s14] =	ssyncset.done $0x0  }
0x91: {  	[sflag:s14] =	ssyncadd.s32 $0xFFFFD800  }
0x92: {  	_ =	sfence.sel $0x180000  }
0x93: {  	[bflag:$0x0] =	sbarrier.arrive $0xFFFF  }
0x94: {  	p0 =	sne.s32 s1, $0x0;
	_ =	strace $0x9000004A  }
0x95: {  	s0 =	sadd.s32 @!p0 $0x100000, s0;
	[bflag:$0x2] =	sbarrier.arrive $0xFFFF  }
0x96: {  	[sflag:s0] =	ssyncadd.tile.s32 @!p0 $0x1;
	_ =	shalt  }
.Lfunc_end2:
_tile_overlayer_lowered:
.L_overlay_start_2:
0x97: {  	(tag) =	ssettag $0x2  }
0x98: {  	s0 =	rddreg [dreg:$0x0];
	s2 =	stileid.u32  }
0x99: {  	s1 =	rddreg [dreg:$0x1];
	p0 =	sne.s32 s2, $0x0  }
0x9a: {  	s3 =	rddreg [dreg:$0x2];
	[bflag:$0x3] =	sbarrier.arrive $0xFFFF;
	s2 =	simm.s32 @!p0 $0x1C04  }
0x9b: {  	[timem:s3], [sflag:s2] =	dma.local @!p0 [hbm:s0], s1  }
0x9c: {  	s0 =	simm.s32 @!p0 $0x4  }
0x9d: {  	_ =	swait.ge @!p0 [sflag:s0], s1  }
0x9e: {  	s1 =	ssub.s32 @!p0 $0x0, s1;
	[sflag:s0] =	ssyncset.done @!p0 $0x0  }
0x9f: {  	[sflag:s0] =	ssyncadd.s32 @!p0 s1  }
0xa0: {  	[bflag:$0x3] =	sbarrier.arrive $0xFFFF  }
0xa1: {  	_ =	shalt  }

// kernel: kernel.16.cloned.1.call-start
scs
__scs_entry_jumppad:
0x0: {  	(pc) =	sbr.rel $0x88, $3  }
0x1: {  	(tag) =	ssettag $0x0;
	lr =	simm.s32 $0x1  }
0x2: {  	[smem:$0x3F99] =	sst lr;
	_ =	strace $0xD0000000  }
0x3: {  	_ = 	snop  }
0x4: {  	_ = 	snop  }
0x5: {  	_ = 	snop  }
0x6: {  	_ = 	snop  }
0x7: {  	_ = 	snop  }
__scs_overlays_trampoline_lowered:
0x8: {  	[smem:$0x3FA8] =	sst s0  }
0x9: {  	[smem:$0x3FA9] =	sst s1  }
0xa: {  	[smem:$0x3FAA] =	sst s2  }
0xb: {  	[smem:$0x3FAB] =	sst s3  }
0xc: {  	[smem:$0x3FAC] =	sst s4  }
0xd: {  	[smem:$0x3FAD] =	sst s5  }
0xe: {  	[smem:$0x3FAE] =	sst s6  }
0xf: {  	[smem:$0x3FAF] =	sst s7  }
0x10: {  	[smem:$0x3FB0] =	sst s8  }
0x11: {  	[smem:$0x3FB1] =	sst s9;
	s0 =	simm.s32 @!p0 $0x0  }
0x12: {  	s1 =	sld [smem:$0x3F97];
	s0 =	simm.s32 @p0 $0x1  }
0x13: {  	[smem:$0x3FB2] =	sst s0;
	s0 =	simm.s32 @!p1 $0x0  }
0x14: {  	s2 =	sld [smem:$0x3F96];
	s0 =	simm.s32 @p1 $0x1  }
0x15: {  	[smem:$0x3FB3] =	sst s0;
	s0 =	simm.s32 @!p2 $0x0  }
0x16: {  	s3 =	sld [smem:$0x3FDB];
	s0 =	simm.s32 @p2 $0x1  }
0x17: {  	s4 =	simm.s32 $0x1BF5;
	[smem:$0x3FB5] =	sst s0  }
0x18: {  	s0 =	sld [smem:$0x3F98];
	_ =	swait.ge [sflag:s4], $0x0  }
0x19: {  	s7 =	sld [smem:$0x3F99]  }
0x1a: {  	s8 =	sadd.s32 $0xFFFFE003, lr  }
0x1b: {  	s9 =	sadd.s32 $0xFFFFFEF7, lr;
	s5 =	simm.s32 $0xFFFFFFFF;
	p2 =	slt.u32 s8, $0xFFFFF086  }
0x1c: {  	p1 =	slt.u32 s9, $0xF7A;
	s5 =	simm.s32 @!p2 $0x0  }
0x1d: {  	s5 =	simm.s32 @p1 $0x1;
	p0 =	seq.s32 s7, s2  }
0x1e: {  	s7 =	smul.u32 @!p0 $0xF7A, s2;
	p2 =	seq.s32 @!p0 s5, $0x0  }
0x1f: {  	s9 =	smul.u32 $0xF7A, s1;
	s8 =	simm.s32 @!p0 $0x1BF5;
	p2 =	por !p2, p0  }
0x20: {  	[sflag:s8] =	ssyncset.s32 @!p0 $0xFFFFF086;
	s6 =	sadd.s32 @!p0 s3, s7;
	s7 =	simm.s32 @!p0 $0x108  }
0x21: {  	s3 =	sadd.s32 s3, s9;
	s6 =	sadd.s32 @!p0 $0x88, s6;
	s7 =	simm.s32 @p2 $0x1082  }
0x22: {  	[simem:s7], [sflag:s8] =	dma.local @!p0 [hbm:s6], $0xF7A  }
0x23: {  	s9 =	sor.u32 $0xD0000000, s2;
	s6 =	simm.s32 $0x108;
	_ =	swait.ge @!p0 [sflag:s8], $0x0  }
0x24: {  	s3 =	sadd.s32 $0x88, s3;
	s6 =	simm.s32 @!p1 $0x1082;
	[sflag:s4] =	ssyncset.s32 $0xFFFFF086  }
0x25: {  	[simem:s6], [sflag:s4] =	dma.local [hbm:s3], $0xF7A  }
0x26: {  	[smem:$0x3F99] =	sst s1;
	(tag) =	ssettag s2;
	_ =	strace s9  }
0x27: {  	s1 =	sld [smem:$0x3FA9]  }
0x28: {  	s2 =	sld [smem:$0x3FAA]  }
0x29: {  	s4 =	sld [smem:$0x3FAC]  }
0x2a: {  	p0 =	seq.s32 s5, $0x0;
	s5 =	sld [smem:$0x3FAD]  }
0x2b: {  	s6 =	sld [smem:$0x3FAE]  }
0x2c: {  	s7 =	sld [smem:$0x3FAF]  }
0x2d: {  	s3 =	simm.s32 $0x108;
	s8 =	sld [smem:$0x3FB0]  }
0x2e: {  	s3 =	simm.s32 @!p0 $0x1082;
	s9 =	sld [smem:$0x3FB1]  }
0x2f: {  	lr =	sadd.s32 s0, s3;
	s0 =	sld [smem:$0x3FA8]  }
0x30: {  	s3 =	sld [smem:$0x3FAB]  }
0x31: {  	[smem:$0x3FB4] =	sst s10  }
0x32: {  	s10 =	sld [smem:$0x3FB2];
	_ =	sdelay $0x3  }
0x33: {  	p0 =	seq.s32 s10, $0x1;
	s10 =	sld [smem:$0x3FB4];
	_ =	sdelay $0x3  }
0x34: {  	[smem:$0x3FB4] =	sst s10  }
0x35: {  	s10 =	sld [smem:$0x3FB3];
	_ =	sdelay $0x3  }
0x36: {  	p1 =	seq.s32 s10, $0x1;
	s10 =	sld [smem:$0x3FB4];
	_ =	sdelay $0x3  }
0x37: {  	[smem:$0x3FB4] =	sst s10  }
0x38: {  	s10 =	sld [smem:$0x3FB5]  }
0x39: {  	_ = 	snop;
	(pc) =	sbr.ind lr, $3  }
0x3a: {  	_ = 	snop  }
0x3b: {  	_ = 	snop  }
0x3c: {  	p2 =	seq.s32 s10, $0x1;
	s10 =	sld [smem:$0x3FB4]  }
0x3d: {  	_ =	shalt  }
0x3e: {  	_ =	shalt  }
0x3f: {  	_ =	shalt  }
0x40: {  	_ =	shalt  }
0x41: {  	_ =	shalt  }
0x42: {  	_ =	shalt  }
0x43: {  	_ =	shalt  }
0x44: {  	_ =	shalt  }
0x45: {  	_ =	shalt  }
0x46: {  	_ =	shalt  }
0x47: {  	_ =	shalt  }
0x48: {  	_ =	shalt  }
0x49: {  	_ =	shalt  }
0x4a: {  	_ =	shalt  }
0x4b: {  	_ =	shalt  }
0x4c: {  	_ =	shalt  }
0x4d: {  	_ =	shalt  }
0x4e: {  	_ =	shalt  }
0x4f: {  	_ =	shalt  }
0x50: {  	_ =	shalt  }
0x51: {  	_ =	shalt  }
0x52: {  	_ =	shalt  }
0x53: {  	_ =	shalt  }
0x54: {  	_ =	shalt  }
0x55: {  	_ =	shalt  }
0x56: {  	_ =	shalt  }
0x57: {  	_ =	shalt  }
0x58: {  	_ =	shalt  }
0x59: {  	_ =	shalt  }
0x5a: {  	_ =	shalt  }
0x5b: {  	_ =	shalt  }
0x5c: {  	_ =	shalt  }
0x5d: {  	_ =	shalt  }
0x5e: {  	_ =	shalt  }
0x5f: {  	_ =	shalt  }
0x60: {  	_ =	shalt  }
0x61: {  	_ =	shalt  }
0x62: {  	_ =	shalt  }
0x63: {  	_ =	shalt  }
0x64: {  	_ =	shalt  }
0x65: {  	_ =	shalt  }
0x66: {  	_ =	shalt  }
0x67: {  	_ =	shalt  }
0x68: {  	_ =	shalt  }
0x69: {  	_ =	shalt  }
0x6a: {  	_ =	shalt  }
0x6b: {  	_ =	shalt  }
0x6c: {  	_ =	shalt  }
0x6d: {  	_ =	shalt  }
0x6e: {  	_ =	shalt  }
0x6f: {  	_ =	shalt  }
0x70: {  	_ =	shalt  }
0x71: {  	_ =	shalt  }
0x72: {  	_ =	shalt  }
0x73: {  	_ =	shalt  }
0x74: {  	_ =	shalt  }
0x75: {  	_ =	shalt  }
0x76: {  	_ =	shalt  }
0x77: {  	_ =	shalt  }
0x78: {  	_ =	shalt  }
0x79: {  	_ =	shalt  }
0x7a: {  	_ =	shalt  }
0x7b: {  	_ =	shalt  }
0x7c: {  	_ =	shalt  }
0x7d: {  	_ =	shalt  }
0x7e: {  	_ =	shalt  }
0x7f: {  	_ =	shalt  }
0x80: {  	_ =	shalt  }
0x81: {  	_ =	shalt  }
0x82: {  	_ =	shalt  }
0x83: {  	_ =	shalt  }
0x84: {  	_ =	shalt  }
0x85: {  	_ =	shalt  }
0x86: {  	_ =	shalt  }
0x87: {  	_ =	shalt  }
.Lfunc_end0:
.L_simem_size_0:
called_computation.2_lowered:
.L_overlay_start_0:
0x88: {  	s2 =	sld [smem:$0x3FD9]  }
0x89: {  	s3 =	sld [smem:$0x3FFE];
	_ =	sdelay $0x1  }
0x8a: {  	s1 =	srdreg.scid  }
0x8b: {  	s0 =	sand.u32 $0x1, s1  }
0x8c: {  	s17 =	sshll.u32 s0, $0xA;
	s2 =	sadd.s32 s3, s2  }
0x8d: {  	s2 =	sadd.s32 s2, s17  }
0x8e: {  	[smem:$0x3FC0] =	sst s2  }
0x8f: {  	_ = 	snop  }
0x90: {  	s2 =	sld [smem:$0x3FD0];
	(tm) =	ssettm $0x1  }
0x91: {  	s18 =	sld [smem:$0x3FFB];
	_ =	sdelay $0x3  }
0x92: {  	_ =	strace s18  }
0x93: {  	s3 =	sld [smem:$0x3FFC];
	_ =	sdelay $0x3  }
0x94: {  	_ =	strace s3  }
0x95: {  	s3 =	sld [smem:$0x3FFD];
	_ =	sdelay $0x3  }
0x96: {  	_ =	strace s3  }
0x97: {  	_ =	strace $0x8FFFFFFF  }
0x98: {  	s19 =	sld [smem:$0x3FDB];
	_ =	sdelay $0x1  }
0x99: {  	s4 =	simm.s32 $_scs_section_size  }
0x9a: {  	s5 =	simm.s32 $_size__tile_overlayer_lowered;
	s6 =	simm.s32 $_tile_overlayer_lowered  }
0x9b: {  	s22 =	simm.s32 $0x1BFF;
	s21 =	sshll.u32 s6, $0x1;
	s3 =	sadd.s32 s4, s19  }
0x9c: {  	s7 =	simm.s32 $0x0;
	s20 =	sshll.u32 s5, $0x1;
	s5 =	sadd.s32 s21, s3  }
0x9d: {  	[timem:s7], [sflag:s22] =	dma.local [hbm:s5], s20  }
0x9e: {  	_ =	swait.ge [sflag:s22], s20  }
0x9f: {  	s4 =	ssub.s32 $0x0, s20;
	[sflag:s22] =	ssyncset.done $0x0  }
0xa0: {  	[sflag:s22] =	ssyncadd.s32 s4;
	_ =	sdelay $0x1  }
0xa1: {  	s23 =	simm.s32 $0x1B8B  }
0xa2: {  	_ =	swait.ge [sflag:s23], $0x1  }
0xa3: {  	[sflag:s23] =	ssyncset.done $0x0  }
0xa4: {  	s25 =	simm.s32 $0x1B8E;
	s24 =	sld [smem:$0x3FFE];
	[sflag:s23] =	ssyncadd.s32 $0xFFFFFFFF  }
0xa5: {  	s26 =	simm.s32 $execute0_lowered;
	[smem:$0x3FD2] =	sst s25  }
0xa6: {  	s5 =	sshll.u32 s26, $0x1;
	_ =	strace $0x8000004C;
	[dreg:$0x1] =	wrdreg $0xFFFFFFFF  }
0xa7: {  	s28 =	simm.s32 $_size_execute0_lowered;
	s3 =	sadd.s32 s3, s5;
	[dreg:$0x0] =	wrdreg $0x0  }
0xa8: {  	s5 =	sshll.u32 s28, $0x1;
	[dreg:$0x2] =	wrdreg s3  }
0xa9: {  	[dreg:$0x3] =	wrdreg s5  }
0xaa: {  	[dreg:$0x4] =	wrdreg $0xC0  }
0xab: {  	_ =	task [dreg:s7], $0x5FFFF  }
0xac: {  	[dreg:$0x1] =	wrdreg $0xFFFFFFFF  }
0xad: {  	[dreg:$0x0] =	wrdreg $0x60  }
0xae: {  	[dreg:$0x2] =	wrdreg s24  }
0xaf: {  	[dreg:$0x3] =	wrdreg s2  }
0xb0: {  	[dreg:$0x4] =	wrdreg $0xA8000  }
0xb1: {  	[dreg:$0x5] =	wrdreg $0x9  }
0xb2: {  	_ =	task.clear_ibuf [dreg:s7], $0x6FFFF;
	_ =	strace $0x9000004C  }
0xb3: {  	s29 =	simm.s32 $0x9;
	_ =	strace $0x8000004E  }
0xb4: {  	_ =	swait.ge [sflag:s29], $0x1  }
0xb5: {  	[sflag:s29] =	ssyncadd.s32 $0xFFFFFFFF  }
0xb6: {  	_ =	strace $0x9000004E  }
0xb7: {  	_ =	sfence  }
0xb8: {  	s30 =	sld [smem:$0x0];
	_ =	sdelay $0x2  }
0xb9: {  	s31 =	sshll.u32 s1, $0xD;
	s1 =	sshrl.u32 s1, $0x2  }
0xba: {  	s3 =	sand.u32 $0x4000, s31;
	s1 =	sadd.s32 s1, s30  }
0xbb: {  	s0 =	sor.u32 s3, s0;
	s1 =	sshll.u32 s1, $0x11  }
0xbc: {  	s0 =	sor.u32 s1, s0  }
0xbd: {  	s0 =	sadd.s32 $0x8F2B, s0  }
0xbe: {  	[sflag:s0] =	ssyncadd.remote.s32 $0x1  }
0xbf: {  	_ =	sfence.sel $0xFFFF  }
0xc0: {  	[dreg:$0x0] =	wrdreg $0xFFFFFFFF;
	(pc) =	sbr.abs _section_cstart, $3  }
0xc1: {  	[dreg:$0x1] =	wrdreg $0xFFFFFFFF  }
0xc2: {  	_ =	task.clear_ibuf [dreg:s7], $0x2FFFF;
	_ =	strace $0x9FFFFFFF  }
0xc3: {  	(tm) =	ssettm $0x7FFFFFFF  }
tec
execute0_lowered:
.L_overlay_start_1:
0x0: {  	(tag) =	ssettag $0x1  }
0x1: {  	s5 =	rddreg [dreg:$0x0]  }
0x2: {  	s10 =	rddreg [dreg:$0x1]  }
0x3: {  	s2 =	rddreg [dreg:$0x2]  }
0x4: {  	s0 =	rddreg [dreg:$0x3];
	s3 =	simm.s32 $0x0;
	s1 =	stileid.u32  }
0x5: {  	s4 =	srdreg.scid;
	s16 =	simm.s32 $0x1400;
	s17 =	simm.s32 $0x80  }
0x6: {  	s18 =	simm.s32 $0x2800;
	s19 =	simm.s32 $0x6800;
	s20 =	simm.s32 $0x1  }
0x7: {  	s21 =	simm.s32 $0x2;
	s22 =	simm.s32 $0x2700;
	s23 =	simm.s32 $0x2780  }
0x8: {  	s24 =	simm.s32 $0x0;
	[smem:$0x7FF] =	sst s3;
	s6 =	smul.u32 $0x14000, s1  }
0x9: {  	s7 =	sand.u32 $0x1, s4;
	s4 =	sadd.s32 $0x34C00, s5;
	s9 =	sadd.s32 $0x2C00, s5  }
0xa: {  	s12 =	smul.u32 $0x50000, s1;
	s30 =	sshll.u32 s1, $0x6;
	_ =	strace $0x8000004D  }
0xb: {  	s8 =	smul.u32 $0x140000, s7;
	s28 =	sshll.u32 s7, $0x4;
	s7 =	ssub.s32 $0x2, s7  }
0xc: {  	s11 =	sshrl.u32 s6, $0x3;
	s13 =	sshrl.u32 s7, $0x1;
	s29 =	sshrl.u32 s12, $0x2  }
0xd: {  	s11 =	sadd.s32 s11, s5;
	s6 =	sadd.s32 s6, s8;
	s8 =	sor.u32 s1, s28  }
0xe: {  	s13 =	ssub.s32 s7, s13;
	s15 =	sadd.s32 s29, s2;
	s6 =	sshrl.u32 s6, $0x3  }
0xf: {  	s8 =	smul.u32 $0x2800, s8;
	s12 =	smax.u32 s13, $0x1;
	s13 =	sshrl.u32 s15, $0x3  }
0x10: {  	s15 =	simm.s32 $0x3;
	s14 =	sadd.s32 s6, s5;
	s5 =	sadd.s32 $0xCC00, s11  }
0x11: {  	s6 =	sor.u32 $0x1C04, s30;
	s8 =	sshrl.u32 s8, $0x3;
	s11 =	sadd.s32 $0x5CC00, s14  }
0x12: {  	s14 =	simm.s32 $0x4;
	s31 =	sadd.s32 $0x280, s8;
	s7 =	sadd.s32 s9, s8  }
0x13: {  	s8 =	sadd.s32 s10, s8;
	s9 =	sadd.s32 s9, s31;
	s10 =	sadd.s32 s10, s31  }
.LBB2_1:
0x14: {  	[spmem:s13], [sflag:s6] =	dma.local [hbm:s5], $0x2800  }
0x15: {  	_ =	swait.ge [sflag:s14], $0x2800  }
0x16: {  	[sflag:s14] =	ssyncset.done $0x0  }
0x17: {  	[sflag:s14] =	ssyncadd.s32 $0xFFFFD800  }
0x18: {  	[bflag:$0x0] =	sbarrier.arrive $0xFFFF  }
0x19: {  	[tilespmem:s3], [sflag:$0x3] =	stream.linear.gather [hbm4b:s7+s3], $0x1400, $0x38;
	[tilespmem:$0x1E800] =	vst v63  }
0x1a: {  	_ =	swait.ge [sflag:s15], $0x1400  }
0x1b: {  	[sflag:s15] =	ssyncset.done $0x0  }
0x1c: {  	[sflag:s15] =	ssyncadd.s32 $0xFFFFEC00  }
0x1d: {  	[tilespmem:s16], [sflag:$0x3] =	stream.linear.gather [hbm4b:s8+s3], $0x1400, $0x38;
	[tilespmem:$0x1E800] =	vst v63  }
0x1e: {  	_ =	swait.ge [sflag:s15], $0x1400  }
0x1f: {  	[sflag:s15] =	ssyncset.done $0x0  }
0x20: {  	[sflag:s15] =	ssyncadd.s32 $0xFFFFEC00  }
0x21: {  	[tilespmem:s18], [sflag:$0x1] =	stream.indirect.gather [hbm4b:s4+s17], $0x80, s3, s17, $0xb8;
	[tilespmem:$0x1E800] =	vst v63  }
0x22: {  	_ = 	snop  }
0x23: {  	[tilespmem:s19], [sflag:$0x2] =	stream.indirect.gather [hbm4b:s4+s17], $0x80, s17, s17, $0xb8;
	[tilespmem:$0x1E800] =	vst v63  }
0x24: {  	_ =	swait.ge [sflag:s20], $0x4000  }
0x25: {  	[sflag:s20] =	ssyncset.done $0x0  }
0x26: {  	s25 =	simm.s32 $0x1400;
	[sflag:s20] =	ssyncadd.s32 $0xFFFFC000  }
0x27: {  	[spmem:s2] =	stream.indirect.scatter.add.f32 [tilespmem:s18], [sflag:$0x4], $0x80, s25, s17, $0xb8;
	[tilespmem:$0x1E800] =	vst v63  }
0x28: {  	_ =	swait.ge [sflag:s14], $0x4000  }
0x29: {  	[sflag:s14] =	ssyncset.done $0x0  }
0x2a: {  	s30 =	simm.s32 $0x100;
	[sflag:s14] =	ssyncadd.s32 $0xFFFFC000  }
0x2b: {  	[tilespmem:s18], [sflag:$0x1] =	stream.indirect.gather [hbm4b:s4+s17], $0x80, s30, s17, $0xb8;
	[tilespmem:$0x1E800] =	vst v63  }
0x2c: {  	_ =	swait.ge [sflag:s21], $0x4000  }
0x2d: {  	[sflag:s21] =	ssyncset.done $0x0  }
0x2e: {  	s31 =	simm.s32 $0x1480;
	[sflag:s21] =	ssyncadd.s32 $0xFFFFC000  }
0x2f: {  	[spmem:s2] =	stream.indirect.scatter.add.f32 [tilespmem:s19], [sflag:$0x4], $0x80, s31, s17, $0xb8;
	[tilespmem:$0x1E800] =	vst v63  }
0x30: {  	_ =	swait.ge [sflag:s14], $0x4000  }
0x31: {  	[sflag:s14] =	ssyncset.done $0x0  }
0x32: {  	s26 =	simm.s32 $0x180;
	s25 =	simm.s32 $0x400;
	[sflag:s14] =	ssyncadd.s32 $0xFFFFC000  }
.LBB2_2:
0x33: {  	[tilespmem:s19], [sflag:$0x2] =	stream.indirect.gather [hbm4b:s4+s17], $0x80, s26, s17, $0xb8;
	[tilespmem:$0x1E800] =	vst v63  }
0x34: {  	s26 =	smov.u32 s25  }
0x35: {  	p0 =	sne.s32 s25, $0x4800;
	s25 =	sadd.s32 $0x400, s25;
	_ =	swait.ge [sflag:s20], $0x4000  }
0x36: {  	s26 =	sshra.s32 s26, $0x2;
	[sflag:s20] =	ssyncset.done $0x0  }
0x37: {  	s28 =	sadd.s32 $0x1400, s26;
	[sflag:s20] =	ssyncadd.s32 $0xFFFFC000  }
0x38: {  	[spmem:s2] =	stream.indirect.scatter.add.f32 [tilespmem:s18], [sflag:$0x4], $0x80, s28, s17, $0xb8;
	[tilespmem:$0x1E800] =	vst v63  }
0x39: {  	_ =	swait.ge [sflag:s14], $0x4000  }
0x3a: {  	[sflag:s14] =	ssyncset.done $0x0  }
0x3b: {  	s28 =	sadd.s32 $0x100, s26;
	[sflag:s14] =	ssyncadd.s32 $0xFFFFC000  }
0x3c: {  	[tilespmem:s18], [sflag:$0x1] =	stream.indirect.gather [hbm4b:s4+s17], $0x80, s28, s17, $0xb8;
	[tilespmem:$0x1E800] =	vst v63  }
0x3d: {  	_ =	swait.ge [sflag:s21], $0x4000  }
0x3e: {  	[sflag:s21] =	ssyncset.done $0x0  }
.Ltmp0:
0x3f: {  	s28 =	sadd.s32 $0x1480, s26;
	[sflag:s21] =	ssyncadd.s32 $0xFFFFC000;
	(pc) =	sbr.rel @p0 .LBB2_2-.Ltmp0, $4  }
0x40: {  	[spmem:s2] =	stream.indirect.scatter.add.f32 [tilespmem:s19], [sflag:$0x4], $0x80, s28, s17, $0xb8;
	[tilespmem:$0x1E800] =	vst v63  }
0x41: {  	_ =	swait.ge [sflag:s14], $0x4000  }
0x42: {  	[sflag:s14] =	ssyncset.done $0x0  }
0x43: {  	s26 =	sadd.s32 $0x180, s26;
	[sflag:s14] =	ssyncadd.s32 $0xFFFFC000  }
0x44: {  	[tilespmem:s19], [sflag:$0x2] =	stream.indirect.gather [hbm4b:s4+s17], $0x80, s26, s17, $0xb8;
	[tilespmem:$0x1E800] =	vst v63  }
0x45: {  	_ =	swait.ge [sflag:s20], $0x4000  }
0x46: {  	[sflag:s20] =	ssyncset.done $0x0  }
0x47: {  	[sflag:s20] =	ssyncadd.s32 $0xFFFFC000  }
0x48: {  	[spmem:s2] =	stream.indirect.scatter.add.f32 [tilespmem:s18], [sflag:$0x4], $0x80, s22, s17, $0xb8;
	[tilespmem:$0x1E800] =	vst v63  }
0x49: {  	_ =	swait.ge [sflag:s14], $0x4000  }
0x4a: {  	[sflag:s14] =	ssyncset.done $0x0  }
0x4b: {  	[sflag:s14] =	ssyncadd.s32 $0xFFFFC000  }
0x4c: {  	_ =	swait.ge [sflag:s21], $0x4000  }
0x4d: {  	[sflag:s21] =	ssyncset.done $0x0  }
0x4e: {  	[sflag:s21] =	ssyncadd.s32 $0xFFFFC000  }
0x4f: {  	[spmem:s2] =	stream.indirect.scatter.add.f32 [tilespmem:s19], [sflag:$0x4], $0x80, s23, s17, $0xb8;
	[tilespmem:$0x1E800] =	vst v63  }
0x50: {  	_ =	swait.ge [sflag:s14], $0x4000  }
0x51: {  	[sflag:s14] =	ssyncset.done $0x0  }
0x52: {  	s25 =	simm.s32 $0x0;
	[sflag:s14] =	ssyncadd.s32 $0xFFFFC000  }
0x53: {  	[tilespmem:s25], [sflag:$0x3] =	stream.linear.gather [hbm4b:s9+s25], $0x1400, $0x38;
	[tilespmem:$0x1E800] =	vst v63  }
0x54: {  	_ =	swait.ge [sflag:s15], $0x1400  }
0x55: {  	[sflag:s15] =	ssyncset.done $0x0  }
0x56: {  	[sflag:s15] =	ssyncadd.s32 $0xFFFFEC00  }
0x57: {  	[tilespmem:s16], [sflag:$0x3] =	stream.linear.gather [hbm4b:s10+s25], $0x1400, $0x38;
	[tilespmem:$0x1E800] =	vst v63  }
0x58: {  	_ =	swait.ge [sflag:s15], $0x1400  }
0x59: {  	[sflag:s15] =	ssyncset.done $0x0  }
0x5a: {  	[sflag:s15] =	ssyncadd.s32 $0xFFFFEC00  }
0x5b: {  	[tilespmem:s18], [sflag:$0x1] =	stream.indirect.gather [hbm4b:s4+s17], $0x80, s25, s17, $0xb8;
	[tilespmem:$0x1E800] =	vst v63  }
0x5c: {  	_ = 	snop  }
0x5d: {  	[tilespmem:s19], [sflag:$0x2] =	stream.indirect.gather [hbm4b:s4+s17], $0x80, s17, s17, $0xb8;
	[tilespmem:$0x1E800] =	vst v63  }
0x5e: {  	_ =	swait.ge [sflag:s20], $0x4000  }
0x5f: {  	[sflag:s20] =	ssyncset.done $0x0  }
0x60: {  	s29 =	simm.s32 $0x1400;
	[sflag:s20] =	ssyncadd.s32 $0xFFFFC000  }
0x61: {  	[spmem:s2] =	stream.indirect.scatter.add.f32 [tilespmem:s18], [sflag:$0x4], $0x80, s29, s17, $0xb8;
	[tilespmem:$0x1E800] =	vst v63  }
0x62: {  	_ =	swait.ge [sflag:s14], $0x4000  }
0x63: {  	[sflag:s14] =	ssyncset.done $0x0  }
0x64: {  	s30 =	simm.s32 $0x100;
	[sflag:s14] =	ssyncadd.s32 $0xFFFFC000  }
0x65: {  	[tilespmem:s18], [sflag:$0x1] =	stream.indirect.gather [hbm4b:s4+s17], $0x80, s30, s17, $0xb8;
	[tilespmem:$0x1E800] =	vst v63  }
0x66: {  	_ =	swait.ge [sflag:s21], $0x4000  }
0x67: {  	[sflag:s21] =	ssyncset.done $0x0  }
0x68: {  	s31 =	simm.s32 $0x1480;
	[sflag:s21] =	ssyncadd.s32 $0xFFFFC000  }
0x69: {  	[spmem:s2] =	stream.indirect.scatter.add.f32 [tilespmem:s19], [sflag:$0x4], $0x80, s31, s17, $0xb8;
	[tilespmem:$0x1E800] =	vst v63  }
0x6a: {  	_ =	swait.ge [sflag:s14], $0x4000  }
0x6b: {  	[sflag:s14] =	ssyncset.done $0x0  }
0x6c: {  	s26 =	simm.s32 $0x180;
	s25 =	simm.s32 $0x400;
	[sflag:s14] =	ssyncadd.s32 $0xFFFFC000  }
.LBB2_4:
0x6d: {  	[tilespmem:s19], [sflag:$0x2] =	stream.indirect.gather [hbm4b:s4+s17], $0x80, s26, s17, $0xb8;
	[tilespmem:$0x1E800] =	vst v63  }
0x6e: {  	s26 =	smov.u32 s25  }
0x6f: {  	p0 =	sne.s32 s25, $0x4800;
	s25 =	sadd.s32 $0x400, s25;
	_ =	swait.ge [sflag:s20], $0x4000  }
0x70: {  	s26 =	sshra.s32 s26, $0x2;
	[sflag:s20] =	ssyncset.done $0x0  }
0x71: {  	s28 =	sadd.s32 $0x1400, s26;
	[sflag:s20] =	ssyncadd.s32 $0xFFFFC000  }
0x72: {  	[spmem:s2] =	stream.indirect.scatter.add.f32 [tilespmem:s18], [sflag:$0x4], $0x80, s28, s17, $0xb8;
	[tilespmem:$0x1E800] =	vst v63  }
0x73: {  	_ =	swait.ge [sflag:s14], $0x4000  }
0x74: {  	[sflag:s14] =	ssyncset.done $0x0  }
0x75: {  	s28 =	sadd.s32 $0x100, s26;
	[sflag:s14] =	ssyncadd.s32 $0xFFFFC000  }
0x76: {  	[tilespmem:s18], [sflag:$0x1] =	stream.indirect.gather [hbm4b:s4+s17], $0x80, s28, s17, $0xb8;
	[tilespmem:$0x1E800] =	vst v63  }
0x77: {  	_ =	swait.ge [sflag:s21], $0x4000  }
0x78: {  	[sflag:s21] =	ssyncset.done $0x0  }
.Ltmp1:
0x79: {  	s28 =	sadd.s32 $0x1480, s26;
	[sflag:s21] =	ssyncadd.s32 $0xFFFFC000;
	(pc) =	sbr.rel @p0 .LBB2_4-.Ltmp1, $4  }
0x7a: {  	[spmem:s2] =	stream.indirect.scatter.add.f32 [tilespmem:s19], [sflag:$0x4], $0x80, s28, s17, $0xb8;
	[tilespmem:$0x1E800] =	vst v63  }
0x7b: {  	_ =	swait.ge [sflag:s14], $0x4000  }
0x7c: {  	[sflag:s14] =	ssyncset.done $0x0  }
0x7d: {  	s26 =	sadd.s32 $0x180, s26;
	[sflag:s14] =	ssyncadd.s32 $0xFFFFC000  }
0x7e: {  	[tilespmem:s19], [sflag:$0x2] =	stream.indirect.gather [hbm4b:s4+s17], $0x80, s26, s17, $0xb8;
	[tilespmem:$0x1E800] =	vst v63  }
0x7f: {  	_ =	swait.ge [sflag:s20], $0x4000  }
0x80: {  	[sflag:s20] =	ssyncset.done $0x0  }
0x81: {  	[sflag:s20] =	ssyncadd.s32 $0xFFFFC000  }
0x82: {  	[spmem:s2] =	stream.indirect.scatter.add.f32 [tilespmem:s18], [sflag:$0x4], $0x80, s22, s17, $0xb8;
	[tilespmem:$0x1E800] =	vst v63  }
0x83: {  	_ =	swait.ge [sflag:s14], $0x4000  }
0x84: {  	[sflag:s14] =	ssyncset.done $0x0  }
0x85: {  	[sflag:s14] =	ssyncadd.s32 $0xFFFFC000  }
0x86: {  	_ =	swait.ge [sflag:s21], $0x4000  }
0x87: {  	[sflag:s21] =	ssyncset.done $0x0  }
0x88: {  	[sflag:s21] =	ssyncadd.s32 $0xFFFFC000  }
0x89: {  	[spmem:s2] =	stream.indirect.scatter.add.f32 [tilespmem:s19], [sflag:$0x4], $0x80, s23, s17, $0xb8;
	[tilespmem:$0x1E800] =	vst v63  }
0x8a: {  	_ =	swait.ge [sflag:s14], $0x4000  }
0x8b: {  	s24 =	sadd.s32 $0x1, s24;
	[sflag:s14] =	ssyncset.done $0x0  }
0x8c: {  	p0 =	sne.s32 s24, s12;
	[sflag:s14] =	ssyncadd.s32 $0xFFFFC000  }
.Ltmp2:
0x8d: {  	[bflag:$0x0] =	sbarrier.arrive $0xFFFF;
	(pc) =	sbr.rel @p0 .LBB2_1-.Ltmp2, $4  }
0x8e: {  	[hbm:s11], [sflag:s6] =	dma.local [spmem:s13], $0x2800  }
0x8f: {  	_ =	swait.ge [sflag:s14], $0x2800  }
0x90: {  	[sflag:s14] =	ssyncset.done $0x0  }
0x91: {  	[sflag:s14] =	ssyncadd.s32 $0xFFFFD800  }
0x92: {  	_ =	sfence.sel $0x180000  }
0x93: {  	[bflag:$0x0] =	sbarrier.arrive $0xFFFF  }
0x94: {  	p0 =	sne.s32 s1, $0x0;
	_ =	strace $0x9000004D  }
0x95: {  	s0 =	sadd.s32 @!p0 $0x100000, s0;
	[bflag:$0x2] =	sbarrier.arrive $0xFFFF  }
0x96: {  	[sflag:s0] =	ssyncadd.tile.s32 @!p0 $0x1;
	_ =	shalt  }
.Lfunc_end2:
_tile_overlayer_lowered:
.L_overlay_start_2:
0x97: {  	(tag) =	ssettag $0x2  }
0x98: {  	s0 =	rddreg [dreg:$0x0];
	s2 =	stileid.u32  }
0x99: {  	s1 =	rddreg [dreg:$0x1];
	p0 =	sne.s32 s2, $0x0  }
0x9a: {  	s3 =	rddreg [dreg:$0x2];
	[bflag:$0x3] =	sbarrier.arrive $0xFFFF;
	s2 =	simm.s32 @!p0 $0x1C04  }
0x9b: {  	[timem:s3], [sflag:s2] =	dma.local @!p0 [hbm:s0], s1  }
0x9c: {  	s0 =	simm.s32 @!p0 $0x4  }
0x9d: {  	_ =	swait.ge @!p0 [sflag:s0], s1  }
0x9e: {  	s1 =	ssub.s32 @!p0 $0x0, s1;
	[sflag:s0] =	ssyncset.done @!p0 $0x0  }
0x9f: {  	[sflag:s0] =	ssyncadd.s32 @!p0 s1  }
0xa0: {  	[bflag:$0x3] =	sbarrier.arrive $0xFFFF  }
0xa1: {  	_ =	shalt  }

// kernel: kernel.19.cloned.1.call-start
scs
__scs_entry_jumppad:
0x0: {  	(pc) =	sbr.rel $0x88, $3  }
0x1: {  	(tag) =	ssettag $0x0;
	lr =	simm.s32 $0x1  }
0x2: {  	[smem:$0x3F99] =	sst lr;
	_ =	strace $0xD0000000  }
0x3: {  	_ = 	snop  }
0x4: {  	_ = 	snop  }
0x5: {  	_ = 	snop  }
0x6: {  	_ = 	snop  }
0x7: {  	_ = 	snop  }
__scs_overlays_trampoline_lowered:
0x8: {  	[smem:$0x3FA8] =	sst s0  }
0x9: {  	[smem:$0x3FA9] =	sst s1  }
0xa: {  	[smem:$0x3FAA] =	sst s2  }
0xb: {  	[smem:$0x3FAB] =	sst s3  }
0xc: {  	[smem:$0x3FAC] =	sst s4  }
0xd: {  	[smem:$0x3FAD] =	sst s5  }
0xe: {  	[smem:$0x3FAE] =	sst s6  }
0xf: {  	[smem:$0x3FAF] =	sst s7  }
0x10: {  	[smem:$0x3FB0] =	sst s8  }
0x11: {  	[smem:$0x3FB1] =	sst s9;
	s0 =	simm.s32 @!p0 $0x0  }
0x12: {  	s1 =	sld [smem:$0x3F97];
	s0 =	simm.s32 @p0 $0x1  }
0x13: {  	[smem:$0x3FB2] =	sst s0;
	s0 =	simm.s32 @!p1 $0x0  }
0x14: {  	s2 =	sld [smem:$0x3F96];
	s0 =	simm.s32 @p1 $0x1  }
0x15: {  	[smem:$0x3FB3] =	sst s0;
	s0 =	simm.s32 @!p2 $0x0  }
0x16: {  	s3 =	sld [smem:$0x3FDB];
	s0 =	simm.s32 @p2 $0x1  }
0x17: {  	s4 =	simm.s32 $0x1BF5;
	[smem:$0x3FB5] =	sst s0  }
0x18: {  	s0 =	sld [smem:$0x3F98];
	_ =	swait.ge [sflag:s4], $0x0  }
0x19: {  	s7 =	sld [smem:$0x3F99]  }
0x1a: {  	s8 =	sadd.s32 $0xFFFFE003, lr  }
0x1b: {  	s9 =	sadd.s32 $0xFFFFFEF7, lr;
	s5 =	simm.s32 $0xFFFFFFFF;
	p2 =	slt.u32 s8, $0xFFFFF086  }
0x1c: {  	p1 =	slt.u32 s9, $0xF7A;
	s5 =	simm.s32 @!p2 $0x0  }
0x1d: {  	s5 =	simm.s32 @p1 $0x1;
	p0 =	seq.s32 s7, s2  }
0x1e: {  	s7 =	smul.u32 @!p0 $0xF7A, s2;
	p2 =	seq.s32 @!p0 s5, $0x0  }
0x1f: {  	s9 =	smul.u32 $0xF7A, s1;
	s8 =	simm.s32 @!p0 $0x1BF5;
	p2 =	por !p2, p0  }
0x20: {  	[sflag:s8] =	ssyncset.s32 @!p0 $0xFFFFF086;
	s6 =	sadd.s32 @!p0 s3, s7;
	s7 =	simm.s32 @!p0 $0x108  }
0x21: {  	s3 =	sadd.s32 s3, s9;
	s6 =	sadd.s32 @!p0 $0x88, s6;
	s7 =	simm.s32 @p2 $0x1082  }
0x22: {  	[simem:s7], [sflag:s8] =	dma.local @!p0 [hbm:s6], $0xF7A  }
0x23: {  	s9 =	sor.u32 $0xD0000000, s2;
	s6 =	simm.s32 $0x108;
	_ =	swait.ge @!p0 [sflag:s8], $0x0  }
0x24: {  	s3 =	sadd.s32 $0x88, s3;
	s6 =	simm.s32 @!p1 $0x1082;
	[sflag:s4] =	ssyncset.s32 $0xFFFFF086  }
0x25: {  	[simem:s6], [sflag:s4] =	dma.local [hbm:s3], $0xF7A  }
0x26: {  	[smem:$0x3F99] =	sst s1;
	(tag) =	ssettag s2;
	_ =	strace s9  }
0x27: {  	s1 =	sld [smem:$0x3FA9]  }
0x28: {  	s2 =	sld [smem:$0x3FAA]  }
0x29: {  	s4 =	sld [smem:$0x3FAC]  }
0x2a: {  	p0 =	seq.s32 s5, $0x0;
	s5 =	sld [smem:$0x3FAD]  }
0x2b: {  	s6 =	sld [smem:$0x3FAE]  }
0x2c: {  	s7 =	sld [smem:$0x3FAF]  }
0x2d: {  	s3 =	simm.s32 $0x108;
	s8 =	sld [smem:$0x3FB0]  }
0x2e: {  	s3 =	simm.s32 @!p0 $0x1082;
	s9 =	sld [smem:$0x3FB1]  }
0x2f: {  	lr =	sadd.s32 s0, s3;
	s0 =	sld [smem:$0x3FA8]  }
0x30: {  	s3 =	sld [smem:$0x3FAB]  }
0x31: {  	[smem:$0x3FB4] =	sst s10  }
0x32: {  	s10 =	sld [smem:$0x3FB2];
	_ =	sdelay $0x3  }
0x33: {  	p0 =	seq.s32 s10, $0x1;
	s10 =	sld [smem:$0x3FB4];
	_ =	sdelay $0x3  }
0x34: {  	[smem:$0x3FB4] =	sst s10  }
0x35: {  	s10 =	sld [smem:$0x3FB3];
	_ =	sdelay $0x3  }
0x36: {  	p1 =	seq.s32 s10, $0x1;
	s10 =	sld [smem:$0x3FB4];
	_ =	sdelay $0x3  }
0x37: {  	[smem:$0x3FB4] =	sst s10  }
0x38: {  	s10 =	sld [smem:$0x3FB5]  }
0x39: {  	_ = 	snop;
	(pc) =	sbr.ind lr, $3  }
0x3a: {  	_ = 	snop  }
0x3b: {  	_ = 	snop  }
0x3c: {  	p2 =	seq.s32 s10, $0x1;
	s10 =	sld [smem:$0x3FB4]  }
0x3d: {  	_ =	shalt  }
0x3e: {  	_ =	shalt  }
0x3f: {  	_ =	shalt  }
0x40: {  	_ =	shalt  }
0x41: {  	_ =	shalt  }
0x42: {  	_ =	shalt  }
0x43: {  	_ =	shalt  }
0x44: {  	_ =	shalt  }
0x45: {  	_ =	shalt  }
0x46: {  	_ =	shalt  }
0x47: {  	_ =	shalt  }
0x48: {  	_ =	shalt  }
0x49: {  	_ =	shalt  }
0x4a: {  	_ =	shalt  }
0x4b: {  	_ =	shalt  }
0x4c: {  	_ =	shalt  }
0x4d: {  	_ =	shalt  }
0x4e: {  	_ =	shalt  }
0x4f: {  	_ =	shalt  }
0x50: {  	_ =	shalt  }
0x51: {  	_ =	shalt  }
0x52: {  	_ =	shalt  }
0x53: {  	_ =	shalt  }
0x54: {  	_ =	shalt  }
0x55: {  	_ =	shalt  }
0x56: {  	_ =	shalt  }
0x57: {  	_ =	shalt  }
0x58: {  	_ =	shalt  }
0x59: {  	_ =	shalt  }
0x5a: {  	_ =	shalt  }
0x5b: {  	_ =	shalt  }
0x5c: {  	_ =	shalt  }
0x5d: {  	_ =	shalt  }
0x5e: {  	_ =	shalt  }
0x5f: {  	_ =	shalt  }
0x60: {  	_ =	shalt  }
0x61: {  	_ =	shalt  }
0x62: {  	_ =	shalt  }
0x63: {  	_ =	shalt  }
0x64: {  	_ =	shalt  }
0x65: {  	_ =	shalt  }
0x66: {  	_ =	shalt  }
0x67: {  	_ =	shalt  }
0x68: {  	_ =	shalt  }
0x69: {  	_ =	shalt  }
0x6a: {  	_ =	shalt  }
0x6b: {  	_ =	shalt  }
0x6c: {  	_ =	shalt  }
0x6d: {  	_ =	shalt  }
0x6e: {  	_ =	shalt  }
0x6f: {  	_ =	shalt  }
0x70: {  	_ =	shalt  }
0x71: {  	_ =	shalt  }
0x72: {  	_ =	shalt  }
0x73: {  	_ =	shalt  }
0x74: {  	_ =	shalt  }
0x75: {  	_ =	shalt  }
0x76: {  	_ =	shalt  }
0x77: {  	_ =	shalt  }
0x78: {  	_ =	shalt  }
0x79: {  	_ =	shalt  }
0x7a: {  	_ =	shalt  }
0x7b: {  	_ =	shalt  }
0x7c: {  	_ =	shalt  }
0x7d: {  	_ =	shalt  }
0x7e: {  	_ =	shalt  }
0x7f: {  	_ =	shalt  }
0x80: {  	_ =	shalt  }
0x81: {  	_ =	shalt  }
0x82: {  	_ =	shalt  }
0x83: {  	_ =	shalt  }
0x84: {  	_ =	shalt  }
0x85: {  	_ =	shalt  }
0x86: {  	_ =	shalt  }
0x87: {  	_ =	shalt  }
.Lfunc_end0:
.L_simem_size_0:
called_computation.3_lowered:
.L_overlay_start_0:
0x88: {  	s2 =	sld [smem:$0x3FD9]  }
0x89: {  	s3 =	sld [smem:$0x3FFE];
	_ =	sdelay $0x1  }
0x8a: {  	s1 =	srdreg.scid  }
0x8b: {  	s0 =	sand.u32 $0x1, s1  }
0x8c: {  	s17 =	sshll.u32 s0, $0xA;
	s2 =	sadd.s32 s3, s2  }
0x8d: {  	s2 =	sadd.s32 s2, s17  }
0x8e: {  	[smem:$0x3FC0] =	sst s2  }
0x8f: {  	_ = 	snop  }
0x90: {  	s2 =	sld [smem:$0x3FD0];
	(tm) =	ssettm $0x1  }
0x91: {  	s18 =	sld [smem:$0x3FFB];
	_ =	sdelay $0x3  }
0x92: {  	_ =	strace s18  }
0x93: {  	s3 =	sld [smem:$0x3FFC];
	_ =	sdelay $0x3  }
0x94: {  	_ =	strace s3  }
0x95: {  	s3 =	sld [smem:$0x3FFD];
	_ =	sdelay $0x3  }
0x96: {  	_ =	strace s3  }
0x97: {  	_ =	strace $0x8FFFFFFF  }
0x98: {  	s19 =	sld [smem:$0x3FDB];
	_ =	sdelay $0x1  }
0x99: {  	s4 =	simm.s32 $_scs_section_size  }
0x9a: {  	s5 =	simm.s32 $_size__tile_overlayer_lowered;
	s6 =	simm.s32 $_tile_overlayer_lowered  }
0x9b: {  	s22 =	simm.s32 $0x1BFF;
	s21 =	sshll.u32 s6, $0x1;
	s3 =	sadd.s32 s4, s19  }
0x9c: {  	s7 =	simm.s32 $0x0;
	s20 =	sshll.u32 s5, $0x1;
	s5 =	sadd.s32 s21, s3  }
0x9d: {  	[timem:s7], [sflag:s22] =	dma.local [hbm:s5], s20  }
0x9e: {  	_ =	swait.ge [sflag:s22], s20  }
0x9f: {  	s4 =	ssub.s32 $0x0, s20;
	[sflag:s22] =	ssyncset.done $0x0  }
0xa0: {  	[sflag:s22] =	ssyncadd.s32 s4;
	_ =	sdelay $0x1  }
0xa1: {  	s23 =	simm.s32 $0x1B8B  }
0xa2: {  	_ =	swait.ge [sflag:s23], $0x1  }
0xa3: {  	[sflag:s23] =	ssyncset.done $0x0  }
0xa4: {  	s25 =	simm.s32 $0x1B8E;
	s24 =	sld [smem:$0x3FFE];
	[sflag:s23] =	ssyncadd.s32 $0xFFFFFFFF  }
0xa5: {  	s26 =	simm.s32 $execute0_lowered;
	[smem:$0x3FD2] =	sst s25  }
0xa6: {  	s5 =	sshll.u32 s26, $0x1;
	_ =	strace $0x8000004F;
	[dreg:$0x1] =	wrdreg $0xFFFFFFFF  }
0xa7: {  	s28 =	simm.s32 $_size_execute0_lowered;
	s3 =	sadd.s32 s3, s5;
	[dreg:$0x0] =	wrdreg $0x0  }
0xa8: {  	s5 =	sshll.u32 s28, $0x1;
	[dreg:$0x2] =	wrdreg s3  }
0xa9: {  	[dreg:$0x3] =	wrdreg s5  }
0xaa: {  	[dreg:$0x4] =	wrdreg $0xC0  }
0xab: {  	_ =	task [dreg:s7], $0x5FFFF  }
0xac: {  	[dreg:$0x1] =	wrdreg $0xFFFFFFFF  }
0xad: {  	[dreg:$0x0] =	wrdreg $0x60  }
0xae: {  	[dreg:$0x2] =	wrdreg s24  }
0xaf: {  	[dreg:$0x3] =	wrdreg s2  }
0xb0: {  	[dreg:$0x4] =	wrdreg $0xA8000  }
0xb1: {  	[dreg:$0x5] =	wrdreg $0x9  }
0xb2: {  	_ =	task.clear_ibuf [dreg:s7], $0x6FFFF;
	_ =	strace $0x9000004F  }
0xb3: {  	s29 =	simm.s32 $0x9;
	_ =	strace $0x80000051  }
0xb4: {  	_ =	swait.ge [sflag:s29], $0x1  }
0xb5: {  	[sflag:s29] =	ssyncadd.s32 $0xFFFFFFFF  }
0xb6: {  	_ =	strace $0x90000051  }
0xb7: {  	_ =	sfence  }
0xb8: {  	s30 =	sld [smem:$0x0];
	_ =	sdelay $0x2  }
0xb9: {  	s31 =	sshll.u32 s1, $0xD;
	s1 =	sshrl.u32 s1, $0x2  }
0xba: {  	s3 =	sand.u32 $0x4000, s31;
	s1 =	sadd.s32 s1, s30  }
0xbb: {  	s0 =	sor.u32 s3, s0;
	s1 =	sshll.u32 s1, $0x11  }
0xbc: {  	s0 =	sor.u32 s1, s0  }
0xbd: {  	s0 =	sadd.s32 $0x8F2B, s0  }
0xbe: {  	[sflag:s0] =	ssyncadd.remote.s32 $0x1  }
0xbf: {  	_ =	sfence.sel $0xFFFF  }
0xc0: {  	[dreg:$0x0] =	wrdreg $0xFFFFFFFF;
	(pc) =	sbr.abs _section_cstart, $3  }
0xc1: {  	[dreg:$0x1] =	wrdreg $0xFFFFFFFF  }
0xc2: {  	_ =	task.clear_ibuf [dreg:s7], $0x2FFFF;
	_ =	strace $0x9FFFFFFF  }
0xc3: {  	(tm) =	ssettm $0x7FFFFFFF  }
tec
execute0_lowered:
.L_overlay_start_1:
0x0: {  	(tag) =	ssettag $0x1  }
0x1: {  	s5 =	rddreg [dreg:$0x0]  }
0x2: {  	s10 =	rddreg [dreg:$0x1]  }
0x3: {  	s2 =	rddreg [dreg:$0x2]  }
0x4: {  	s0 =	rddreg [dreg:$0x3];
	s3 =	simm.s32 $0x0;
	s1 =	stileid.u32  }
0x5: {  	s4 =	srdreg.scid;
	s16 =	simm.s32 $0x1400;
	s17 =	simm.s32 $0x80  }
0x6: {  	s18 =	simm.s32 $0x2800;
	s19 =	simm.s32 $0x6800;
	s20 =	simm.s32 $0x1  }
0x7: {  	s21 =	simm.s32 $0x2;
	s22 =	simm.s32 $0x2700;
	s23 =	simm.s32 $0x2780  }
0x8: {  	s24 =	simm.s32 $0x0;
	[smem:$0x7FF] =	sst s3;
	s6 =	smul.u32 $0x14000, s1  }
0x9: {  	s7 =	sand.u32 $0x1, s4;
	s4 =	sadd.s32 $0x34C00, s5;
	s9 =	sadd.s32 $0x2C00, s5  }
0xa: {  	s12 =	smul.u32 $0x50000, s1;
	s30 =	sshll.u32 s1, $0x6;
	_ =	strace $0x80000050  }
0xb: {  	s8 =	smul.u32 $0x140000, s7;
	s28 =	sshll.u32 s7, $0x4;
	s7 =	ssub.s32 $0x2, s7  }
0xc: {  	s11 =	sshrl.u32 s6, $0x3;
	s13 =	sshrl.u32 s7, $0x1;
	s29 =	sshrl.u32 s12, $0x2  }
0xd: {  	s11 =	sadd.s32 s11, s5;
	s6 =	sadd.s32 s6, s8;
	s8 =	sor.u32 s1, s28  }
0xe: {  	s13 =	ssub.s32 s7, s13;
	s15 =	sadd.s32 s29, s2;
	s6 =	sshrl.u32 s6, $0x3  }
0xf: {  	s8 =	smul.u32 $0x2800, s8;
	s12 =	smax.u32 s13, $0x1;
	s13 =	sshrl.u32 s15, $0x3  }
0x10: {  	s15 =	simm.s32 $0x3;
	s14 =	sadd.s32 s6, s5;
	s5 =	sadd.s32 $0xCC00, s11  }
0x11: {  	s6 =	sor.u32 $0x1C04, s30;
	s8 =	sshrl.u32 s8, $0x3;
	s11 =	sadd.s32 $0x5CC00, s14  }
0x12: {  	s14 =	simm.s32 $0x4;
	s31 =	sadd.s32 $0x280, s8;
	s7 =	sadd.s32 s9, s8  }
0x13: {  	s8 =	sadd.s32 s10, s8;
	s9 =	sadd.s32 s9, s31;
	s10 =	sadd.s32 s10, s31  }
.LBB2_1:
0x14: {  	[spmem:s13], [sflag:s6] =	dma.local [hbm:s5], $0x2800  }
0x15: {  	_ =	swait.ge [sflag:s14], $0x2800  }
0x16: {  	[sflag:s14] =	ssyncset.done $0x0  }
0x17: {  	[sflag:s14] =	ssyncadd.s32 $0xFFFFD800  }
0x18: {  	[bflag:$0x0] =	sbarrier.arrive $0xFFFF  }
0x19: {  	[tilespmem:s3], [sflag:$0x3] =	stream.linear.gather [hbm4b:s7+s3], $0x1400, $0x38;
	[tilespmem:$0x1E800] =	vst v63  }
0x1a: {  	_ =	swait.ge [sflag:s15], $0x1400  }
0x1b: {  	[sflag:s15] =	ssyncset.done $0x0  }
0x1c: {  	[sflag:s15] =	ssyncadd.s32 $0xFFFFEC00  }
0x1d: {  	[tilespmem:s16], [sflag:$0x3] =	stream.linear.gather [hbm4b:s8+s3], $0x1400, $0x38;
	[tilespmem:$0x1E800] =	vst v63  }
0x1e: {  	_ =	swait.ge [sflag:s15], $0x1400  }
0x1f: {  	[sflag:s15] =	ssyncset.done $0x0  }
0x20: {  	[sflag:s15] =	ssyncadd.s32 $0xFFFFEC00  }
0x21: {  	[tilespmem:s18], [sflag:$0x1] =	stream.indirect.gather [hbm4b:s4+s17], $0x80, s3, s17, $0xb8;
	[tilespmem:$0x1E800] =	vst v63  }
0x22: {  	_ = 	snop  }
0x23: {  	[tilespmem:s19], [sflag:$0x2] =	stream.indirect.gather [hbm4b:s4+s17], $0x80, s17, s17, $0xb8;
	[tilespmem:$0x1E800] =	vst v63  }
0x24: {  	_ =	swait.ge [sflag:s20], $0x4000  }
0x25: {  	[sflag:s20] =	ssyncset.done $0x0  }
0x26: {  	s25 =	simm.s32 $0x1400;
	[sflag:s20] =	ssyncadd.s32 $0xFFFFC000  }
0x27: {  	[spmem:s2] =	stream.indirect.scatter.add.f32 [tilespmem:s18], [sflag:$0x4], $0x80, s25, s17, $0xb8;
	[tilespmem:$0x1E800] =	vst v63  }
0x28: {  	_ =	swait.ge [sflag:s14], $0x4000  }
0x29: {  	[sflag:s14] =	ssyncset.done $0x0  }
0x2a: {  	s30 =	simm.s32 $0x100;
	[sflag:s14] =	ssyncadd.s32 $0xFFFFC000  }
0x2b: {  	[tilespmem:s18], [sflag:$0x1] =	stream.indirect.gather [hbm4b:s4+s17], $0x80, s30, s17, $0xb8;
	[tilespmem:$0x1E800] =	vst v63  }
0x2c: {  	_ =	swait.ge [sflag:s21], $0x4000  }
0x2d: {  	[sflag:s21] =	ssyncset.done $0x0  }
0x2e: {  	s31 =	simm.s32 $0x1480;
	[sflag:s21] =	ssyncadd.s32 $0xFFFFC000  }
0x2f: {  	[spmem:s2] =	stream.indirect.scatter.add.f32 [tilespmem:s19], [sflag:$0x4], $0x80, s31, s17, $0xb8;
	[tilespmem:$0x1E800] =	vst v63  }
0x30: {  	_ =	swait.ge [sflag:s14], $0x4000  }
0x31: {  	[sflag:s14] =	ssyncset.done $0x0  }
0x32: {  	s26 =	simm.s32 $0x180;
	s25 =	simm.s32 $0x400;
	[sflag:s14] =	ssyncadd.s32 $0xFFFFC000  }
.LBB2_2:
0x33: {  	[tilespmem:s19], [sflag:$0x2] =	stream.indirect.gather [hbm4b:s4+s17], $0x80, s26, s17, $0xb8;
	[tilespmem:$0x1E800] =	vst v63  }
0x34: {  	s26 =	smov.u32 s25  }
0x35: {  	p0 =	sne.s32 s25, $0x4800;
	s25 =	sadd.s32 $0x400, s25;
	_ =	swait.ge [sflag:s20], $0x4000  }
0x36: {  	s26 =	sshra.s32 s26, $0x2;
	[sflag:s20] =	ssyncset.done $0x0  }
0x37: {  	s28 =	sadd.s32 $0x1400, s26;
	[sflag:s20] =	ssyncadd.s32 $0xFFFFC000  }
0x38: {  	[spmem:s2] =	stream.indirect.scatter.add.f32 [tilespmem:s18], [sflag:$0x4], $0x80, s28, s17, $0xb8;
	[tilespmem:$0x1E800] =	vst v63  }
0x39: {  	_ =	swait.ge [sflag:s14], $0x4000  }
0x3a: {  	[sflag:s14] =	ssyncset.done $0x0  }
0x3b: {  	s28 =	sadd.s32 $0x100, s26;
	[sflag:s14] =	ssyncadd.s32 $0xFFFFC000  }
0x3c: {  	[tilespmem:s18], [sflag:$0x1] =	stream.indirect.gather [hbm4b:s4+s17], $0x80, s28, s17, $0xb8;
	[tilespmem:$0x1E800] =	vst v63  }
0x3d: {  	_ =	swait.ge [sflag:s21], $0x4000  }
0x3e: {  	[sflag:s21] =	ssyncset.done $0x0  }
.Ltmp0:
0x3f: {  	s28 =	sadd.s32 $0x1480, s26;
	[sflag:s21] =	ssyncadd.s32 $0xFFFFC000;
	(pc) =	sbr.rel @p0 .LBB2_2-.Ltmp0, $4  }
0x40: {  	[spmem:s2] =	stream.indirect.scatter.add.f32 [tilespmem:s19], [sflag:$0x4], $0x80, s28, s17, $0xb8;
	[tilespmem:$0x1E800] =	vst v63  }
0x41: {  	_ =	swait.ge [sflag:s14], $0x4000  }
0x42: {  	[sflag:s14] =	ssyncset.done $0x0  }
0x43: {  	s26 =	sadd.s32 $0x180, s26;
	[sflag:s14] =	ssyncadd.s32 $0xFFFFC000  }
0x44: {  	[tilespmem:s19], [sflag:$0x2] =	stream.indirect.gather [hbm4b:s4+s17], $0x80, s26, s17, $0xb8;
	[tilespmem:$0x1E800] =	vst v63  }
0x45: {  	_ =	swait.ge [sflag:s20], $0x4000  }
0x46: {  	[sflag:s20] =	ssyncset.done $0x0  }
0x47: {  	[sflag:s20] =	ssyncadd.s32 $0xFFFFC000  }
0x48: {  	[spmem:s2] =	stream.indirect.scatter.add.f32 [tilespmem:s18], [sflag:$0x4], $0x80, s22, s17, $0xb8;
	[tilespmem:$0x1E800] =	vst v63  }
0x49: {  	_ =	swait.ge [sflag:s14], $0x4000  }
0x4a: {  	[sflag:s14] =	ssyncset.done $0x0  }
0x4b: {  	[sflag:s14] =	ssyncadd.s32 $0xFFFFC000  }
0x4c: {  	_ =	swait.ge [sflag:s21], $0x4000  }
0x4d: {  	[sflag:s21] =	ssyncset.done $0x0  }
0x4e: {  	[sflag:s21] =	ssyncadd.s32 $0xFFFFC000  }
0x4f: {  	[spmem:s2] =	stream.indirect.scatter.add.f32 [tilespmem:s19], [sflag:$0x4], $0x80, s23, s17, $0xb8;
	[tilespmem:$0x1E800] =	vst v63  }
0x50: {  	_ =	swait.ge [sflag:s14], $0x4000  }
0x51: {  	[sflag:s14] =	ssyncset.done $0x0  }
0x52: {  	s25 =	simm.s32 $0x0;
	[sflag:s14] =	ssyncadd.s32 $0xFFFFC000  }
0x53: {  	[tilespmem:s25], [sflag:$0x3] =	stream.linear.gather [hbm4b:s9+s25], $0x1400, $0x38;
	[tilespmem:$0x1E800] =	vst v63  }
0x54: {  	_ =	swait.ge [sflag:s15], $0x1400  }
0x55: {  	[sflag:s15] =	ssyncset.done $0x0  }
0x56: {  	[sflag:s15] =	ssyncadd.s32 $0xFFFFEC00  }
0x57: {  	[tilespmem:s16], [sflag:$0x3] =	stream.linear.gather [hbm4b:s10+s25], $0x1400, $0x38;
	[tilespmem:$0x1E800] =	vst v63  }
0x58: {  	_ =	swait.ge [sflag:s15], $0x1400  }
0x59: {  	[sflag:s15] =	ssyncset.done $0x0  }
0x5a: {  	[sflag:s15] =	ssyncadd.s32 $0xFFFFEC00  }
0x5b: {  	[tilespmem:s18], [sflag:$0x1] =	stream.indirect.gather [hbm4b:s4+s17], $0x80, s25, s17, $0xb8;
	[tilespmem:$0x1E800] =	vst v63  }
0x5c: {  	_ = 	snop  }
0x5d: {  	[tilespmem:s19], [sflag:$0x2] =	stream.indirect.gather [hbm4b:s4+s17], $0x80, s17, s17, $0xb8;
	[tilespmem:$0x1E800] =	vst v63  }
0x5e: {  	_ =	swait.ge [sflag:s20], $0x4000  }
0x5f: {  	[sflag:s20] =	ssyncset.done $0x0  }
0x60: {  	s29 =	simm.s32 $0x1400;
	[sflag:s20] =	ssyncadd.s32 $0xFFFFC000  }
0x61: {  	[spmem:s2] =	stream.indirect.scatter.add.f32 [tilespmem:s18], [sflag:$0x4], $0x80, s29, s17, $0xb8;
	[tilespmem:$0x1E800] =	vst v63  }
0x62: {  	_ =	swait.ge [sflag:s14], $0x4000  }
0x63: {  	[sflag:s14] =	ssyncset.done $0x0  }
0x64: {  	s30 =	simm.s32 $0x100;
	[sflag:s14] =	ssyncadd.s32 $0xFFFFC000  }
0x65: {  	[tilespmem:s18], [sflag:$0x1] =	stream.indirect.gather [hbm4b:s4+s17], $0x80, s30, s17, $0xb8;
	[tilespmem:$0x1E800] =	vst v63  }
0x66: {  	_ =	swait.ge [sflag:s21], $0x4000  }
0x67: {  	[sflag:s21] =	ssyncset.done $0x0  }
0x68: {  	s31 =	simm.s32 $0x1480;
	[sflag:s21] =	ssyncadd.s32 $0xFFFFC000  }
0x69: {  	[spmem:s2] =	stream.indirect.scatter.add.f32 [tilespmem:s19], [sflag:$0x4], $0x80, s31, s17, $0xb8;
	[tilespmem:$0x1E800] =	vst v63  }
0x6a: {  	_ =	swait.ge [sflag:s14], $0x4000  }
0x6b: {  	[sflag:s14] =	ssyncset.done $0x0  }
0x6c: {  	s26 =	simm.s32 $0x180;
	s25 =	simm.s32 $0x400;
	[sflag:s14] =	ssyncadd.s32 $0xFFFFC000  }
.LBB2_4:
0x6d: {  	[tilespmem:s19], [sflag:$0x2] =	stream.indirect.gather [hbm4b:s4+s17], $0x80, s26, s17, $0xb8;
	[tilespmem:$0x1E800] =	vst v63  }
0x6e: {  	s26 =	smov.u32 s25  }
0x6f: {  	p0 =	sne.s32 s25, $0x4800;
	s25 =	sadd.s32 $0x400, s25;
	_ =	swait.ge [sflag:s20], $0x4000  }
0x70: {  	s26 =	sshra.s32 s26, $0x2;
	[sflag:s20] =	ssyncset.done $0x0  }
0x71: {  	s28 =	sadd.s32 $0x1400, s26;
	[sflag:s20] =	ssyncadd.s32 $0xFFFFC000  }
0x72: {  	[spmem:s2] =	stream.indirect.scatter.add.f32 [tilespmem:s18], [sflag:$0x4], $0x80, s28, s17, $0xb8;
	[tilespmem:$0x1E800] =	vst v63  }
0x73: {  	_ =	swait.ge [sflag:s14], $0x4000  }
0x74: {  	[sflag:s14] =	ssyncset.done $0x0  }
0x75: {  	s28 =	sadd.s32 $0x100, s26;
	[sflag:s14] =	ssyncadd.s32 $0xFFFFC000  }
0x76: {  	[tilespmem:s18], [sflag:$0x1] =	stream.indirect.gather [hbm4b:s4+s17], $0x80, s28, s17, $0xb8;
	[tilespmem:$0x1E800] =	vst v63  }
0x77: {  	_ =	swait.ge [sflag:s21], $0x4000  }
0x78: {  	[sflag:s21] =	ssyncset.done $0x0  }
.Ltmp1:
0x79: {  	s28 =	sadd.s32 $0x1480, s26;
	[sflag:s21] =	ssyncadd.s32 $0xFFFFC000;
	(pc) =	sbr.rel @p0 .LBB2_4-.Ltmp1, $4  }
0x7a: {  	[spmem:s2] =	stream.indirect.scatter.add.f32 [tilespmem:s19], [sflag:$0x4], $0x80, s28, s17, $0xb8;
	[tilespmem:$0x1E800] =	vst v63  }
0x7b: {  	_ =	swait.ge [sflag:s14], $0x4000  }
0x7c: {  	[sflag:s14] =	ssyncset.done $0x0  }
0x7d: {  	s26 =	sadd.s32 $0x180, s26;
	[sflag:s14] =	ssyncadd.s32 $0xFFFFC000  }
0x7e: {  	[tilespmem:s19], [sflag:$0x2] =	stream.indirect.gather [hbm4b:s4+s17], $0x80, s26, s17, $0xb8;
	[tilespmem:$0x1E800] =	vst v63  }
0x7f: {  	_ =	swait.ge [sflag:s20], $0x4000  }
0x80: {  	[sflag:s20] =	ssyncset.done $0x0  }
0x81: {  	[sflag:s20] =	ssyncadd.s32 $0xFFFFC000  }
0x82: {  	[spmem:s2] =	stream.indirect.scatter.add.f32 [tilespmem:s18], [sflag:$0x4], $0x80, s22, s17, $0xb8;
	[tilespmem:$0x1E800] =	vst v63  }
0x83: {  	_ =	swait.ge [sflag:s14], $0x4000  }
0x84: {  	[sflag:s14] =	ssyncset.done $0x0  }
0x85: {  	[sflag:s14] =	ssyncadd.s32 $0xFFFFC000  }
0x86: {  	_ =	swait.ge [sflag:s21], $0x4000  }
0x87: {  	[sflag:s21] =	ssyncset.done $0x0  }
0x88: {  	[sflag:s21] =	ssyncadd.s32 $0xFFFFC000  }
0x89: {  	[spmem:s2] =	stream.indirect.scatter.add.f32 [tilespmem:s19], [sflag:$0x4], $0x80, s23, s17, $0xb8;
	[tilespmem:$0x1E800] =	vst v63  }
0x8a: {  	_ =	swait.ge [sflag:s14], $0x4000  }
0x8b: {  	s24 =	sadd.s32 $0x1, s24;
	[sflag:s14] =	ssyncset.done $0x0  }
0x8c: {  	p0 =	sne.s32 s24, s12;
	[sflag:s14] =	ssyncadd.s32 $0xFFFFC000  }
.Ltmp2:
0x8d: {  	[bflag:$0x0] =	sbarrier.arrive $0xFFFF;
	(pc) =	sbr.rel @p0 .LBB2_1-.Ltmp2, $4  }
0x8e: {  	[hbm:s11], [sflag:s6] =	dma.local [spmem:s13], $0x2800  }
0x8f: {  	_ =	swait.ge [sflag:s14], $0x2800  }
0x90: {  	[sflag:s14] =	ssyncset.done $0x0  }
0x91: {  	[sflag:s14] =	ssyncadd.s32 $0xFFFFD800  }
0x92: {  	_ =	sfence.sel $0x180000  }
0x93: {  	[bflag:$0x0] =	sbarrier.arrive $0xFFFF  }
0x94: {  	p0 =	sne.s32 s1, $0x0;
	_ =	strace $0x90000050  }
0x95: {  	s0 =	sadd.s32 @!p0 $0x100000, s0;
	[bflag:$0x2] =	sbarrier.arrive $0xFFFF  }
0x96: {  	[sflag:s0] =	ssyncadd.tile.s32 @!p0 $0x1;
	_ =	shalt  }
.Lfunc_end2:
_tile_overlayer_lowered:
.L_overlay_start_2:
0x97: {  	(tag) =	ssettag $0x2  }
0x98: {  	s0 =	rddreg [dreg:$0x0];
	s2 =	stileid.u32  }
0x99: {  	s1 =	rddreg [dreg:$0x1];
	p0 =	sne.s32 s2, $0x0  }
0x9a: {  	s3 =	rddreg [dreg:$0x2];
	[bflag:$0x3] =	sbarrier.arrive $0xFFFF;
	s2 =	simm.s32 @!p0 $0x1C04  }
0x9b: {  	[timem:s3], [sflag:s2] =	dma.local @!p0 [hbm:s0], s1  }
0x9c: {  	s0 =	simm.s32 @!p0 $0x4  }
0x9d: {  	_ =	swait.ge @!p0 [sflag:s0], s1  }
0x9e: {  	s1 =	ssub.s32 @!p0 $0x0, s1;
	[sflag:s0] =	ssyncset.done @!p0 $0x0  }
0x9f: {  	[sflag:s0] =	ssyncadd.s32 @!p0 s1  }
0xa0: {  	[bflag:$0x3] =	sbarrier.arrive $0xFFFF  }
0xa1: {  	_ =	shalt  }

</sc_bundles>
